<compile_context>
chip_gen: v7x
topology: tpu7x:2x2x1
jax: 0.10.2.dev20260603
libtpu: 0.0.44.dev20260713+nightly
codegen_flags: <defaults>
</compile_context>

<pallas_src>
import functools

import jax
import jax.numpy as jnp
from jax import lax
from jax.experimental import pallas as pl
from jax.experimental.pallas import tpu as pltpu
from jax.experimental.pallas import tpu_sc as plsc

GRID_RES = 128
GRID_DIM = 8
NUM_EMBEDDINGS = 12000
EMBEDDING_DIM = 8
TABLE_SIZE_ = NUM_EMBEDDINGS * GRID_DIM ** 3
RES_ = GRID_RES * GRID_DIM
HI_ = float(RES_ - 1 - 1e-5)
SCALE_ = 0.5 * (RES_ - 1)
K2_ = 2654435761
K3_ = 805459861

NC = 2
NS = 16
NW = NC * NS
L = 16

C = 512
NR = 8 * C
NSTREAM = NR // 128

CORNERS = [(dx, dy, dz) for dx in (0, 1) for dy in (0, 1) for dz in (0, 1)]

Bt = 4096


K2S_ = K2_ - 2 ** 32
K3S_ = K3_
TWO32_ = float(2 ** 32)
RCP_T_ = 1.0 / TABLE_SIZE_


def _vfull(val, dtype=jnp.float32):
    return jnp.full((16,), val, dtype)


def _dims(v):
    p_raw = (v + 1.0) * 0.5 * float(RES_ - 1)
    p = jnp.minimum(jnp.maximum(p_raw, 0.0), jnp.float32(HI_))
    i0 = p.astype(jnp.int32)
    fr = p - i0.astype(jnp.float32)
    i1 = jnp.minimum(i0 + 1, RES_ - 1)
    s = jnp.where((p_raw >= 0.0) & (p_raw <= jnp.float32(HI_)),
                  _vfull(SCALE_), _vfull(0.0))
    return i0, i1, fr, s


def _hash_mod(hx, hy, hz):
    h = hx ^ (hy * jnp.int32(K2S_)) ^ (hz * jnp.int32(K3S_))
    uh = h.astype(jnp.float32) + jnp.where(h < 0, _vfull(TWO32_), _vfull(0.0))
    q = (uh * jnp.float32(RCP_T_)).astype(jnp.int32)
    r = h - q * jnp.int32(TABLE_SIZE_)
    r = r + jnp.where(r < 0, _vfull(TABLE_SIZE_, jnp.int32),
                      _vfull(0, jnp.int32))
    r = r - jnp.where(r >= TABLE_SIZE_, _vfull(TABLE_SIZE_, jnp.int32),
                      _vfull(0, jnp.int32))
    return r


BPT = (TABLE_SIZE_ // 128) // NW
NBLK = 15


def _sc_transpose_body(tin, tout, in_v, out_v):
    cid = lax.axis_index("c")
    sid = lax.axis_index("s")
    wid = sid * NC + cid
    lanes = lax.iota(jnp.int32, 16)

    @pl.loop(0, BPT // NBLK)
    def _ch(k):
        b0 = wid * BPT + k * NBLK
        pltpu.sync_copy(tin.at[pl.ds(b0 * 1024, NBLK * 1024)], in_v)

        @pl.loop(0, NBLK * 8)
        def _g(g):
            eb = g // 8
            o = (g % 8) * 16
            for d in range(8):
                t = in_v[pl.ds(eb * 1024 + d * 128 + o, 16)]
                plsc.store_scatter(out_v, [(eb * 128 + o + lanes) * 8 + d], t)

        pltpu.sync_copy(out_v, tout.at[pl.ds(b0 * 1024, NBLK * 1024)])


def _sc_body(x_hbm, y_hbm, z_hbm, table_hbm, feats_hbm, mask_hbm,
             pos_v, idx_v, rows_v, out_v, mask_v, gsem, *, k_chunks, n_pad):
    cid = lax.axis_index("c")
    sid = lax.axis_index("s")
    wid = sid * NC + cid
    lanes = lax.iota(jnp.int32, 16)

    @pl.loop(0, k_chunks)
    def _chunk(k):
        base = (wid * k_chunks + k) * C
        pltpu.sync_copy(x_hbm.at[pl.ds(base, C)], pos_v.at[pl.ds(0, C)])
        pltpu.sync_copy(y_hbm.at[pl.ds(base, C)], pos_v.at[pl.ds(C, C)])
        pltpu.sync_copy(z_hbm.at[pl.ds(base, C)], pos_v.at[pl.ds(2 * C, C)])

        def _xyz(o):
            x = pos_v[pl.ds(o, 16)]
            y = pos_v[pl.ds(C + o, 16)]
            z = pos_v[pl.ds(2 * C + o, 16)]
            return x, y, z

        @pl.loop(0, C // 16)
        def _grp1(g):
            o = g * 16
            x, y, z = _xyz(o)
            ix0, ix1, _, _ = _dims(x)
            iy0, iy1, _, _ = _dims(y)
            iz0, iz1, _, _ = _dims(z)
            for c, (dx, dy, dz) in enumerate(CORNERS):
                h = _hash_mod((ix0, ix1)[dx], (iy0, iy1)[dy], (iz0, iz1)[dz])
                idx_v[pl.ds(c * C + o, 16)] = h
            m = ((jnp.abs(x) <= 1.0) & (jnp.abs(y) <= 1.0)
                 & (jnp.abs(z) <= 1.0))
            mask_v[pl.ds(o, 16)] = jnp.where(
                m, _vfull(1, jnp.int32), _vfull(0, jnp.int32))

        pltpu.async_copy(table_hbm.at[idx_v], rows_v, gsem).wait()

        @pl.loop(0, C // 16)
        def _grp2(g):
            o = g * 16
            x, y, z = _xyz(o)
            _, _, fx_, sx = _dims(x)
            _, _, fy_, sy = _dims(y)
            _, _, fz_, sz = _dims(z)
            wx = (1.0 - fx_, fx_)
            wy = (1.0 - fy_, fy_)
            wz = (1.0 - fz_, fz_)
            wyz = {(a, b): wy[a] * wz[b] for a in (0, 1) for b in (0, 1)}
            wxz = {(a, b): wx[a] * wz[b] for a in (0, 1) for b in (0, 1)}
            wxy = {(a, b): wx[a] * wy[b] for a in (0, 1) for b in (0, 1)}
            uyz = {kk: v * sx for kk, v in wyz.items()}
            uxz = {kk: v * sy for kk, v in wxz.items()}
            uxy = {kk: v * sz for kk, v in wxy.items()}
            zero = jnp.zeros((16,), jnp.float32)
            accF = [zero] * 8
            accX = [zero] * 8
            accY = [zero] * 8
            accZ = [zero] * 8
            for c, (dx, dy, dz) in enumerate(CORNERS):
                m_c = wx[dx] * wyz[(dy, dz)]
                ax = uyz[(dy, dz)]
                ay = uxz[(dx, dz)]
                az = uxy[(dx, dy)]
                rbase = c * C + o + lanes
                for d in range(8):
                    col = jnp.full((16,), d, jnp.int32)
                    t = plsc.load_gather(rows_v, [rbase, col])
                    accF[d] = accF[d] + m_c * t
                    accX[d] = accX[d] + ax * t if dx else accX[d] - ax * t
                    accY[d] = accY[d] + ay * t if dy else accY[d] - ay * t
                    accZ[d] = accZ[d] + az * t if dz else accZ[d] - az * t
            blk = (o // 128) * (32 * 128) + (o % 128)
            for d in range(8):
                out_v[pl.ds(blk + d * 128, 16)] = accF[d]
                out_v[pl.ds(blk + (8 + d) * 128, 16)] = accX[d]
                out_v[pl.ds(blk + (16 + d) * 128, 16)] = accY[d]
                out_v[pl.ds(blk + (24 + d) * 128, 16)] = accZ[d]

        pltpu.sync_copy(out_v, feats_hbm.at[pl.ds(base * 32, C * 32)])
        pltpu.sync_copy(mask_v, mask_hbm.at[pl.ds(base, C)])


def _tc_body(feats_ref, w0t_ref, w1t_ref, w1_ref, w0_ref, w2_ref, w2t_ref,
             bias_ref, out_ref):
    f32 = jnp.float32
    gb = feats_ref.shape[0]
    big = jnp.concatenate([feats_ref[g] for g in range(gb)], axis=1)
    F = big[0:8, :]
    FX = big[8:16, :]
    FY = big[16:24, :]
    FZ = big[24:32, :]
    b0 = bias_ref[:, 0:1]
    b1 = bias_ref[:, 1:2]
    b2 = bias_ref[0:1, 2:3]
    A0 = jnp.dot(w0t_ref[...], F, preferred_element_type=f32) + b0
    h0 = jnp.maximum(A0, 0.0)
    A1 = jnp.dot(w1t_ref[...], h0, preferred_element_type=f32) + b1
    h1 = jnp.maximum(A1, 0.0)
    sdf = jnp.dot(w2t_ref[...], h1, preferred_element_type=f32) + b2
    g1 = jnp.where(A1 > 0.0, w2_ref[...], 0.0)
    g0 = jnp.where(A0 > 0.0,
                   jnp.dot(w1_ref[...], g1, preferred_element_type=f32), 0.0)
    gF = jnp.dot(w0_ref[...], g0, preferred_element_type=f32)
    gx = jnp.sum(gF * FX, axis=0, keepdims=True)
    gy = jnp.sum(gF * FY, axis=0, keepdims=True)
    gz = jnp.sum(gF * FZ, axis=0, keepdims=True)
    out_ref[0:4, :] = jnp.concatenate([sdf, gx, gy, gz], axis=0)


def kernel(positions, table, W0, b0, W1, b1, W2, b2):
    n = positions.shape[0]
    span = NW * C
    k_chunks = -(-n // span)
    n_pad = k_chunks * span

    xp = jnp.pad(positions[:, 0], (0, n_pad - n))
    yp = jnp.pad(positions[:, 1], (0, n_pad - n))
    zp = jnp.pad(positions[:, 2], (0, n_pad - n))

    mesh = plsc.VectorSubcoreMesh(core_axis_name="c", subcore_axis_name="s",
                                  num_cores=NC, num_subcores=NS)
    sc_params = pltpu.CompilerParams(use_tc_tiling_on_sc=False,
                                     needs_layout_passes=False)

    tiled_flat = table.reshape(TABLE_SIZE_ // 128, 128, 8)
    tiled_flat = tiled_flat.swapaxes(1, 2).reshape(-1)
    tr_fn = pl.kernel(
        _sc_transpose_body,
        out_type=jax.ShapeDtypeStruct((TABLE_SIZE_ * 8,), jnp.float32),
        mesh=mesh,
        scratch_types=[
            pltpu.VMEM((NBLK * 1024,), jnp.float32),
            pltpu.VMEM((NBLK * 1024,), jnp.float32),
        ],
        compiler_params=sc_params,
    )
    table_lin = tr_fn(tiled_flat).reshape(TABLE_SIZE_, 8)

    sc_fn = pl.kernel(
        functools.partial(_sc_body, k_chunks=k_chunks, n_pad=n_pad),
        out_type=(jax.ShapeDtypeStruct((32 * n_pad,), jnp.float32),
                  jax.ShapeDtypeStruct((n_pad,), jnp.int32)),
        mesh=mesh,
        scratch_types=[
            pltpu.VMEM((3 * C,), jnp.float32),
            pltpu.VMEM((NR,), jnp.int32),
            pltpu.VMEM((NR, 8), jnp.float32),
            pltpu.VMEM((32 * C,), jnp.float32),
            pltpu.VMEM((C,), jnp.int32),
            pltpu.SemaphoreType.DMA,
        ],
        compiler_params=sc_params,
    )
    feats, mask_i = sc_fn(xp, yp, zp, table_lin)

    bias_pack = jnp.zeros((32, 128), jnp.float32)
    bias_pack = bias_pack.at[:, 0].set(b0)
    bias_pack = bias_pack.at[:, 1].set(b1)
    bias_pack = bias_pack.at[0, 2].set(b2[0])

    feats3 = feats.reshape(n_pad // 128, 32, 128)
    grid = n_pad // Bt
    out4 = pl.pallas_call(
        _tc_body,
        grid=(grid,),
        in_specs=[
            pl.BlockSpec((Bt // 128, 32, 128), lambda i: (i, 0, 0)),
            pl.BlockSpec((32, 8), lambda i: (0, 0)),
            pl.BlockSpec((32, 32), lambda i: (0, 0)),
            pl.BlockSpec((32, 32), lambda i: (0, 0)),
            pl.BlockSpec((8, 32), lambda i: (0, 0)),
            pl.BlockSpec((32, 1), lambda i: (0, 0)),
            pl.BlockSpec((1, 32), lambda i: (0, 0)),
            pl.BlockSpec((32, 128), lambda i: (0, 0)),
        ],
        out_specs=pl.BlockSpec((8, Bt), lambda i: (0, i)),
        out_shape=jax.ShapeDtypeStruct((8, n_pad), jnp.float32),
    )(feats3, W0.T, W1.T, W1, W0, W2, W2.T, bias_pack)

    sdf = out4[0, :n].reshape(n, 1)
    grad_x = out4[1:4, :n].T
    mask = mask_i[:n].astype(bool)
    return (sdf, grad_x, mask)

# --- scband reference (transcript-rebuilt; emitter-appended) ---
"""Pipeline reference for scband-neural-poisson-mlp-7456063226616 (READ-ONLY COPY).

The authoritative reference and input builder live on the scoring server;
editing this copy changes nothing except your own understanding.
"""

import jax, jax.numpy as jnp
import numpy as np

GRID_RES = 128
GRID_DIM = 8
NUM_EMBEDDINGS = 12000
EMBEDDING_DIM = 8
TABLE_SIZE = NUM_EMBEDDINGS * GRID_DIM ** 3
RES = GRID_RES * GRID_DIM
N_POINTS = 1000000


def _hash(ix, iy, iz):
    h = (ix.astype(jnp.uint32) * jnp.uint32(1)) ^ (iy.astype(jnp.uint32) * jnp.uint32(2654435761)) ^ (iz.astype(jnp.uint32) * jnp.uint32(805459861))
    return (h % jnp.uint32(TABLE_SIZE)).astype(jnp.int32)


def _interp(positions, table):
    # map world coords in [-1,1] to virtual dense grid [0, RES-1]
    p = (positions + 1.0) * 0.5 * (RES - 1)
    p = jnp.clip(p, 0.0, RES - 1 - 1e-5)
    p0f = jnp.floor(p)
    frac = p - p0f
    i0 = p0f.astype(jnp.int32)
    i1 = jnp.minimum(i0 + 1, RES - 1)
    xc = (i0[:, 0], i1[:, 0])
    yc = (i0[:, 1], i1[:, 1])
    zc = (i0[:, 2], i1[:, 2])
    wx = (1.0 - frac[:, 0], frac[:, 0])
    wy = (1.0 - frac[:, 1], frac[:, 1])
    wz = (1.0 - frac[:, 2], frac[:, 2])
    feat = jnp.zeros((positions.shape[0], EMBEDDING_DIM), dtype=positions.dtype)
    for dx in (0, 1):
        for dy in (0, 1):
            for dz in (0, 1):
                idx = _hash(xc[dx], yc[dy], zc[dz])
                w = wx[dx] * wy[dy] * wz[dz]
                feat = feat + w[:, None] * jnp.take(table, idx, axis=0)
    return feat


def _mlp(x, W0, b0, W1, b1, W2, b2):
    h = jax.nn.relu(x @ W0 + b0)
    h = jax.nn.relu(h @ W1 + b1)
    return h @ W2 + b2


def setup_inputs(seed: int = 0) -> dict:
    key = jax.random.key(seed)
    ks = jax.random.split(key, 8)
    positions = jax.random.uniform(ks[0], (N_POINTS, 3), dtype=jnp.float32)  # in [0,1) subset of [-1,1]
    table = jax.random.normal(ks[1], (TABLE_SIZE, EMBEDDING_DIM), dtype=jnp.float32)  # init.normal_
    W0 = jax.random.normal(ks[2], (8, 32), dtype=jnp.float32) * (1.0 / np.sqrt(8))
    b0 = jnp.zeros((32,), dtype=jnp.float32)
    W1 = jax.random.normal(ks[3], (32, 32), dtype=jnp.float32) * (1.0 / np.sqrt(32))
    b1 = jnp.zeros((32,), dtype=jnp.float32)
    W2 = jax.random.normal(ks[4], (32, 1), dtype=jnp.float32) * (1.0 / np.sqrt(32))
    b2 = jnp.zeros((1,), dtype=jnp.float32)
    return {"positions": positions, "table": table, "W0": W0, "b0": b0, "W1": W1, "b1": b1, "W2": W2, "b2": b2}


def reference(positions, table, W0, b0, W1, b1, W2, b2):
    # forward: embedding interpolation + MLP -> sdf
    feat = _interp(positions, table)
    sdf = _mlp(feat, W0, b0, W1, b1, W2, b2)  # [N, 1]

    # grad_x = d sdf / d positions (per-point, since sdf_i depends only on positions_i)
    def sdf_sum(pos):
        return _mlp(_interp(pos, table), W0, b0, W1, b1, W2, b2).sum()

    grad_x = jax.grad(sdf_sum)(positions)  # [N, 3]
    mask = jnp.all(jnp.abs(positions) <= 1.0, axis=-1)  # occupancy/bounds mask
    return (sdf, grad_x, mask)

if __name__ == "__main__":
    import jax
    _d = setup_inputs()
    print(jax.jit(kernel)(*tuple(_d.values())))

</pallas_src>

<mosaic_0001>
#map = affine_map<(d0, d1) -> (0)>
module attributes {stable_mosaic.version = 14 : i64} {
  func.func @_sc_transpose_body(%arg0: i32, %arg1: i32, %arg2: memref<49152000xf32, #tpu.memory_space<hbm>>, %arg3: memref<49152000xf32, #tpu.memory_space<hbm>>, %arg4: memref<15360xf32, #tpu.memory_space<vmem>>, %arg5: memref<15360xf32, #tpu.memory_space<vmem>>) attributes {dimension_semantics = [#tpu.dimension_semantics<core_parallel>, #tpu.dimension_semantics<subcore_parallel>], iteration_bounds = array<i64: 2, 16>, scalar_prefetch = 0 : i64, scratch_operands = 2 : i64, tpu.core_type = #tpu.core_type<sc_vector_subcore>, window_params = [{transform_indices = #map}, {transform_indices = #map}]} {
    %mul3A = arith.constant 2 : i32
    %mul3A_0 = arith.muli %arg1, %mul3A : i32
    %add3A = arith.addi %mul3A_0, %arg0 : i32
    %iota3A = tpu.iota {dimensions = array<i32: 0>} : vector<16xi32>
    %scan3A = arith.constant 0 : i32
    %scan3A_1 = arith.constant 100 : i32
    %scan3A_2 = arith.addi %scan3A, %scan3A_1 : i32
    %scan3A_3 = arith.constant 1 : i32
    scf.for %scan3A_5 = %scan3A to %scan3A_2 step %scan3A_3  : i32 {
      %mul3A_6 = arith.constant 1 : i32
      %mul3A_7 = arith.muli %scan3A_5, %mul3A_6 : i32
      %add3A_8 = arith.constant 0 : i32
      %add3A_9 = arith.addi %add3A_8, %mul3A_7 : i32
      %mul3A_10 = arith.constant 1500 : i32
      %mul3A_11 = arith.muli %add3A, %mul3A_10 : i32
      %mul3A_12 = arith.constant 15 : i32
      %mul3A_13 = arith.muli %add3A_9, %mul3A_12 : i32
      %add3A_14 = arith.addi %mul3A_11, %mul3A_13 : i32
      %mul3A_15 = arith.constant 1024 : i32
      %mul3A_16 = arith.muli %add3A_14, %mul3A_15 : i32
      "tpu.region"() ({
        %run_scoped3A = tpu.sem_alloc : memref<!tpu.dma_semaphore, #tpu.memory_space<semaphore_mem>>
        %dma_start3A = tpu.memref_slice %arg2[%mul3A_16] : memref<49152000xf32, #tpu.memory_space<hbm>> -> memref<15360xf32, #tpu.memory_space<hbm>>
        %dma_start3A_24 = tpu.memref_slice %arg2[%mul3A_16] : memref<49152000xf32, #tpu.memory_space<hbm>> -> memref<15360xf32, #tpu.memory_space<hbm>>
        tpu.enqueue_dma source(%dma_start3A_24 : memref<15360xf32, #tpu.memory_space<hbm>>) target(%arg4 : memref<15360xf32, #tpu.memory_space<vmem>>) target_semaphore(%run_scoped3A : memref<!tpu.dma_semaphore, #tpu.memory_space<semaphore_mem>>)
        %dma_wait3A = tpu.memref_slice %arg2[%mul3A_16] : memref<49152000xf32, #tpu.memory_space<hbm>> -> memref<15360xf32, #tpu.memory_space<hbm>>
        %dma_wait3A_25 = tpu.memref_slice %arg2[%mul3A_16] : memref<49152000xf32, #tpu.memory_space<hbm>> -> memref<15360xf32, #tpu.memory_space<hbm>>
        tpu.wait_dma2 semaphore(%run_scoped3A : memref<!tpu.dma_semaphore, #tpu.memory_space<semaphore_mem>>) src(%dma_wait3A_25 : memref<15360xf32, #tpu.memory_space<hbm>>) dst(%arg4 : memref<15360xf32, #tpu.memory_space<vmem>>)
        tpu.yield
      }) : () -> ()
      %scan3A_17 = arith.constant 0 : i32
      %scan3A_18 = arith.constant 120 : i32
      %scan3A_19 = arith.addi %scan3A_17, %scan3A_18 : i32
      %scan3A_20 = arith.constant 1 : i32
      scf.for %scan3A_24 = %scan3A_17 to %scan3A_19 step %scan3A_20  : i32 {
        %mul3A_25 = arith.constant 1 : i32
        %mul3A_26 = arith.muli %scan3A_24, %mul3A_25 : i32
        %add3A_27 = arith.constant 0 : i32
        %add3A_28 = arith.addi %add3A_27, %mul3A_26 : i32
        %jit3A = arith.constant 8 : i32
        %div3A = arith.divsi %add3A_28, %jit3A : i32
        %sign3A = arith.constant 0 : i32
        %sign3A_29 = arith.cmpi sgt, %add3A_28, %sign3A : i32
        %sign3A_30 = arith.extui %sign3A_29 : i1 to i32
        %sign3A_31 = arith.constant 0 : i32
        %sign3A_32 = arith.cmpi slt, %add3A_28, %sign3A_31 : i32
        %sign3A_33 = arith.extui %sign3A_32 : i1 to i32
        %sign3A_34 = arith.subi %sign3A_30, %sign3A_33 : i32
        %sign3A_35 = arith.constant 0 : i32
        %sign3A_36 = arith.cmpi sgt, %jit3A, %sign3A_35 : i32
        %sign3A_37 = arith.extui %sign3A_36 : i1 to i32
        %sign3A_38 = arith.constant 0 : i32
        %sign3A_39 = arith.cmpi slt, %jit3A, %sign3A_38 : i32
        %sign3A_40 = arith.extui %sign3A_39 : i1 to i32
        %sign3A_41 = arith.subi %sign3A_37, %sign3A_40 : i32
        %ne3A = arith.cmpi ne, %sign3A_34, %sign3A_41 : i32
        %rem3A = arith.remsi %add3A_28, %jit3A : i32
        %ne3A_42 = arith.constant 0 : i32
        %ne3A_43 = arith.cmpi ne, %rem3A, %ne3A_42 : i32
        %and3A = arith.andi %ne3A, %ne3A_43 : i1
        %sub3A = arith.constant 1 : i32
        %sub3A_44 = arith.subi %div3A, %sub3A : i32
        %select_n3A = arith.select %and3A, %sub3A_44, %div3A : i32
        %jit3A_45 = arith.constant 8 : i32
        %eq3A = arith.constant 0 : i32
        %eq3A_46 = arith.cmpi eq, %jit3A_45, %eq3A : i32
        %jit3A_47 = arith.constant 1 : i32
        %select_n3A_48 = arith.select %eq3A_46, %jit3A_47, %jit3A_45 : i32
        %rem3A_49 = arith.remsi %add3A_28, %select_n3A_48 : i32
        %ne3A_50 = arith.constant 0 : i32
        %ne3A_51 = arith.cmpi ne, %rem3A_49, %ne3A_50 : i32
        %lt3A = arith.constant 0 : i32
        %lt3A_52 = arith.cmpi slt, %rem3A_49, %lt3A : i32
        %lt3A_53 = arith.constant 0 : i32
        %lt3A_54 = arith.cmpi slt, %select_n3A_48, %lt3A_53 : i32
        %ne3A_55 = arith.xori %lt3A_52, %lt3A_54 : i1
        %and3A_56 = arith.andi %ne3A_55, %ne3A_51 : i1
        %add3A_57 = arith.addi %rem3A_49, %select_n3A_48 : i32
        %select_n3A_58 = arith.select %and3A_56, %add3A_57, %rem3A_49 : i32
        %mul3A_59 = arith.constant 16 : i32
        %mul3A_60 = arith.muli %select_n3A_58, %mul3A_59 : i32
        %mul3A_61 = arith.constant 1024 : i32
        %mul3A_62 = arith.muli %select_n3A, %mul3A_61 : i32
        %add3A_63 = arith.constant 0 : i32
        %add3A_64 = arith.addi %mul3A_62, %add3A_63 : i32
        %add3A_65 = arith.addi %add3A_64, %mul3A_60 : i32
        %get3A = arith.index_cast %add3A_65 : i32 to index
        %get3A_66 = tpu.vector_load %arg4[%get3A] {strides = array<i32>} : memref<15360xf32, #tpu.memory_space<vmem>>, vector<16xf32>,
        %mul3A_67 = arith.constant 128 : i32
        %mul3A_68 = arith.muli %select_n3A, %mul3A_67 : i32
        %add3A_69 = arith.addi %mul3A_68, %mul3A_60 : i32
        %add3A_70 = vector.broadcast %add3A_69 : i32 to vector<16xi32>
        %add3A_71 = arith.addi %add3A_70, %iota3A : vector<16xi32>
        %mul3A_72 = arith.constant 8 : i32
        %mul3A_73 = vector.broadcast %mul3A_72 : i32 to vector<16xi32>
        %mul3A_74 = arith.muli %add3A_71, %mul3A_73 : vector<16xi32>
        %add3A_75 = arith.constant 0 : i32
        %add3A_76 = vector.broadcast %add3A_75 : i32 to vector<16xi32>
        %add3A_77 = arith.addi %mul3A_74, %add3A_76 : vector<16xi32>
        tpu.vector_store_idx %arg5[%add3A_77], %get3A_66 : memref<15360xf32, #tpu.memory_space<vmem>>[vector<16xi32>], vector<16xf32>,
        %mul3A_78 = arith.constant 1024 : i32
        %mul3A_79 = arith.muli %select_n3A, %mul3A_78 : i32
        %add3A_80 = arith.constant 128 : i32
        %add3A_81 = arith.addi %mul3A_79, %add3A_80 : i32
        %add3A_82 = arith.addi %add3A_81, %mul3A_60 : i32
        %get3A_83 = arith.index_cast %add3A_82 : i32 to index
        %get3A_84 = tpu.vector_load %arg4[%get3A_83] {strides = array<i32>} : memref<15360xf32, #tpu.memory_space<vmem>>, vector<16xf32>,
        %mul3A_85 = arith.constant 128 : i32
        %mul3A_86 = arith.muli %select_n3A, %mul3A_85 : i32
        %add3A_87 = arith.addi %mul3A_86, %mul3A_60 : i32
        %add3A_88 = vector.broadcast %add3A_87 : i32 to vector<16xi32>
        %add3A_89 = arith.addi %add3A_88, %iota3A : vector<16xi32>
        %mul3A_90 = arith.constant 8 : i32
        %mul3A_91 = vector.broadcast %mul3A_90 : i32 to vector<16xi32>
        %mul3A_92 = arith.muli %add3A_89, %mul3A_91 : vector<16xi32>
        %add3A_93 = arith.constant 1 : i32
        %add3A_94 = vector.broadcast %add3A_93 : i32 to vector<16xi32>
        %add3A_95 = arith.addi %mul3A_92, %add3A_94 : vector<16xi32>
        tpu.vector_store_idx %arg5[%add3A_95], %get3A_84 : memref<15360xf32, #tpu.memory_space<vmem>>[vector<16xi32>], vector<16xf32>,
        %mul3A_96 = arith.constant 1024 : i32
        %mul3A_97 = arith.muli %select_n3A, %mul3A_96 : i32
        %add3A_98 = arith.constant 256 : i32
        %add3A_99 = arith.addi %mul3A_97, %add3A_98 : i32
        %add3A_100 = arith.addi %add3A_99, %mul3A_60 : i32
        %get3A_101 = arith.index_cast %add3A_100 : i32 to index
        %get3A_102 = tpu.vector_load %arg4[%get3A_101] {strides = array<i32>} : memref<15360xf32, #tpu.memory_space<vmem>>, vector<16xf32>,
        %mul3A_103 = arith.constant 128 : i32
        %mul3A_104 = arith.muli %select_n3A, %mul3A_103 : i32
        %add3A_105 = arith.addi %mul3A_104, %mul3A_60 : i32
        %add3A_106 = vector.broadcast %add3A_105 : i32 to vector<16xi32>
        %add3A_107 = arith.addi %add3A_106, %iota3A : vector<16xi32>
        %mul3A_108 = arith.constant 8 : i32
        %mul3A_109 = vector.broadcast %mul3A_108 : i32 to vector<16xi32>
        %mul3A_110 = arith.muli %add3A_107, %mul3A_109 : vector<16xi32>
        %add3A_111 = arith.constant 2 : i32
        %add3A_112 = vector.broadcast %add3A_111 : i32 to vector<16xi32>
        %add3A_113 = arith.addi %mul3A_110, %add3A_112 : vector<16xi32>
        tpu.vector_store_idx %arg5[%add3A_113], %get3A_102 : memref<15360xf32, #tpu.memory_space<vmem>>[vector<16xi32>], vector<16xf32>,
        %mul3A_114 = arith.constant 1024 : i32
        %mul3A_115 = arith.muli %select_n3A, %mul3A_114 : i32
        %add3A_116 = arith.constant 384 : i32
        %add3A_117 = arith.addi %mul3A_115, %add3A_116 : i32
        %add3A_118 = arith.addi %add3A_117, %mul3A_60 : i32
        %get3A_119 = arith.index_cast %add3A_118 : i32 to index
        %get3A_120 = tpu.vector_load %arg4[%get3A_119] {strides = array<i32>} : memref<15360xf32, #tpu.memory_space<vmem>>, vector<16xf32>,
        %mul3A_121 = arith.constant 128 : i32
        %mul3A_122 = arith.muli %select_n3A, %mul3A_121 : i32
        %add3A_123 = arith.addi %mul3A_122, %mul3A_60 : i32
        %add3A_124 = vector.broadcast %add3A_123 : i32 to vector<16xi32>
        %add3A_125 = arith.addi %add3A_124, %iota3A : vector<16xi32>
        %mul3A_126 = arith.constant 8 : i32
        %mul3A_127 = vector.broadcast %mul3A_126 : i32 to vector<16xi32>
        %mul3A_128 = arith.muli %add3A_125, %mul3A_127 : vector<16xi32>
        %add3A_129 = arith.constant 3 : i32
        %add3A_130 = vector.broadcast %add3A_129 : i32 to vector<16xi32>
        %add3A_131 = arith.addi %mul3A_128, %add3A_130 : vector<16xi32>
        tpu.vector_store_idx %arg5[%add3A_131], %get3A_120 : memref<15360xf32, #tpu.memory_space<vmem>>[vector<16xi32>], vector<16xf32>,
        %mul3A_132 = arith.constant 1024 : i32
        %mul3A_133 = arith.muli %select_n3A, %mul3A_132 : i32
        %add3A_134 = arith.constant 512 : i32
        %add3A_135 = arith.addi %mul3A_133, %add3A_134 : i32
        %add3A_136 = arith.addi %add3A_135, %mul3A_60 : i32
        %get3A_137 = arith.index_cast %add3A_136 : i32 to index
        %get3A_138 = tpu.vector_load %arg4[%get3A_137] {strides = array<i32>} : memref<15360xf32, #tpu.memory_space<vmem>>, vector<16xf32>,
        %mul3A_139 = arith.constant 128 : i32
        %mul3A_140 = arith.muli %select_n3A, %mul3A_139 : i32
        %add3A_141 = arith.addi %mul3A_140, %mul3A_60 : i32
        %add3A_142 = vector.broadcast %add3A_141 : i32 to vector<16xi32>
        %add3A_143 = arith.addi %add3A_142, %iota3A : vector<16xi32>
        %mul3A_144 = arith.constant 8 : i32
        %mul3A_145 = vector.broadcast %mul3A_144 : i32 to vector<16xi32>
        %mul3A_146 = arith.muli %add3A_143, %mul3A_145 : vector<16xi32>
        %add3A_147 = arith.constant 4 : i32
        %add3A_148 = vector.broadcast %add3A_147 : i32 to vector<16xi32>
        %add3A_149 = arith.addi %mul3A_146, %add3A_148 : vector<16xi32>
        tpu.vector_store_idx %arg5[%add3A_149], %get3A_138 : memref<15360xf32, #tpu.memory_space<vmem>>[vector<16xi32>], vector<16xf32>,
        %mul3A_150 = arith.constant 1024 : i32
        %mul3A_151 = arith.muli %select_n3A, %mul3A_150 : i32
        %add3A_152 = arith.constant 640 : i32
        %add3A_153 = arith.addi %mul3A_151, %add3A_152 : i32
        %add3A_154 = arith.addi %add3A_153, %mul3A_60 : i32
        %get3A_155 = arith.index_cast %add3A_154 : i32 to index
        %get3A_156 = tpu.vector_load %arg4[%get3A_155] {strides = array<i32>} : memref<15360xf32, #tpu.memory_space<vmem>>, vector<16xf32>,
        %mul3A_157 = arith.constant 128 : i32
        %mul3A_158 = arith.muli %select_n3A, %mul3A_157 : i32
        %add3A_159 = arith.addi %mul3A_158, %mul3A_60 : i32
        %add3A_160 = vector.broadcast %add3A_159 : i32 to vector<16xi32>
        %add3A_161 = arith.addi %add3A_160, %iota3A : vector<16xi32>
        %mul3A_162 = arith.constant 8 : i32
        %mul3A_163 = vector.broadcast %mul3A_162 : i32 to vector<16xi32>
        %mul3A_164 = arith.muli %add3A_161, %mul3A_163 : vector<16xi32>
        %add3A_165 = arith.constant 5 : i32
        %add3A_166 = vector.broadcast %add3A_165 : i32 to vector<16xi32>
        %add3A_167 = arith.addi %mul3A_164, %add3A_166 : vector<16xi32>
        tpu.vector_store_idx %arg5[%add3A_167], %get3A_156 : memref<15360xf32, #tpu.memory_space<vmem>>[vector<16xi32>], vector<16xf32>,
        %mul3A_168 = arith.constant 1024 : i32
        %mul3A_169 = arith.muli %select_n3A, %mul3A_168 : i32
        %add3A_170 = arith.constant 768 : i32
        %add3A_171 = arith.addi %mul3A_169, %add3A_170 : i32
        %add3A_172 = arith.addi %add3A_171, %mul3A_60 : i32
        %get3A_173 = arith.index_cast %add3A_172 : i32 to index
        %get3A_174 = tpu.vector_load %arg4[%get3A_173] {strides = array<i32>} : memref<15360xf32, #tpu.memory_space<vmem>>, vector<16xf32>,
        %mul3A_175 = arith.constant 128 : i32
        %mul3A_176 = arith.muli %select_n3A, %mul3A_175 : i32
        %add3A_177 = arith.addi %mul3A_176, %mul3A_60 : i32
        %add3A_178 = vector.broadcast %add3A_177 : i32 to vector<16xi32>
        %add3A_179 = arith.addi %add3A_178, %iota3A : vector<16xi32>
        %mul3A_180 = arith.constant 8 : i32
        %mul3A_181 = vector.broadcast %mul3A_180 : i32 to vector<16xi32>
        %mul3A_182 = arith.muli %add3A_179, %mul3A_181 : vector<16xi32>
        %add3A_183 = arith.constant 6 : i32
        %add3A_184 = vector.broadcast %add3A_183 : i32 to vector<16xi32>
        %add3A_185 = arith.addi %mul3A_182, %add3A_184 : vector<16xi32>
        tpu.vector_store_idx %arg5[%add3A_185], %get3A_174 : memref<15360xf32, #tpu.memory_space<vmem>>[vector<16xi32>], vector<16xf32>,
        %mul3A_186 = arith.constant 1024 : i32
        %mul3A_187 = arith.muli %select_n3A, %mul3A_186 : i32
        %add3A_188 = arith.constant 896 : i32
        %add3A_189 = arith.addi %mul3A_187, %add3A_188 : i32
        %add3A_190 = arith.addi %add3A_189, %mul3A_60 : i32
        %get3A_191 = arith.index_cast %add3A_190 : i32 to index
        %get3A_192 = tpu.vector_load %arg4[%get3A_191] {strides = array<i32>} : memref<15360xf32, #tpu.memory_space<vmem>>, vector<16xf32>,
        %mul3A_193 = arith.constant 128 : i32
        %mul3A_194 = arith.muli %select_n3A, %mul3A_193 : i32
        %add3A_195 = arith.addi %mul3A_194, %mul3A_60 : i32
        %add3A_196 = vector.broadcast %add3A_195 : i32 to vector<16xi32>
        %add3A_197 = arith.addi %add3A_196, %iota3A : vector<16xi32>
        %mul3A_198 = arith.constant 8 : i32
        %mul3A_199 = vector.broadcast %mul3A_198 : i32 to vector<16xi32>
        %mul3A_200 = arith.muli %add3A_197, %mul3A_199 : vector<16xi32>
        %add3A_201 = arith.constant 7 : i32
        %add3A_202 = vector.broadcast %add3A_201 : i32 to vector<16xi32>
        %add3A_203 = arith.addi %mul3A_200, %add3A_202 : vector<16xi32>
        tpu.vector_store_idx %arg5[%add3A_203], %get3A_192 : memref<15360xf32, #tpu.memory_space<vmem>>[vector<16xi32>], vector<16xf32>,
      }
      %scan3A_21 = arith.constant 120 : i32
      %mul3A_22 = arith.constant 1024 : i32
      %mul3A_23 = arith.muli %add3A_14, %mul3A_22 : i32
      "tpu.region"() ({
        %run_scoped3A = tpu.sem_alloc : memref<!tpu.dma_semaphore, #tpu.memory_space<semaphore_mem>>
        %dma_start3A = tpu.memref_slice %arg3[%mul3A_23] : memref<49152000xf32, #tpu.memory_space<hbm>> -> memref<15360xf32, #tpu.memory_space<hbm>>
        %dma_start3A_24 = tpu.memref_slice %arg3[%mul3A_23] : memref<49152000xf32, #tpu.memory_space<hbm>> -> memref<15360xf32, #tpu.memory_space<hbm>>
        tpu.enqueue_dma source(%arg5 : memref<15360xf32, #tpu.memory_space<vmem>>) target(%dma_start3A_24 : memref<15360xf32, #tpu.memory_space<hbm>>) target_semaphore(%run_scoped3A : memref<!tpu.dma_semaphore, #tpu.memory_space<semaphore_mem>>)
        %dma_wait3A = tpu.memref_slice %arg3[%mul3A_23] : memref<49152000xf32, #tpu.memory_space<hbm>> -> memref<15360xf32, #tpu.memory_space<hbm>>
        %dma_wait3A_25 = tpu.memref_slice %arg3[%mul3A_23] : memref<49152000xf32, #tpu.memory_space<hbm>> -> memref<15360xf32, #tpu.memory_space<hbm>>
        tpu.wait_dma2 semaphore(%run_scoped3A : memref<!tpu.dma_semaphore, #tpu.memory_space<semaphore_mem>>) src(%arg5 : memref<15360xf32, #tpu.memory_space<vmem>>) dst(%dma_wait3A_25 : memref<15360xf32, #tpu.memory_space<hbm>>)
        tpu.yield
      }) : () -> ()
    }
    %scan3A_4 = arith.constant 100 : i32
    return
  }
}

#map = affine_map<(d0, d1) -> (0)>
#map1 = affine_map<(d0, d1) -> (0, 0)>
module attributes {stable_mosaic.version = 14 : i64} {
  func.func @_sc_body(%arg0: i32, %arg1: i32, %arg2: memref<1015808xf32, #tpu.memory_space<hbm>>, %arg3: memref<1015808xf32, #tpu.memory_space<hbm>>, %arg4: memref<1015808xf32, #tpu.memory_space<hbm>>, %arg5: memref<6144000x8xf32, #tpu.memory_space<hbm>>, %arg6: memref<32505856xf32, #tpu.memory_space<hbm>>, %arg7: memref<1015808xi32, #tpu.memory_space<hbm>>, %arg8: memref<1536xf32, #tpu.memory_space<vmem>>, %arg9: memref<4096xi32, #tpu.memory_space<vmem>>, %arg10: memref<4096x8xf32, #tpu.memory_space<vmem>>, %arg11: memref<16384xf32, #tpu.memory_space<vmem>>, %arg12: memref<512xi32, #tpu.memory_space<vmem>>, %arg13: memref<!tpu.dma_semaphore, #tpu.memory_space<semaphore_mem>>) attributes {dimension_semantics = [#tpu.dimension_semantics<core_parallel>, #tpu.dimension_semantics<subcore_parallel>], iteration_bounds = array<i64: 2, 16>, scalar_prefetch = 0 : i64, scratch_operands = 6 : i64, tpu.core_type = #tpu.core_type<sc_vector_subcore>, window_params = [{transform_indices = #map}, {transform_indices = #map}, {transform_indices = #map}, {transform_indices = #map1}, {transform_indices = #map}, {transform_indices = #map}]} {
    %mul3A = arith.constant 2 : i32
    %mul3A_0 = arith.muli %arg1, %mul3A : i32
    %add3A = arith.addi %mul3A_0, %arg0 : i32
    %iota3A = tpu.iota {dimensions = array<i32: 0>} : vector<16xi32>
    %scan3A = arith.constant 0 : i32
    %scan3A_1 = arith.constant 62 : i32
    %scan3A_2 = arith.addi %scan3A, %scan3A_1 : i32
    %scan3A_3 = arith.constant 1 : i32
    scf.for %scan3A_5 = %scan3A to %scan3A_2 step %scan3A_3  : i32 {
      %mul3A_6 = arith.constant 1 : i32
      %mul3A_7 = arith.muli %scan3A_5, %mul3A_6 : i32
      %add3A_8 = arith.constant 0 : i32
      %add3A_9 = arith.addi %add3A_8, %mul3A_7 : i32
      %mul3A_10 = arith.constant 62 : i32
      %mul3A_11 = arith.muli %add3A, %mul3A_10 : i32
      %add3A_12 = arith.addi %mul3A_11, %add3A_9 : i32
      %mul3A_13 = arith.constant 512 : i32
      %mul3A_14 = arith.muli %add3A_12, %mul3A_13 : i32
      "tpu.region"() ({
        %run_scoped3A = tpu.sem_alloc : memref<!tpu.dma_semaphore, #tpu.memory_space<semaphore_mem>>
        %dma_start3A_31 = arith.constant 0 : i32
        %dma_start3A_32 = tpu.memref_slice %arg8[%dma_start3A_31] : memref<1536xf32, #tpu.memory_space<vmem>> -> memref<512xf32, #tpu.memory_space<vmem>>
        %dma_start3A_33 = tpu.memref_slice %arg2[%mul3A_14] : memref<1015808xf32, #tpu.memory_space<hbm>> -> memref<512xf32, #tpu.memory_space<hbm>>
        %dma_start3A_34 = arith.constant 0 : i32
        %dma_start3A_35 = tpu.memref_slice %arg8[%dma_start3A_34] : memref<1536xf32, #tpu.memory_space<vmem>> -> memref<512xf32, #tpu.memory_space<vmem>>
        %dma_start3A_36 = tpu.memref_slice %arg2[%mul3A_14] : memref<1015808xf32, #tpu.memory_space<hbm>> -> memref<512xf32, #tpu.memory_space<hbm>>
        tpu.enqueue_dma source(%dma_start3A_36 : memref<512xf32, #tpu.memory_space<hbm>>) target(%dma_start3A_35 : memref<512xf32, #tpu.memory_space<vmem>>) target_semaphore(%run_scoped3A : memref<!tpu.dma_semaphore, #tpu.memory_space<semaphore_mem>>)
        %dma_wait3A_37 = arith.constant 0 : i32
        %dma_wait3A_38 = tpu.memref_slice %arg8[%dma_wait3A_37] : memref<1536xf32, #tpu.memory_space<vmem>> -> memref<512xf32, #tpu.memory_space<vmem>>
        %dma_wait3A_39 = tpu.memref_slice %arg2[%mul3A_14] : memref<1015808xf32, #tpu.memory_space<hbm>> -> memref<512xf32, #tpu.memory_space<hbm>>
        %dma_wait3A_40 = arith.constant 0 : i32
        %dma_wait3A_41 = tpu.memref_slice %arg8[%dma_wait3A_40] : memref<1536xf32, #tpu.memory_space<vmem>> -> memref<512xf32, #tpu.memory_space<vmem>>
        %dma_wait3A_42 = tpu.memref_slice %arg2[%mul3A_14] : memref<1015808xf32, #tpu.memory_space<hbm>> -> memref<512xf32, #tpu.memory_space<hbm>>
        tpu.wait_dma2 semaphore(%run_scoped3A : memref<!tpu.dma_semaphore, #tpu.memory_space<semaphore_mem>>) src(%dma_wait3A_42 : memref<512xf32, #tpu.memory_space<hbm>>) dst(%dma_wait3A_41 : memref<512xf32, #tpu.memory_space<vmem>>)
        tpu.yield
      }) : () -> ()
      "tpu.region"() ({
        %run_scoped3A = tpu.sem_alloc : memref<!tpu.dma_semaphore, #tpu.memory_space<semaphore_mem>>
        %dma_start3A_31 = arith.constant 512 : i32
        %dma_start3A_32 = tpu.memref_slice %arg8[%dma_start3A_31] : memref<1536xf32, #tpu.memory_space<vmem>> -> memref<512xf32, #tpu.memory_space<vmem>>
        %dma_start3A_33 = tpu.memref_slice %arg3[%mul3A_14] : memref<1015808xf32, #tpu.memory_space<hbm>> -> memref<512xf32, #tpu.memory_space<hbm>>
        %dma_start3A_34 = arith.constant 512 : i32
        %dma_start3A_35 = tpu.memref_slice %arg8[%dma_start3A_34] : memref<1536xf32, #tpu.memory_space<vmem>> -> memref<512xf32, #tpu.memory_space<vmem>>
        %dma_start3A_36 = tpu.memref_slice %arg3[%mul3A_14] : memref<1015808xf32, #tpu.memory_space<hbm>> -> memref<512xf32, #tpu.memory_space<hbm>>
        tpu.enqueue_dma source(%dma_start3A_36 : memref<512xf32, #tpu.memory_space<hbm>>) target(%dma_start3A_35 : memref<512xf32, #tpu.memory_space<vmem>>) target_semaphore(%run_scoped3A : memref<!tpu.dma_semaphore, #tpu.memory_space<semaphore_mem>>)
        %dma_wait3A_37 = arith.constant 512 : i32
        %dma_wait3A_38 = tpu.memref_slice %arg8[%dma_wait3A_37] : memref<1536xf32, #tpu.memory_space<vmem>> -> memref<512xf32, #tpu.memory_space<vmem>>
        %dma_wait3A_39 = tpu.memref_slice %arg3[%mul3A_14] : memref<1015808xf32, #tpu.memory_space<hbm>> -> memref<512xf32, #tpu.memory_space<hbm>>
        %dma_wait3A_40 = arith.constant 512 : i32
        %dma_wait3A_41 = tpu.memref_slice %arg8[%dma_wait3A_40] : memref<1536xf32, #tpu.memory_space<vmem>> -> memref<512xf32, #tpu.memory_space<vmem>>
        %dma_wait3A_42 = tpu.memref_slice %arg3[%mul3A_14] : memref<1015808xf32, #tpu.memory_space<hbm>> -> memref<512xf32, #tpu.memory_space<hbm>>
        tpu.wait_dma2 semaphore(%run_scoped3A : memref<!tpu.dma_semaphore, #tpu.memory_space<semaphore_mem>>) src(%dma_wait3A_42 : memref<512xf32, #tpu.memory_space<hbm>>) dst(%dma_wait3A_41 : memref<512xf32, #tpu.memory_space<vmem>>)
        tpu.yield
      }) : () -> ()
      "tpu.region"() ({
        %run_scoped3A = tpu.sem_alloc : memref<!tpu.dma_semaphore, #tpu.memory_space<semaphore_mem>>
        %dma_start3A_31 = arith.constant 1024 : i32
        %dma_start3A_32 = tpu.memref_slice %arg8[%dma_start3A_31] : memref<1536xf32, #tpu.memory_space<vmem>> -> memref<512xf32, #tpu.memory_space<vmem>>
        %dma_start3A_33 = tpu.memref_slice %arg4[%mul3A_14] : memref<1015808xf32, #tpu.memory_space<hbm>> -> memref<512xf32, #tpu.memory_space<hbm>>
        %dma_start3A_34 = arith.constant 1024 : i32
        %dma_start3A_35 = tpu.memref_slice %arg8[%dma_start3A_34] : memref<1536xf32, #tpu.memory_space<vmem>> -> memref<512xf32, #tpu.memory_space<vmem>>
        %dma_start3A_36 = tpu.memref_slice %arg4[%mul3A_14] : memref<1015808xf32, #tpu.memory_space<hbm>> -> memref<512xf32, #tpu.memory_space<hbm>>
        tpu.enqueue_dma source(%dma_start3A_36 : memref<512xf32, #tpu.memory_space<hbm>>) target(%dma_start3A_35 : memref<512xf32, #tpu.memory_space<vmem>>) target_semaphore(%run_scoped3A : memref<!tpu.dma_semaphore, #tpu.memory_space<semaphore_mem>>)
        %dma_wait3A_37 = arith.constant 1024 : i32
        %dma_wait3A_38 = tpu.memref_slice %arg8[%dma_wait3A_37] : memref<1536xf32, #tpu.memory_space<vmem>> -> memref<512xf32, #tpu.memory_space<vmem>>
        %dma_wait3A_39 = tpu.memref_slice %arg4[%mul3A_14] : memref<1015808xf32, #tpu.memory_space<hbm>> -> memref<512xf32, #tpu.memory_space<hbm>>
        %dma_wait3A_40 = arith.constant 1024 : i32
        %dma_wait3A_41 = tpu.memref_slice %arg8[%dma_wait3A_40] : memref<1536xf32, #tpu.memory_space<vmem>> -> memref<512xf32, #tpu.memory_space<vmem>>
        %dma_wait3A_42 = tpu.memref_slice %arg4[%mul3A_14] : memref<1015808xf32, #tpu.memory_space<hbm>> -> memref<512xf32, #tpu.memory_space<hbm>>
        tpu.wait_dma2 semaphore(%run_scoped3A : memref<!tpu.dma_semaphore, #tpu.memory_space<semaphore_mem>>) src(%dma_wait3A_42 : memref<512xf32, #tpu.memory_space<hbm>>) dst(%dma_wait3A_41 : memref<512xf32, #tpu.memory_space<vmem>>)
        tpu.yield
      }) : () -> ()
      %scan3A_15 = arith.constant 0 : i32
      %scan3A_16 = arith.constant 32 : i32
      %scan3A_17 = arith.addi %scan3A_15, %scan3A_16 : i32
      %scan3A_18 = arith.constant 1 : i32
      scf.for %scan3A_31 = %scan3A_15 to %scan3A_17 step %scan3A_18  : i32 {
        %mul3A_32 = arith.constant 1 : i32
        %mul3A_33 = arith.muli %scan3A_31, %mul3A_32 : i32
        %add3A_34 = arith.constant 0 : i32
        %add3A_35 = arith.addi %add3A_34, %mul3A_33 : i32
        %mul3A_36 = arith.constant 16 : i32
        %mul3A_37 = arith.muli %add3A_35, %mul3A_36 : i32
        %get3A = arith.index_cast %mul3A_37 : i32 to index
        %get3A_38 = tpu.vector_load %arg8[%get3A] {strides = array<i32>} : memref<1536xf32, #tpu.memory_space<vmem>>, vector<16xf32>,
        %add3A_39 = arith.constant 512 : i32
        %add3A_40 = arith.addi %add3A_39, %mul3A_37 : i32
        %get3A_41 = arith.index_cast %add3A_40 : i32 to index
        %get3A_42 = tpu.vector_load %arg8[%get3A_41] {strides = array<i32>} : memref<1536xf32, #tpu.memory_space<vmem>>, vector<16xf32>,
        %add3A_43 = arith.constant 1024 : i32
        %add3A_44 = arith.addi %add3A_43, %mul3A_37 : i32
        %get3A_45 = arith.index_cast %add3A_44 : i32 to index
        %get3A_46 = tpu.vector_load %arg8[%get3A_45] {strides = array<i32>} : memref<1536xf32, #tpu.memory_space<vmem>>, vector<16xf32>,
        %add3A_47 = arith.constant 1.000000e+00 : f32
        %add3A_48 = vector.broadcast %add3A_47 : f32 to vector<16xf32>
        %add3A_49 = arith.addf %get3A_38, %add3A_48 : vector<16xf32>
        %mul3A_50 = arith.constant 5.000000e-01 : f32
        %mul3A_51 = vector.broadcast %mul3A_50 : f32 to vector<16xf32>
        %mul3A_52 = arith.mulf %add3A_49, %mul3A_51 : vector<16xf32>
        %mul3A_53 = arith.constant 1.023000e+03 : f32
        %mul3A_54 = vector.broadcast %mul3A_53 : f32 to vector<16xf32>
        %mul3A_55 = arith.mulf %mul3A_52, %mul3A_54 : vector<16xf32>
        %max3A = arith.constant 0.000000e+00 : f32
        %max3A_56 = vector.broadcast %max3A : f32 to vector<16xf32>
        %max3A_57 = arith.maximumf %mul3A_55, %max3A_56 : vector<16xf32>
        %min3A = arith.constant 1.023000e+03 : f32
        %min3A_58 = vector.broadcast %min3A : f32 to vector<16xf32>
        %min3A_59 = arith.minimumf %max3A_57, %min3A_58 : vector<16xf32>
        %convert_element_type3A = arith.fptosi %min3A_59 : vector<16xf32> to vector<16xi32>
        %convert_element_type3A_60 = arith.sitofp %convert_element_type3A : vector<16xi32> to vector<16xf32>
        %sub3A = arith.subf %min3A_59, %convert_element_type3A_60 : vector<16xf32>
        %add3A_61 = arith.constant 1 : i32
        %add3A_62 = vector.broadcast %add3A_61 : i32 to vector<16xi32>
        %add3A_63 = arith.addi %convert_element_type3A, %add3A_62 : vector<16xi32>
        %min3A_64 = arith.constant 1023 : i32
        %min3A_65 = vector.broadcast %min3A_64 : i32 to vector<16xi32>
        %min3A_66 = arith.minsi %add3A_63, %min3A_65 : vector<16xi32>
        %ge3A = arith.constant 0.000000e+00 : f32
        %ge3A_67 = vector.broadcast %ge3A : f32 to vector<16xf32>
        %ge3A_68 = arith.cmpf oge, %mul3A_55, %ge3A_67 : vector<16xf32>
        %le3A = arith.constant 1.023000e+03 : f32
        %le3A_69 = vector.broadcast %le3A : f32 to vector<16xf32>
        %le3A_70 = arith.cmpf ole, %mul3A_55, %le3A_69 : vector<16xf32>
        %and3A = arith.andi %ge3A_68, %le3A_70 : vector<16xi1>
        %broadcast_in_dim3A = arith.constant 5.115000e+02 : f32
        %broadcast_in_dim3A_71 = vector.broadcast %broadcast_in_dim3A : f32 to vector<16xf32>
        %broadcast_in_dim3A_72 = arith.constant 0.000000e+00 : f32
        %broadcast_in_dim3A_73 = vector.broadcast %broadcast_in_dim3A_72 : f32 to vector<16xf32>
        %select_n3A = arith.select %and3A, %broadcast_in_dim3A_71, %broadcast_in_dim3A_73 : vector<16xi1>, vector<16xf32>
        %add3A_74 = arith.constant 1.000000e+00 : f32
        %add3A_75 = vector.broadcast %add3A_74 : f32 to vector<16xf32>
        %add3A_76 = arith.addf %get3A_42, %add3A_75 : vector<16xf32>
        %mul3A_77 = arith.constant 5.000000e-01 : f32
        %mul3A_78 = vector.broadcast %mul3A_77 : f32 to vector<16xf32>
        %mul3A_79 = arith.mulf %add3A_76, %mul3A_78 : vector<16xf32>
        %mul3A_80 = arith.constant 1.023000e+03 : f32
        %mul3A_81 = vector.broadcast %mul3A_80 : f32 to vector<16xf32>
        %mul3A_82 = arith.mulf %mul3A_79, %mul3A_81 : vector<16xf32>
        %max3A_83 = arith.constant 0.000000e+00 : f32
        %max3A_84 = vector.broadcast %max3A_83 : f32 to vector<16xf32>
        %max3A_85 = arith.maximumf %mul3A_82, %max3A_84 : vector<16xf32>
        %min3A_86 = arith.constant 1.023000e+03 : f32
        %min3A_87 = vector.broadcast %min3A_86 : f32 to vector<16xf32>
        %min3A_88 = arith.minimumf %max3A_85, %min3A_87 : vector<16xf32>
        %convert_element_type3A_89 = arith.fptosi %min3A_88 : vector<16xf32> to vector<16xi32>
        %convert_element_type3A_90 = arith.sitofp %convert_element_type3A_89 : vector<16xi32> to vector<16xf32>
        %sub3A_91 = arith.subf %min3A_88, %convert_element_type3A_90 : vector<16xf32>
        %add3A_92 = arith.constant 1 : i32
        %add3A_93 = vector.broadcast %add3A_92 : i32 to vector<16xi32>
        %add3A_94 = arith.addi %convert_element_type3A_89, %add3A_93 : vector<16xi32>
        %min3A_95 = arith.constant 1023 : i32
        %min3A_96 = vector.broadcast %min3A_95 : i32 to vector<16xi32>
        %min3A_97 = arith.minsi %add3A_94, %min3A_96 : vector<16xi32>
        %ge3A_98 = arith.constant 0.000000e+00 : f32
        %ge3A_99 = vector.broadcast %ge3A_98 : f32 to vector<16xf32>
        %ge3A_100 = arith.cmpf oge, %mul3A_82, %ge3A_99 : vector<16xf32>
        %le3A_101 = arith.constant 1.023000e+03 : f32
        %le3A_102 = vector.broadcast %le3A_101 : f32 to vector<16xf32>
        %le3A_103 = arith.cmpf ole, %mul3A_82, %le3A_102 : vector<16xf32>
        %and3A_104 = arith.andi %ge3A_100, %le3A_103 : vector<16xi1>
        %broadcast_in_dim3A_105 = arith.constant 5.115000e+02 : f32
        %broadcast_in_dim3A_106 = vector.broadcast %broadcast_in_dim3A_105 : f32 to vector<16xf32>
        %broadcast_in_dim3A_107 = arith.constant 0.000000e+00 : f32
        %broadcast_in_dim3A_108 = vector.broadcast %broadcast_in_dim3A_107 : f32 to vector<16xf32>
        %select_n3A_109 = arith.select %and3A_104, %broadcast_in_dim3A_106, %broadcast_in_dim3A_108 : vector<16xi1>, vector<16xf32>
        %add3A_110 = arith.constant 1.000000e+00 : f32
        %add3A_111 = vector.broadcast %add3A_110 : f32 to vector<16xf32>
        %add3A_112 = arith.addf %get3A_46, %add3A_111 : vector<16xf32>
        %mul3A_113 = arith.constant 5.000000e-01 : f32
        %mul3A_114 = vector.broadcast %mul3A_113 : f32 to vector<16xf32>
        %mul3A_115 = arith.mulf %add3A_112, %mul3A_114 : vector<16xf32>
        %mul3A_116 = arith.constant 1.023000e+03 : f32
        %mul3A_117 = vector.broadcast %mul3A_116 : f32 to vector<16xf32>
        %mul3A_118 = arith.mulf %mul3A_115, %mul3A_117 : vector<16xf32>
        %max3A_119 = arith.constant 0.000000e+00 : f32
        %max3A_120 = vector.broadcast %max3A_119 : f32 to vector<16xf32>
        %max3A_121 = arith.maximumf %mul3A_118, %max3A_120 : vector<16xf32>
        %min3A_122 = arith.constant 1.023000e+03 : f32
        %min3A_123 = vector.broadcast %min3A_122 : f32 to vector<16xf32>
        %min3A_124 = arith.minimumf %max3A_121, %min3A_123 : vector<16xf32>
        %convert_element_type3A_125 = arith.fptosi %min3A_124 : vector<16xf32> to vector<16xi32>
        %convert_element_type3A_126 = arith.sitofp %convert_element_type3A_125 : vector<16xi32> to vector<16xf32>
        %sub3A_127 = arith.subf %min3A_124, %convert_element_type3A_126 : vector<16xf32>
        %add3A_128 = arith.constant 1 : i32
        %add3A_129 = vector.broadcast %add3A_128 : i32 to vector<16xi32>
        %add3A_130 = arith.addi %convert_element_type3A_125, %add3A_129 : vector<16xi32>
        %min3A_131 = arith.constant 1023 : i32
        %min3A_132 = vector.broadcast %min3A_131 : i32 to vector<16xi32>
        %min3A_133 = arith.minsi %add3A_130, %min3A_132 : vector<16xi32>
        %ge3A_134 = arith.constant 0.000000e+00 : f32
        %ge3A_135 = vector.broadcast %ge3A_134 : f32 to vector<16xf32>
        %ge3A_136 = arith.cmpf oge, %mul3A_118, %ge3A_135 : vector<16xf32>
        %le3A_137 = arith.constant 1.023000e+03 : f32
        %le3A_138 = vector.broadcast %le3A_137 : f32 to vector<16xf32>
        %le3A_139 = arith.cmpf ole, %mul3A_118, %le3A_138 : vector<16xf32>
        %and3A_140 = arith.andi %ge3A_136, %le3A_139 : vector<16xi1>
        %broadcast_in_dim3A_141 = arith.constant 5.115000e+02 : f32
        %broadcast_in_dim3A_142 = vector.broadcast %broadcast_in_dim3A_141 : f32 to vector<16xf32>
        %broadcast_in_dim3A_143 = arith.constant 0.000000e+00 : f32
        %broadcast_in_dim3A_144 = vector.broadcast %broadcast_in_dim3A_143 : f32 to vector<16xf32>
        %select_n3A_145 = arith.select %and3A_140, %broadcast_in_dim3A_142, %broadcast_in_dim3A_144 : vector<16xi1>, vector<16xf32>
        %mul3A_146 = arith.constant -1640531535 : i32
        %mul3A_147 = vector.broadcast %mul3A_146 : i32 to vector<16xi32>
        %mul3A_148 = arith.muli %convert_element_type3A_89, %mul3A_147 : vector<16xi32>
        %xor3A = arith.xori %convert_element_type3A, %mul3A_148 : vector<16xi32>
        %mul3A_149 = arith.constant 805459861 : i32
        %mul3A_150 = vector.broadcast %mul3A_149 : i32 to vector<16xi32>
        %mul3A_151 = arith.muli %convert_element_type3A_125, %mul3A_150 : vector<16xi32>
        %xor3A_152 = arith.xori %xor3A, %mul3A_151 : vector<16xi32>
        %convert_element_type3A_153 = arith.sitofp %xor3A_152 : vector<16xi32> to vector<16xf32>
        %lt3A = arith.constant 0 : i32
        %lt3A_154 = vector.broadcast %lt3A : i32 to vector<16xi32>
        %lt3A_155 = arith.cmpi slt, %xor3A_152, %lt3A_154 : vector<16xi32>
        %broadcast_in_dim3A_156 = arith.constant 4.2949673E+9 : f32
        %broadcast_in_dim3A_157 = vector.broadcast %broadcast_in_dim3A_156 : f32 to vector<16xf32>
        %broadcast_in_dim3A_158 = arith.constant 0.000000e+00 : f32
        %broadcast_in_dim3A_159 = vector.broadcast %broadcast_in_dim3A_158 : f32 to vector<16xf32>
        %select_n3A_160 = arith.select %lt3A_155, %broadcast_in_dim3A_157, %broadcast_in_dim3A_159 : vector<16xi1>, vector<16xf32>
        %add3A_161 = arith.addf %convert_element_type3A_153, %select_n3A_160 : vector<16xf32>
        %mul3A_162 = arith.constant 1.62760415E-7 : f32
        %mul3A_163 = vector.broadcast %mul3A_162 : f32 to vector<16xf32>
        %mul3A_164 = arith.mulf %add3A_161, %mul3A_163 : vector<16xf32>
        %convert_element_type3A_165 = arith.fptosi %mul3A_164 : vector<16xf32> to vector<16xi32>
        %mul3A_166 = arith.constant 6144000 : i32
        %mul3A_167 = vector.broadcast %mul3A_166 : i32 to vector<16xi32>
        %mul3A_168 = arith.muli %convert_element_type3A_165, %mul3A_167 : vector<16xi32>
        %sub3A_169 = arith.subi %xor3A_152, %mul3A_168 : vector<16xi32>
        %lt3A_170 = arith.constant 0 : i32
        %lt3A_171 = vector.broadcast %lt3A_170 : i32 to vector<16xi32>
        %lt3A_172 = arith.cmpi slt, %sub3A_169, %lt3A_171 : vector<16xi32>
        %broadcast_in_dim3A_173 = arith.constant 6144000 : i32
        %broadcast_in_dim3A_174 = vector.broadcast %broadcast_in_dim3A_173 : i32 to vector<16xi32>
        %broadcast_in_dim3A_175 = arith.constant 0 : i32
        %broadcast_in_dim3A_176 = vector.broadcast %broadcast_in_dim3A_175 : i32 to vector<16xi32>
        %select_n3A_177 = arith.select %lt3A_172, %broadcast_in_dim3A_174, %broadcast_in_dim3A_176 : vector<16xi1>, vector<16xi32>
        %add3A_178 = arith.addi %sub3A_169, %select_n3A_177 : vector<16xi32>
        %ge3A_179 = arith.constant 6144000 : i32
        %ge3A_180 = vector.broadcast %ge3A_179 : i32 to vector<16xi32>
        %ge3A_181 = arith.cmpi sge, %add3A_178, %ge3A_180 : vector<16xi32>
        %broadcast_in_dim3A_182 = arith.constant 6144000 : i32
        %broadcast_in_dim3A_183 = vector.broadcast %broadcast_in_dim3A_182 : i32 to vector<16xi32>
        %broadcast_in_dim3A_184 = arith.constant 0 : i32
        %broadcast_in_dim3A_185 = vector.broadcast %broadcast_in_dim3A_184 : i32 to vector<16xi32>
        %select_n3A_186 = arith.select %ge3A_181, %broadcast_in_dim3A_183, %broadcast_in_dim3A_185 : vector<16xi1>, vector<16xi32>
        %sub3A_187 = arith.subi %add3A_178, %select_n3A_186 : vector<16xi32>
        %add3A_188 = arith.constant 0 : i32
        %add3A_189 = arith.addi %add3A_188, %mul3A_37 : i32
        %swap3A = arith.index_cast %add3A_189 : i32 to index
        %swap3A_190 = tpu.vector_load %arg9[%swap3A] {strides = array<i32>} : memref<4096xi32, #tpu.memory_space<vmem>>, vector<16xi32>,
        tpu.vector_store %arg9[%swap3A], %sub3A_187 {strides = array<i32>} : memref<4096xi32, #tpu.memory_space<vmem>>, vector<16xi32>,
        %mul3A_191 = arith.constant -1640531535 : i32
        %mul3A_192 = vector.broadcast %mul3A_191 : i32 to vector<16xi32>
        %mul3A_193 = arith.muli %convert_element_type3A_89, %mul3A_192 : vector<16xi32>
        %xor3A_194 = arith.xori %convert_element_type3A, %mul3A_193 : vector<16xi32>
        %mul3A_195 = arith.constant 805459861 : i32
        %mul3A_196 = vector.broadcast %mul3A_195 : i32 to vector<16xi32>
        %mul3A_197 = arith.muli %min3A_133, %mul3A_196 : vector<16xi32>
        %xor3A_198 = arith.xori %xor3A_194, %mul3A_197 : vector<16xi32>
        %convert_element_type3A_199 = arith.sitofp %xor3A_198 : vector<16xi32> to vector<16xf32>
        %lt3A_200 = arith.constant 0 : i32
        %lt3A_201 = vector.broadcast %lt3A_200 : i32 to vector<16xi32>
        %lt3A_202 = arith.cmpi slt, %xor3A_198, %lt3A_201 : vector<16xi32>
        %broadcast_in_dim3A_203 = arith.constant 4.2949673E+9 : f32
        %broadcast_in_dim3A_204 = vector.broadcast %broadcast_in_dim3A_203 : f32 to vector<16xf32>
        %broadcast_in_dim3A_205 = arith.constant 0.000000e+00 : f32
        %broadcast_in_dim3A_206 = vector.broadcast %broadcast_in_dim3A_205 : f32 to vector<16xf32>
        %select_n3A_207 = arith.select %lt3A_202, %broadcast_in_dim3A_204, %broadcast_in_dim3A_206 : vector<16xi1>, vector<16xf32>
        %add3A_208 = arith.addf %convert_element_type3A_199, %select_n3A_207 : vector<16xf32>
        %mul3A_209 = arith.constant 1.62760415E-7 : f32
        %mul3A_210 = vector.broadcast %mul3A_209 : f32 to vector<16xf32>
        %mul3A_211 = arith.mulf %add3A_208, %mul3A_210 : vector<16xf32>
        %convert_element_type3A_212 = arith.fptosi %mul3A_211 : vector<16xf32> to vector<16xi32>
        %mul3A_213 = arith.constant 6144000 : i32
        %mul3A_214 = vector.broadcast %mul3A_213 : i32 to vector<16xi32>
        %mul3A_215 = arith.muli %convert_element_type3A_212, %mul3A_214 : vector<16xi32>
        %sub3A_216 = arith.subi %xor3A_198, %mul3A_215 : vector<16xi32>
        %lt3A_217 = arith.constant 0 : i32
        %lt3A_218 = vector.broadcast %lt3A_217 : i32 to vector<16xi32>
        %lt3A_219 = arith.cmpi slt, %sub3A_216, %lt3A_218 : vector<16xi32>
        %broadcast_in_dim3A_220 = arith.constant 6144000 : i32
        %broadcast_in_dim3A_221 = vector.broadcast %broadcast_in_dim3A_220 : i32 to vector<16xi32>
        %broadcast_in_dim3A_222 = arith.constant 0 : i32
        %broadcast_in_dim3A_223 = vector.broadcast %broadcast_in_dim3A_222 : i32 to vector<16xi32>
        %select_n3A_224 = arith.select %lt3A_219, %broadcast_in_dim3A_221, %broadcast_in_dim3A_223 : vector<16xi1>, vector<16xi32>
        %add3A_225 = arith.addi %sub3A_216, %select_n3A_224 : vector<16xi32>
        %ge3A_226 = arith.constant 6144000 : i32
        %ge3A_227 = vector.broadcast %ge3A_226 : i32 to vector<16xi32>
        %ge3A_228 = arith.cmpi sge, %add3A_225, %ge3A_227 : vector<16xi32>
        %broadcast_in_dim3A_229 = arith.constant 6144000 : i32
        %broadcast_in_dim3A_230 = vector.broadcast %broadcast_in_dim3A_229 : i32 to vector<16xi32>
        %broadcast_in_dim3A_231 = arith.constant 0 : i32
        %broadcast_in_dim3A_232 = vector.broadcast %broadcast_in_dim3A_231 : i32 to vector<16xi32>
        %select_n3A_233 = arith.select %ge3A_228, %broadcast_in_dim3A_230, %broadcast_in_dim3A_232 : vector<16xi1>, vector<16xi32>
        %sub3A_234 = arith.subi %add3A_225, %select_n3A_233 : vector<16xi32>
        %add3A_235 = arith.constant 512 : i32
        %add3A_236 = arith.addi %add3A_235, %mul3A_37 : i32
        %swap3A_237 = arith.index_cast %add3A_236 : i32 to index
        %swap3A_238 = tpu.vector_load %arg9[%swap3A_237] {strides = array<i32>} : memref<4096xi32, #tpu.memory_space<vmem>>, vector<16xi32>,
        tpu.vector_store %arg9[%swap3A_237], %sub3A_234 {strides = array<i32>} : memref<4096xi32, #tpu.memory_space<vmem>>, vector<16xi32>,
        %mul3A_239 = arith.constant -1640531535 : i32
        %mul3A_240 = vector.broadcast %mul3A_239 : i32 to vector<16xi32>
        %mul3A_241 = arith.muli %min3A_97, %mul3A_240 : vector<16xi32>
        %xor3A_242 = arith.xori %convert_element_type3A, %mul3A_241 : vector<16xi32>
        %mul3A_243 = arith.constant 805459861 : i32
        %mul3A_244 = vector.broadcast %mul3A_243 : i32 to vector<16xi32>
        %mul3A_245 = arith.muli %convert_element_type3A_125, %mul3A_244 : vector<16xi32>
        %xor3A_246 = arith.xori %xor3A_242, %mul3A_245 : vector<16xi32>
        %convert_element_type3A_247 = arith.sitofp %xor3A_246 : vector<16xi32> to vector<16xf32>
        %lt3A_248 = arith.constant 0 : i32
        %lt3A_249 = vector.broadcast %lt3A_248 : i32 to vector<16xi32>
        %lt3A_250 = arith.cmpi slt, %xor3A_246, %lt3A_249 : vector<16xi32>
        %broadcast_in_dim3A_251 = arith.constant 4.2949673E+9 : f32
        %broadcast_in_dim3A_252 = vector.broadcast %broadcast_in_dim3A_251 : f32 to vector<16xf32>
        %broadcast_in_dim3A_253 = arith.constant 0.000000e+00 : f32
        %broadcast_in_dim3A_254 = vector.broadcast %broadcast_in_dim3A_253 : f32 to vector<16xf32>
        %select_n3A_255 = arith.select %lt3A_250, %broadcast_in_dim3A_252, %broadcast_in_dim3A_254 : vector<16xi1>, vector<16xf32>
        %add3A_256 = arith.addf %convert_element_type3A_247, %select_n3A_255 : vector<16xf32>
        %mul3A_257 = arith.constant 1.62760415E-7 : f32
        %mul3A_258 = vector.broadcast %mul3A_257 : f32 to vector<16xf32>
        %mul3A_259 = arith.mulf %add3A_256, %mul3A_258 : vector<16xf32>
        %convert_element_type3A_260 = arith.fptosi %mul3A_259 : vector<16xf32> to vector<16xi32>
        %mul3A_261 = arith.constant 6144000 : i32
        %mul3A_262 = vector.broadcast %mul3A_261 : i32 to vector<16xi32>
        %mul3A_263 = arith.muli %convert_element_type3A_260, %mul3A_262 : vector<16xi32>
        %sub3A_264 = arith.subi %xor3A_246, %mul3A_263 : vector<16xi32>
        %lt3A_265 = arith.constant 0 : i32
        %lt3A_266 = vector.broadcast %lt3A_265 : i32 to vector<16xi32>
        %lt3A_267 = arith.cmpi slt, %sub3A_264, %lt3A_266 : vector<16xi32>
        %broadcast_in_dim3A_268 = arith.constant 6144000 : i32
        %broadcast_in_dim3A_269 = vector.broadcast %broadcast_in_dim3A_268 : i32 to vector<16xi32>
        %broadcast_in_dim3A_270 = arith.constant 0 : i32
        %broadcast_in_dim3A_271 = vector.broadcast %broadcast_in_dim3A_270 : i32 to vector<16xi32>
        %select_n3A_272 = arith.select %lt3A_267, %broadcast_in_dim3A_269, %broadcast_in_dim3A_271 : vector<16xi1>, vector<16xi32>
        %add3A_273 = arith.addi %sub3A_264, %select_n3A_272 : vector<16xi32>
        %ge3A_274 = arith.constant 6144000 : i32
        %ge3A_275 = vector.broadcast %ge3A_274 : i32 to vector<16xi32>
        %ge3A_276 = arith.cmpi sge, %add3A_273, %ge3A_275 : vector<16xi32>
        %broadcast_in_dim3A_277 = arith.constant 6144000 : i32
        %broadcast_in_dim3A_278 = vector.broadcast %broadcast_in_dim3A_277 : i32 to vector<16xi32>
        %broadcast_in_dim3A_279 = arith.constant 0 : i32
        %broadcast_in_dim3A_280 = vector.broadcast %broadcast_in_dim3A_279 : i32 to vector<16xi32>
        %select_n3A_281 = arith.select %ge3A_276, %broadcast_in_dim3A_278, %broadcast_in_dim3A_280 : vector<16xi1>, vector<16xi32>
        %sub3A_282 = arith.subi %add3A_273, %select_n3A_281 : vector<16xi32>
        %add3A_283 = arith.constant 1024 : i32
        %add3A_284 = arith.addi %add3A_283, %mul3A_37 : i32
        %swap3A_285 = arith.index_cast %add3A_284 : i32 to index
        %swap3A_286 = tpu.vector_load %arg9[%swap3A_285] {strides = array<i32>} : memref<4096xi32, #tpu.memory_space<vmem>>, vector<16xi32>,
        tpu.vector_store %arg9[%swap3A_285], %sub3A_282 {strides = array<i32>} : memref<4096xi32, #tpu.memory_space<vmem>>, vector<16xi32>,
        %mul3A_287 = arith.constant -1640531535 : i32
        %mul3A_288 = vector.broadcast %mul3A_287 : i32 to vector<16xi32>
        %mul3A_289 = arith.muli %min3A_97, %mul3A_288 : vector<16xi32>
        %xor3A_290 = arith.xori %convert_element_type3A, %mul3A_289 : vector<16xi32>
        %mul3A_291 = arith.constant 805459861 : i32
        %mul3A_292 = vector.broadcast %mul3A_291 : i32 to vector<16xi32>
        %mul3A_293 = arith.muli %min3A_133, %mul3A_292 : vector<16xi32>
        %xor3A_294 = arith.xori %xor3A_290, %mul3A_293 : vector<16xi32>
        %convert_element_type3A_295 = arith.sitofp %xor3A_294 : vector<16xi32> to vector<16xf32>
        %lt3A_296 = arith.constant 0 : i32
        %lt3A_297 = vector.broadcast %lt3A_296 : i32 to vector<16xi32>
        %lt3A_298 = arith.cmpi slt, %xor3A_294, %lt3A_297 : vector<16xi32>
        %broadcast_in_dim3A_299 = arith.constant 4.2949673E+9 : f32
        %broadcast_in_dim3A_300 = vector.broadcast %broadcast_in_dim3A_299 : f32 to vector<16xf32>
        %broadcast_in_dim3A_301 = arith.constant 0.000000e+00 : f32
        %broadcast_in_dim3A_302 = vector.broadcast %broadcast_in_dim3A_301 : f32 to vector<16xf32>
        %select_n3A_303 = arith.select %lt3A_298, %broadcast_in_dim3A_300, %broadcast_in_dim3A_302 : vector<16xi1>, vector<16xf32>
        %add3A_304 = arith.addf %convert_element_type3A_295, %select_n3A_303 : vector<16xf32>
        %mul3A_305 = arith.constant 1.62760415E-7 : f32
        %mul3A_306 = vector.broadcast %mul3A_305 : f32 to vector<16xf32>
        %mul3A_307 = arith.mulf %add3A_304, %mul3A_306 : vector<16xf32>
        %convert_element_type3A_308 = arith.fptosi %mul3A_307 : vector<16xf32> to vector<16xi32>
        %mul3A_309 = arith.constant 6144000 : i32
        %mul3A_310 = vector.broadcast %mul3A_309 : i32 to vector<16xi32>
        %mul3A_311 = arith.muli %convert_element_type3A_308, %mul3A_310 : vector<16xi32>
        %sub3A_312 = arith.subi %xor3A_294, %mul3A_311 : vector<16xi32>
        %lt3A_313 = arith.constant 0 : i32
        %lt3A_314 = vector.broadcast %lt3A_313 : i32 to vector<16xi32>
        %lt3A_315 = arith.cmpi slt, %sub3A_312, %lt3A_314 : vector<16xi32>
        %broadcast_in_dim3A_316 = arith.constant 6144000 : i32
        %broadcast_in_dim3A_317 = vector.broadcast %broadcast_in_dim3A_316 : i32 to vector<16xi32>
        %broadcast_in_dim3A_318 = arith.constant 0 : i32
        %broadcast_in_dim3A_319 = vector.broadcast %broadcast_in_dim3A_318 : i32 to vector<16xi32>
        %select_n3A_320 = arith.select %lt3A_315, %broadcast_in_dim3A_317, %broadcast_in_dim3A_319 : vector<16xi1>, vector<16xi32>
        %add3A_321 = arith.addi %sub3A_312, %select_n3A_320 : vector<16xi32>
        %ge3A_322 = arith.constant 6144000 : i32
        %ge3A_323 = vector.broadcast %ge3A_322 : i32 to vector<16xi32>
        %ge3A_324 = arith.cmpi sge, %add3A_321, %ge3A_323 : vector<16xi32>
        %broadcast_in_dim3A_325 = arith.constant 6144000 : i32
        %broadcast_in_dim3A_326 = vector.broadcast %broadcast_in_dim3A_325 : i32 to vector<16xi32>
        %broadcast_in_dim3A_327 = arith.constant 0 : i32
        %broadcast_in_dim3A_328 = vector.broadcast %broadcast_in_dim3A_327 : i32 to vector<16xi32>
        %select_n3A_329 = arith.select %ge3A_324, %broadcast_in_dim3A_326, %broadcast_in_dim3A_328 : vector<16xi1>, vector<16xi32>
        %sub3A_330 = arith.subi %add3A_321, %select_n3A_329 : vector<16xi32>
        %add3A_331 = arith.constant 1536 : i32
        %add3A_332 = arith.addi %add3A_331, %mul3A_37 : i32
        %swap3A_333 = arith.index_cast %add3A_332 : i32 to index
        %swap3A_334 = tpu.vector_load %arg9[%swap3A_333] {strides = array<i32>} : memref<4096xi32, #tpu.memory_space<vmem>>, vector<16xi32>,
        tpu.vector_store %arg9[%swap3A_333], %sub3A_330 {strides = array<i32>} : memref<4096xi32, #tpu.memory_space<vmem>>, vector<16xi32>,
        %mul3A_335 = arith.constant -1640531535 : i32
        %mul3A_336 = vector.broadcast %mul3A_335 : i32 to vector<16xi32>
        %mul3A_337 = arith.muli %convert_element_type3A_89, %mul3A_336 : vector<16xi32>
        %xor3A_338 = arith.xori %min3A_66, %mul3A_337 : vector<16xi32>
        %mul3A_339 = arith.constant 805459861 : i32
        %mul3A_340 = vector.broadcast %mul3A_339 : i32 to vector<16xi32>
        %mul3A_341 = arith.muli %convert_element_type3A_125, %mul3A_340 : vector<16xi32>
        %xor3A_342 = arith.xori %xor3A_338, %mul3A_341 : vector<16xi32>
        %convert_element_type3A_343 = arith.sitofp %xor3A_342 : vector<16xi32> to vector<16xf32>
        %lt3A_344 = arith.constant 0 : i32
        %lt3A_345 = vector.broadcast %lt3A_344 : i32 to vector<16xi32>
        %lt3A_346 = arith.cmpi slt, %xor3A_342, %lt3A_345 : vector<16xi32>
        %broadcast_in_dim3A_347 = arith.constant 4.2949673E+9 : f32
        %broadcast_in_dim3A_348 = vector.broadcast %broadcast_in_dim3A_347 : f32 to vector<16xf32>
        %broadcast_in_dim3A_349 = arith.constant 0.000000e+00 : f32
        %broadcast_in_dim3A_350 = vector.broadcast %broadcast_in_dim3A_349 : f32 to vector<16xf32>
        %select_n3A_351 = arith.select %lt3A_346, %broadcast_in_dim3A_348, %broadcast_in_dim3A_350 : vector<16xi1>, vector<16xf32>
        %add3A_352 = arith.addf %convert_element_type3A_343, %select_n3A_351 : vector<16xf32>
        %mul3A_353 = arith.constant 1.62760415E-7 : f32
        %mul3A_354 = vector.broadcast %mul3A_353 : f32 to vector<16xf32>
        %mul3A_355 = arith.mulf %add3A_352, %mul3A_354 : vector<16xf32>
        %convert_element_type3A_356 = arith.fptosi %mul3A_355 : vector<16xf32> to vector<16xi32>
        %mul3A_357 = arith.constant 6144000 : i32
        %mul3A_358 = vector.broadcast %mul3A_357 : i32 to vector<16xi32>
        %mul3A_359 = arith.muli %convert_element_type3A_356, %mul3A_358 : vector<16xi32>
        %sub3A_360 = arith.subi %xor3A_342, %mul3A_359 : vector<16xi32>
        %lt3A_361 = arith.constant 0 : i32
        %lt3A_362 = vector.broadcast %lt3A_361 : i32 to vector<16xi32>
        %lt3A_363 = arith.cmpi slt, %sub3A_360, %lt3A_362 : vector<16xi32>
        %broadcast_in_dim3A_364 = arith.constant 6144000 : i32
        %broadcast_in_dim3A_365 = vector.broadcast %broadcast_in_dim3A_364 : i32 to vector<16xi32>
        %broadcast_in_dim3A_366 = arith.constant 0 : i32
        %broadcast_in_dim3A_367 = vector.broadcast %broadcast_in_dim3A_366 : i32 to vector<16xi32>
        %select_n3A_368 = arith.select %lt3A_363, %broadcast_in_dim3A_365, %broadcast_in_dim3A_367 : vector<16xi1>, vector<16xi32>
        %add3A_369 = arith.addi %sub3A_360, %select_n3A_368 : vector<16xi32>
        %ge3A_370 = arith.constant 6144000 : i32
        %ge3A_371 = vector.broadcast %ge3A_370 : i32 to vector<16xi32>
        %ge3A_372 = arith.cmpi sge, %add3A_369, %ge3A_371 : vector<16xi32>
        %broadcast_in_dim3A_373 = arith.constant 6144000 : i32
        %broadcast_in_dim3A_374 = vector.broadcast %broadcast_in_dim3A_373 : i32 to vector<16xi32>
        %broadcast_in_dim3A_375 = arith.constant 0 : i32
        %broadcast_in_dim3A_376 = vector.broadcast %broadcast_in_dim3A_375 : i32 to vector<16xi32>
        %select_n3A_377 = arith.select %ge3A_372, %broadcast_in_dim3A_374, %broadcast_in_dim3A_376 : vector<16xi1>, vector<16xi32>
        %sub3A_378 = arith.subi %add3A_369, %select_n3A_377 : vector<16xi32>
        %add3A_379 = arith.constant 2048 : i32
        %add3A_380 = arith.addi %add3A_379, %mul3A_37 : i32
        %swap3A_381 = arith.index_cast %add3A_380 : i32 to index
        %swap3A_382 = tpu.vector_load %arg9[%swap3A_381] {strides = array<i32>} : memref<4096xi32, #tpu.memory_space<vmem>>, vector<16xi32>,
        tpu.vector_store %arg9[%swap3A_381], %sub3A_378 {strides = array<i32>} : memref<4096xi32, #tpu.memory_space<vmem>>, vector<16xi32>,
        %mul3A_383 = arith.constant -1640531535 : i32
        %mul3A_384 = vector.broadcast %mul3A_383 : i32 to vector<16xi32>
        %mul3A_385 = arith.muli %convert_element_type3A_89, %mul3A_384 : vector<16xi32>
        %xor3A_386 = arith.xori %min3A_66, %mul3A_385 : vector<16xi32>
        %mul3A_387 = arith.constant 805459861 : i32
        %mul3A_388 = vector.broadcast %mul3A_387 : i32 to vector<16xi32>
        %mul3A_389 = arith.muli %min3A_133, %mul3A_388 : vector<16xi32>
        %xor3A_390 = arith.xori %xor3A_386, %mul3A_389 : vector<16xi32>
        %convert_element_type3A_391 = arith.sitofp %xor3A_390 : vector<16xi32> to vector<16xf32>
        %lt3A_392 = arith.constant 0 : i32
        %lt3A_393 = vector.broadcast %lt3A_392 : i32 to vector<16xi32>
        %lt3A_394 = arith.cmpi slt, %xor3A_390, %lt3A_393 : vector<16xi32>
        %broadcast_in_dim3A_395 = arith.constant 4.2949673E+9 : f32
        %broadcast_in_dim3A_396 = vector.broadcast %broadcast_in_dim3A_395 : f32 to vector<16xf32>
        %broadcast_in_dim3A_397 = arith.constant 0.000000e+00 : f32
        %broadcast_in_dim3A_398 = vector.broadcast %broadcast_in_dim3A_397 : f32 to vector<16xf32>
        %select_n3A_399 = arith.select %lt3A_394, %broadcast_in_dim3A_396, %broadcast_in_dim3A_398 : vector<16xi1>, vector<16xf32>
        %add3A_400 = arith.addf %convert_element_type3A_391, %select_n3A_399 : vector<16xf32>
        %mul3A_401 = arith.constant 1.62760415E-7 : f32
        %mul3A_402 = vector.broadcast %mul3A_401 : f32 to vector<16xf32>
        %mul3A_403 = arith.mulf %add3A_400, %mul3A_402 : vector<16xf32>
        %convert_element_type3A_404 = arith.fptosi %mul3A_403 : vector<16xf32> to vector<16xi32>
        %mul3A_405 = arith.constant 6144000 : i32
        %mul3A_406 = vector.broadcast %mul3A_405 : i32 to vector<16xi32>
        %mul3A_407 = arith.muli %convert_element_type3A_404, %mul3A_406 : vector<16xi32>
        %sub3A_408 = arith.subi %xor3A_390, %mul3A_407 : vector<16xi32>
        %lt3A_409 = arith.constant 0 : i32
        %lt3A_410 = vector.broadcast %lt3A_409 : i32 to vector<16xi32>
        %lt3A_411 = arith.cmpi slt, %sub3A_408, %lt3A_410 : vector<16xi32>
        %broadcast_in_dim3A_412 = arith.constant 6144000 : i32
        %broadcast_in_dim3A_413 = vector.broadcast %broadcast_in_dim3A_412 : i32 to vector<16xi32>
        %broadcast_in_dim3A_414 = arith.constant 0 : i32
        %broadcast_in_dim3A_415 = vector.broadcast %broadcast_in_dim3A_414 : i32 to vector<16xi32>
        %select_n3A_416 = arith.select %lt3A_411, %broadcast_in_dim3A_413, %broadcast_in_dim3A_415 : vector<16xi1>, vector<16xi32>
        %add3A_417 = arith.addi %sub3A_408, %select_n3A_416 : vector<16xi32>
        %ge3A_418 = arith.constant 6144000 : i32
        %ge3A_419 = vector.broadcast %ge3A_418 : i32 to vector<16xi32>
        %ge3A_420 = arith.cmpi sge, %add3A_417, %ge3A_419 : vector<16xi32>
        %broadcast_in_dim3A_421 = arith.constant 6144000 : i32
        %broadcast_in_dim3A_422 = vector.broadcast %broadcast_in_dim3A_421 : i32 to vector<16xi32>
        %broadcast_in_dim3A_423 = arith.constant 0 : i32
        %broadcast_in_dim3A_424 = vector.broadcast %broadcast_in_dim3A_423 : i32 to vector<16xi32>
        %select_n3A_425 = arith.select %ge3A_420, %broadcast_in_dim3A_422, %broadcast_in_dim3A_424 : vector<16xi1>, vector<16xi32>
        %sub3A_426 = arith.subi %add3A_417, %select_n3A_425 : vector<16xi32>
        %add3A_427 = arith.constant 2560 : i32
        %add3A_428 = arith.addi %add3A_427, %mul3A_37 : i32
        %swap3A_429 = arith.index_cast %add3A_428 : i32 to index
        %swap3A_430 = tpu.vector_load %arg9[%swap3A_429] {strides = array<i32>} : memref<4096xi32, #tpu.memory_space<vmem>>, vector<16xi32>,
        tpu.vector_store %arg9[%swap3A_429], %sub3A_426 {strides = array<i32>} : memref<4096xi32, #tpu.memory_space<vmem>>, vector<16xi32>,
        %mul3A_431 = arith.constant -1640531535 : i32
        %mul3A_432 = vector.broadcast %mul3A_431 : i32 to vector<16xi32>
        %mul3A_433 = arith.muli %min3A_97, %mul3A_432 : vector<16xi32>
        %xor3A_434 = arith.xori %min3A_66, %mul3A_433 : vector<16xi32>
        %mul3A_435 = arith.constant 805459861 : i32
        %mul3A_436 = vector.broadcast %mul3A_435 : i32 to vector<16xi32>
        %mul3A_437 = arith.muli %convert_element_type3A_125, %mul3A_436 : vector<16xi32>
        %xor3A_438 = arith.xori %xor3A_434, %mul3A_437 : vector<16xi32>
        %convert_element_type3A_439 = arith.sitofp %xor3A_438 : vector<16xi32> to vector<16xf32>
        %lt3A_440 = arith.constant 0 : i32
        %lt3A_441 = vector.broadcast %lt3A_440 : i32 to vector<16xi32>
        %lt3A_442 = arith.cmpi slt, %xor3A_438, %lt3A_441 : vector<16xi32>
        %broadcast_in_dim3A_443 = arith.constant 4.2949673E+9 : f32
        %broadcast_in_dim3A_444 = vector.broadcast %broadcast_in_dim3A_443 : f32 to vector<16xf32>
        %broadcast_in_dim3A_445 = arith.constant 0.000000e+00 : f32
        %broadcast_in_dim3A_446 = vector.broadcast %broadcast_in_dim3A_445 : f32 to vector<16xf32>
        %select_n3A_447 = arith.select %lt3A_442, %broadcast_in_dim3A_444, %broadcast_in_dim3A_446 : vector<16xi1>, vector<16xf32>
        %add3A_448 = arith.addf %convert_element_type3A_439, %select_n3A_447 : vector<16xf32>
        %mul3A_449 = arith.constant 1.62760415E-7 : f32
        %mul3A_450 = vector.broadcast %mul3A_449 : f32 to vector<16xf32>
        %mul3A_451 = arith.mulf %add3A_448, %mul3A_450 : vector<16xf32>
        %convert_element_type3A_452 = arith.fptosi %mul3A_451 : vector<16xf32> to vector<16xi32>
        %mul3A_453 = arith.constant 6144000 : i32
        %mul3A_454 = vector.broadcast %mul3A_453 : i32 to vector<16xi32>
        %mul3A_455 = arith.muli %convert_element_type3A_452, %mul3A_454 : vector<16xi32>
        %sub3A_456 = arith.subi %xor3A_438, %mul3A_455 : vector<16xi32>
        %lt3A_457 = arith.constant 0 : i32
        %lt3A_458 = vector.broadcast %lt3A_457 : i32 to vector<16xi32>
        %lt3A_459 = arith.cmpi slt, %sub3A_456, %lt3A_458 : vector<16xi32>
        %broadcast_in_dim3A_460 = arith.constant 6144000 : i32
        %broadcast_in_dim3A_461 = vector.broadcast %broadcast_in_dim3A_460 : i32 to vector<16xi32>
        %broadcast_in_dim3A_462 = arith.constant 0 : i32
        %broadcast_in_dim3A_463 = vector.broadcast %broadcast_in_dim3A_462 : i32 to vector<16xi32>
        %select_n3A_464 = arith.select %lt3A_459, %broadcast_in_dim3A_461, %broadcast_in_dim3A_463 : vector<16xi1>, vector<16xi32>
        %add3A_465 = arith.addi %sub3A_456, %select_n3A_464 : vector<16xi32>
        %ge3A_466 = arith.constant 6144000 : i32
        %ge3A_467 = vector.broadcast %ge3A_466 : i32 to vector<16xi32>
        %ge3A_468 = arith.cmpi sge, %add3A_465, %ge3A_467 : vector<16xi32>
        %broadcast_in_dim3A_469 = arith.constant 6144000 : i32
        %broadcast_in_dim3A_470 = vector.broadcast %broadcast_in_dim3A_469 : i32 to vector<16xi32>
        %broadcast_in_dim3A_471 = arith.constant 0 : i32
        %broadcast_in_dim3A_472 = vector.broadcast %broadcast_in_dim3A_471 : i32 to vector<16xi32>
        %select_n3A_473 = arith.select %ge3A_468, %broadcast_in_dim3A_470, %broadcast_in_dim3A_472 : vector<16xi1>, vector<16xi32>
        %sub3A_474 = arith.subi %add3A_465, %select_n3A_473 : vector<16xi32>
        %add3A_475 = arith.constant 3072 : i32
        %add3A_476 = arith.addi %add3A_475, %mul3A_37 : i32
        %swap3A_477 = arith.index_cast %add3A_476 : i32 to index
        %swap3A_478 = tpu.vector_load %arg9[%swap3A_477] {strides = array<i32>} : memref<4096xi32, #tpu.memory_space<vmem>>, vector<16xi32>,
        tpu.vector_store %arg9[%swap3A_477], %sub3A_474 {strides = array<i32>} : memref<4096xi32, #tpu.memory_space<vmem>>, vector<16xi32>,
        %mul3A_479 = arith.constant -1640531535 : i32
        %mul3A_480 = vector.broadcast %mul3A_479 : i32 to vector<16xi32>
        %mul3A_481 = arith.muli %min3A_97, %mul3A_480 : vector<16xi32>
        %xor3A_482 = arith.xori %min3A_66, %mul3A_481 : vector<16xi32>
        %mul3A_483 = arith.constant 805459861 : i32
        %mul3A_484 = vector.broadcast %mul3A_483 : i32 to vector<16xi32>
        %mul3A_485 = arith.muli %min3A_133, %mul3A_484 : vector<16xi32>
        %xor3A_486 = arith.xori %xor3A_482, %mul3A_485 : vector<16xi32>
        %convert_element_type3A_487 = arith.sitofp %xor3A_486 : vector<16xi32> to vector<16xf32>
        %lt3A_488 = arith.constant 0 : i32
        %lt3A_489 = vector.broadcast %lt3A_488 : i32 to vector<16xi32>
        %lt3A_490 = arith.cmpi slt, %xor3A_486, %lt3A_489 : vector<16xi32>
        %broadcast_in_dim3A_491 = arith.constant 4.2949673E+9 : f32
        %broadcast_in_dim3A_492 = vector.broadcast %broadcast_in_dim3A_491 : f32 to vector<16xf32>
        %broadcast_in_dim3A_493 = arith.constant 0.000000e+00 : f32
        %broadcast_in_dim3A_494 = vector.broadcast %broadcast_in_dim3A_493 : f32 to vector<16xf32>
        %select_n3A_495 = arith.select %lt3A_490, %broadcast_in_dim3A_492, %broadcast_in_dim3A_494 : vector<16xi1>, vector<16xf32>
        %add3A_496 = arith.addf %convert_element_type3A_487, %select_n3A_495 : vector<16xf32>
        %mul3A_497 = arith.constant 1.62760415E-7 : f32
        %mul3A_498 = vector.broadcast %mul3A_497 : f32 to vector<16xf32>
        %mul3A_499 = arith.mulf %add3A_496, %mul3A_498 : vector<16xf32>
        %convert_element_type3A_500 = arith.fptosi %mul3A_499 : vector<16xf32> to vector<16xi32>
        %mul3A_501 = arith.constant 6144000 : i32
        %mul3A_502 = vector.broadcast %mul3A_501 : i32 to vector<16xi32>
        %mul3A_503 = arith.muli %convert_element_type3A_500, %mul3A_502 : vector<16xi32>
        %sub3A_504 = arith.subi %xor3A_486, %mul3A_503 : vector<16xi32>
        %lt3A_505 = arith.constant 0 : i32
        %lt3A_506 = vector.broadcast %lt3A_505 : i32 to vector<16xi32>
        %lt3A_507 = arith.cmpi slt, %sub3A_504, %lt3A_506 : vector<16xi32>
        %broadcast_in_dim3A_508 = arith.constant 6144000 : i32
        %broadcast_in_dim3A_509 = vector.broadcast %broadcast_in_dim3A_508 : i32 to vector<16xi32>
        %broadcast_in_dim3A_510 = arith.constant 0 : i32
        %broadcast_in_dim3A_511 = vector.broadcast %broadcast_in_dim3A_510 : i32 to vector<16xi32>
        %select_n3A_512 = arith.select %lt3A_507, %broadcast_in_dim3A_509, %broadcast_in_dim3A_511 : vector<16xi1>, vector<16xi32>
        %add3A_513 = arith.addi %sub3A_504, %select_n3A_512 : vector<16xi32>
        %ge3A_514 = arith.constant 6144000 : i32
        %ge3A_515 = vector.broadcast %ge3A_514 : i32 to vector<16xi32>
        %ge3A_516 = arith.cmpi sge, %add3A_513, %ge3A_515 : vector<16xi32>
        %broadcast_in_dim3A_517 = arith.constant 6144000 : i32
        %broadcast_in_dim3A_518 = vector.broadcast %broadcast_in_dim3A_517 : i32 to vector<16xi32>
        %broadcast_in_dim3A_519 = arith.constant 0 : i32
        %broadcast_in_dim3A_520 = vector.broadcast %broadcast_in_dim3A_519 : i32 to vector<16xi32>
        %select_n3A_521 = arith.select %ge3A_516, %broadcast_in_dim3A_518, %broadcast_in_dim3A_520 : vector<16xi1>, vector<16xi32>
        %sub3A_522 = arith.subi %add3A_513, %select_n3A_521 : vector<16xi32>
        %add3A_523 = arith.constant 3584 : i32
        %add3A_524 = arith.addi %add3A_523, %mul3A_37 : i32
        %swap3A_525 = arith.index_cast %add3A_524 : i32 to index
        %swap3A_526 = tpu.vector_load %arg9[%swap3A_525] {strides = array<i32>} : memref<4096xi32, #tpu.memory_space<vmem>>, vector<16xi32>,
        tpu.vector_store %arg9[%swap3A_525], %sub3A_522 {strides = array<i32>} : memref<4096xi32, #tpu.memory_space<vmem>>, vector<16xi32>,
        %abs3A = math.absf %get3A_38 : vector<16xf32>
        %le3A_527 = arith.constant 1.000000e+00 : f32
        %le3A_528 = vector.broadcast %le3A_527 : f32 to vector<16xf32>
        %le3A_529 = arith.cmpf ole, %abs3A, %le3A_528 : vector<16xf32>
        %abs3A_530 = math.absf %get3A_42 : vector<16xf32>
        %le3A_531 = arith.constant 1.000000e+00 : f32
        %le3A_532 = vector.broadcast %le3A_531 : f32 to vector<16xf32>
        %le3A_533 = arith.cmpf ole, %abs3A_530, %le3A_532 : vector<16xf32>
        %and3A_534 = arith.andi %le3A_529, %le3A_533 : vector<16xi1>
        %abs3A_535 = math.absf %get3A_46 : vector<16xf32>
        %le3A_536 = arith.constant 1.000000e+00 : f32
        %le3A_537 = vector.broadcast %le3A_536 : f32 to vector<16xf32>
        %le3A_538 = arith.cmpf ole, %abs3A_535, %le3A_537 : vector<16xf32>
        %and3A_539 = arith.andi %and3A_534, %le3A_538 : vector<16xi1>
        %broadcast_in_dim3A_540 = arith.constant 1 : i32
        %broadcast_in_dim3A_541 = vector.broadcast %broadcast_in_dim3A_540 : i32 to vector<16xi32>
        %broadcast_in_dim3A_542 = arith.constant 0 : i32
        %broadcast_in_dim3A_543 = vector.broadcast %broadcast_in_dim3A_542 : i32 to vector<16xi32>
        %select_n3A_544 = arith.select %and3A_539, %broadcast_in_dim3A_541, %broadcast_in_dim3A_543 : vector<16xi1>, vector<16xi32>
        %swap3A_545 = arith.index_cast %mul3A_37 : i32 to index
        %swap3A_546 = tpu.vector_load %arg12[%swap3A_545] {strides = array<i32>} : memref<512xi32, #tpu.memory_space<vmem>>, vector<16xi32>,
        tpu.vector_store %arg12[%swap3A_545], %select_n3A_544 {strides = array<i32>} : memref<512xi32, #tpu.memory_space<vmem>>, vector<16xi32>,
      }
      %scan3A_19 = arith.constant 32 : i32
      %dma_start3A = arith.constant 0 : i32
      %dma_start3A_20 = arith.constant 0 : i32
      %dma_start3A_21 = tpu.memref_slice %arg5[%dma_start3A, %dma_start3A_20] : memref<6144000x8xf32, #tpu.memory_space<hbm>> -> memref<6144000x8xf32, #tpu.memory_space<hbm>>
      tpu.enqueue_indirect_dma source(%dma_start3A_21 : memref<6144000x8xf32, #tpu.memory_space<hbm>>) target(%arg10 : memref<4096x8xf32, #tpu.memory_space<vmem>>) offsets(%arg9 : memref<4096xi32, #tpu.memory_space<vmem>>) semaphore(%arg13 : memref<!tpu.dma_semaphore, #tpu.memory_space<semaphore_mem>>)
      %dma_wait3A = arith.constant 0 : i32
      %dma_wait3A_22 = arith.constant 0 : i32
      %dma_wait3A_23 = tpu.memref_slice %arg5[%dma_wait3A, %dma_wait3A_22] : memref<6144000x8xf32, #tpu.memory_space<hbm>> -> memref<6144000x8xf32, #tpu.memory_space<hbm>>
      tpu.wait_indirect_dma semaphore(%arg13 : memref<!tpu.dma_semaphore, #tpu.memory_space<semaphore_mem>>) src(%dma_wait3A_23 : memref<6144000x8xf32, #tpu.memory_space<hbm>>) dst(%arg10 : memref<4096x8xf32, #tpu.memory_space<vmem>>)
      %scan3A_24 = arith.constant 0 : i32
      %scan3A_25 = arith.constant 32 : i32
      %scan3A_26 = arith.addi %scan3A_24, %scan3A_25 : i32
      %scan3A_27 = arith.constant 1 : i32
      scf.for %scan3A_31 = %scan3A_24 to %scan3A_26 step %scan3A_27  : i32 {
        %mul3A_32 = arith.constant 1 : i32
        %mul3A_33 = arith.muli %scan3A_31, %mul3A_32 : i32
        %add3A_34 = arith.constant 0 : i32
        %add3A_35 = arith.addi %add3A_34, %mul3A_33 : i32
        %mul3A_36 = arith.constant 16 : i32
        %mul3A_37 = arith.muli %add3A_35, %mul3A_36 : i32
        %get3A = arith.index_cast %mul3A_37 : i32 to index
        %get3A_38 = tpu.vector_load %arg8[%get3A] {strides = array<i32>} : memref<1536xf32, #tpu.memory_space<vmem>>, vector<16xf32>,
        %add3A_39 = arith.constant 512 : i32
        %add3A_40 = arith.addi %add3A_39, %mul3A_37 : i32
        %get3A_41 = arith.index_cast %add3A_40 : i32 to index
        %get3A_42 = tpu.vector_load %arg8[%get3A_41] {strides = array<i32>} : memref<1536xf32, #tpu.memory_space<vmem>>, vector<16xf32>,
        %add3A_43 = arith.constant 1024 : i32
        %add3A_44 = arith.addi %add3A_43, %mul3A_37 : i32
        %get3A_45 = arith.index_cast %add3A_44 : i32 to index
        %get3A_46 = tpu.vector_load %arg8[%get3A_45] {strides = array<i32>} : memref<1536xf32, #tpu.memory_space<vmem>>, vector<16xf32>,
        %add3A_47 = arith.constant 1.000000e+00 : f32
        %add3A_48 = vector.broadcast %add3A_47 : f32 to vector<16xf32>
        %add3A_49 = arith.addf %get3A_38, %add3A_48 : vector<16xf32>
        %mul3A_50 = arith.constant 5.000000e-01 : f32
        %mul3A_51 = vector.broadcast %mul3A_50 : f32 to vector<16xf32>
        %mul3A_52 = arith.mulf %add3A_49, %mul3A_51 : vector<16xf32>
        %mul3A_53 = arith.constant 1.023000e+03 : f32
        %mul3A_54 = vector.broadcast %mul3A_53 : f32 to vector<16xf32>
        %mul3A_55 = arith.mulf %mul3A_52, %mul3A_54 : vector<16xf32>
        %max3A = arith.constant 0.000000e+00 : f32
        %max3A_56 = vector.broadcast %max3A : f32 to vector<16xf32>
        %max3A_57 = arith.maximumf %mul3A_55, %max3A_56 : vector<16xf32>
        %min3A = arith.constant 1.023000e+03 : f32
        %min3A_58 = vector.broadcast %min3A : f32 to vector<16xf32>
        %min3A_59 = arith.minimumf %max3A_57, %min3A_58 : vector<16xf32>
        %convert_element_type3A = arith.fptosi %min3A_59 : vector<16xf32> to vector<16xi32>
        %convert_element_type3A_60 = arith.sitofp %convert_element_type3A : vector<16xi32> to vector<16xf32>
        %sub3A = arith.subf %min3A_59, %convert_element_type3A_60 : vector<16xf32>
        %add3A_61 = arith.constant 1 : i32
        %add3A_62 = vector.broadcast %add3A_61 : i32 to vector<16xi32>
        %add3A_63 = arith.addi %convert_element_type3A, %add3A_62 : vector<16xi32>
        %min3A_64 = arith.constant 1023 : i32
        %min3A_65 = vector.broadcast %min3A_64 : i32 to vector<16xi32>
        %min3A_66 = arith.minsi %add3A_63, %min3A_65 : vector<16xi32>
        %ge3A = arith.constant 0.000000e+00 : f32
        %ge3A_67 = vector.broadcast %ge3A : f32 to vector<16xf32>
        %ge3A_68 = arith.cmpf oge, %mul3A_55, %ge3A_67 : vector<16xf32>
        %le3A = arith.constant 1.023000e+03 : f32
        %le3A_69 = vector.broadcast %le3A : f32 to vector<16xf32>
        %le3A_70 = arith.cmpf ole, %mul3A_55, %le3A_69 : vector<16xf32>
        %and3A = arith.andi %ge3A_68, %le3A_70 : vector<16xi1>
        %broadcast_in_dim3A = arith.constant 5.115000e+02 : f32
        %broadcast_in_dim3A_71 = vector.broadcast %broadcast_in_dim3A : f32 to vector<16xf32>
        %broadcast_in_dim3A_72 = arith.constant 0.000000e+00 : f32
        %broadcast_in_dim3A_73 = vector.broadcast %broadcast_in_dim3A_72 : f32 to vector<16xf32>
        %select_n3A = arith.select %and3A, %broadcast_in_dim3A_71, %broadcast_in_dim3A_73 : vector<16xi1>, vector<16xf32>
        %add3A_74 = arith.constant 1.000000e+00 : f32
        %add3A_75 = vector.broadcast %add3A_74 : f32 to vector<16xf32>
        %add3A_76 = arith.addf %get3A_42, %add3A_75 : vector<16xf32>
        %mul3A_77 = arith.constant 5.000000e-01 : f32
        %mul3A_78 = vector.broadcast %mul3A_77 : f32 to vector<16xf32>
        %mul3A_79 = arith.mulf %add3A_76, %mul3A_78 : vector<16xf32>
        %mul3A_80 = arith.constant 1.023000e+03 : f32
        %mul3A_81 = vector.broadcast %mul3A_80 : f32 to vector<16xf32>
        %mul3A_82 = arith.mulf %mul3A_79, %mul3A_81 : vector<16xf32>
        %max3A_83 = arith.constant 0.000000e+00 : f32
        %max3A_84 = vector.broadcast %max3A_83 : f32 to vector<16xf32>
        %max3A_85 = arith.maximumf %mul3A_82, %max3A_84 : vector<16xf32>
        %min3A_86 = arith.constant 1.023000e+03 : f32
        %min3A_87 = vector.broadcast %min3A_86 : f32 to vector<16xf32>
        %min3A_88 = arith.minimumf %max3A_85, %min3A_87 : vector<16xf32>
        %convert_element_type3A_89 = arith.fptosi %min3A_88 : vector<16xf32> to vector<16xi32>
        %convert_element_type3A_90 = arith.sitofp %convert_element_type3A_89 : vector<16xi32> to vector<16xf32>
        %sub3A_91 = arith.subf %min3A_88, %convert_element_type3A_90 : vector<16xf32>
        %add3A_92 = arith.constant 1 : i32
        %add3A_93 = vector.broadcast %add3A_92 : i32 to vector<16xi32>
        %add3A_94 = arith.addi %convert_element_type3A_89, %add3A_93 : vector<16xi32>
        %min3A_95 = arith.constant 1023 : i32
        %min3A_96 = vector.broadcast %min3A_95 : i32 to vector<16xi32>
        %min3A_97 = arith.minsi %add3A_94, %min3A_96 : vector<16xi32>
        %ge3A_98 = arith.constant 0.000000e+00 : f32
        %ge3A_99 = vector.broadcast %ge3A_98 : f32 to vector<16xf32>
        %ge3A_100 = arith.cmpf oge, %mul3A_82, %ge3A_99 : vector<16xf32>
        %le3A_101 = arith.constant 1.023000e+03 : f32
        %le3A_102 = vector.broadcast %le3A_101 : f32 to vector<16xf32>
        %le3A_103 = arith.cmpf ole, %mul3A_82, %le3A_102 : vector<16xf32>
        %and3A_104 = arith.andi %ge3A_100, %le3A_103 : vector<16xi1>
        %broadcast_in_dim3A_105 = arith.constant 5.115000e+02 : f32
        %broadcast_in_dim3A_106 = vector.broadcast %broadcast_in_dim3A_105 : f32 to vector<16xf32>
        %broadcast_in_dim3A_107 = arith.constant 0.000000e+00 : f32
        %broadcast_in_dim3A_108 = vector.broadcast %broadcast_in_dim3A_107 : f32 to vector<16xf32>
        %select_n3A_109 = arith.select %and3A_104, %broadcast_in_dim3A_106, %broadcast_in_dim3A_108 : vector<16xi1>, vector<16xf32>
        %add3A_110 = arith.constant 1.000000e+00 : f32
        %add3A_111 = vector.broadcast %add3A_110 : f32 to vector<16xf32>
        %add3A_112 = arith.addf %get3A_46, %add3A_111 : vector<16xf32>
        %mul3A_113 = arith.constant 5.000000e-01 : f32
        %mul3A_114 = vector.broadcast %mul3A_113 : f32 to vector<16xf32>
        %mul3A_115 = arith.mulf %add3A_112, %mul3A_114 : vector<16xf32>
        %mul3A_116 = arith.constant 1.023000e+03 : f32
        %mul3A_117 = vector.broadcast %mul3A_116 : f32 to vector<16xf32>
        %mul3A_118 = arith.mulf %mul3A_115, %mul3A_117 : vector<16xf32>
        %max3A_119 = arith.constant 0.000000e+00 : f32
        %max3A_120 = vector.broadcast %max3A_119 : f32 to vector<16xf32>
        %max3A_121 = arith.maximumf %mul3A_118, %max3A_120 : vector<16xf32>
        %min3A_122 = arith.constant 1.023000e+03 : f32
        %min3A_123 = vector.broadcast %min3A_122 : f32 to vector<16xf32>
        %min3A_124 = arith.minimumf %max3A_121, %min3A_123 : vector<16xf32>
        %convert_element_type3A_125 = arith.fptosi %min3A_124 : vector<16xf32> to vector<16xi32>
        %convert_element_type3A_126 = arith.sitofp %convert_element_type3A_125 : vector<16xi32> to vector<16xf32>
        %sub3A_127 = arith.subf %min3A_124, %convert_element_type3A_126 : vector<16xf32>
        %add3A_128 = arith.constant 1 : i32
        %add3A_129 = vector.broadcast %add3A_128 : i32 to vector<16xi32>
        %add3A_130 = arith.addi %convert_element_type3A_125, %add3A_129 : vector<16xi32>
        %min3A_131 = arith.constant 1023 : i32
        %min3A_132 = vector.broadcast %min3A_131 : i32 to vector<16xi32>
        %min3A_133 = arith.minsi %add3A_130, %min3A_132 : vector<16xi32>
        %ge3A_134 = arith.constant 0.000000e+00 : f32
        %ge3A_135 = vector.broadcast %ge3A_134 : f32 to vector<16xf32>
        %ge3A_136 = arith.cmpf oge, %mul3A_118, %ge3A_135 : vector<16xf32>
        %le3A_137 = arith.constant 1.023000e+03 : f32
        %le3A_138 = vector.broadcast %le3A_137 : f32 to vector<16xf32>
        %le3A_139 = arith.cmpf ole, %mul3A_118, %le3A_138 : vector<16xf32>
        %and3A_140 = arith.andi %ge3A_136, %le3A_139 : vector<16xi1>
        %broadcast_in_dim3A_141 = arith.constant 5.115000e+02 : f32
        %broadcast_in_dim3A_142 = vector.broadcast %broadcast_in_dim3A_141 : f32 to vector<16xf32>
        %broadcast_in_dim3A_143 = arith.constant 0.000000e+00 : f32
        %broadcast_in_dim3A_144 = vector.broadcast %broadcast_in_dim3A_143 : f32 to vector<16xf32>
        %select_n3A_145 = arith.select %and3A_140, %broadcast_in_dim3A_142, %broadcast_in_dim3A_144 : vector<16xi1>, vector<16xf32>
        %sub3A_146 = arith.constant 1.000000e+00 : f32
        %sub3A_147 = vector.broadcast %sub3A_146 : f32 to vector<16xf32>
        %sub3A_148 = arith.subf %sub3A_147, %sub3A : vector<16xf32>
        %sub3A_149 = arith.constant 1.000000e+00 : f32
        %sub3A_150 = vector.broadcast %sub3A_149 : f32 to vector<16xf32>
        %sub3A_151 = arith.subf %sub3A_150, %sub3A_91 : vector<16xf32>
        %sub3A_152 = arith.constant 1.000000e+00 : f32
        %sub3A_153 = vector.broadcast %sub3A_152 : f32 to vector<16xf32>
        %sub3A_154 = arith.subf %sub3A_153, %sub3A_127 : vector<16xf32>
        %mul3A_155 = arith.mulf %sub3A_151, %sub3A_154 : vector<16xf32>
        %mul3A_156 = arith.mulf %sub3A_151, %sub3A_127 : vector<16xf32>
        %mul3A_157 = arith.mulf %sub3A_91, %sub3A_154 : vector<16xf32>
        %mul3A_158 = arith.mulf %sub3A_91, %sub3A_127 : vector<16xf32>
        %mul3A_159 = arith.mulf %sub3A_148, %sub3A_154 : vector<16xf32>
        %mul3A_160 = arith.mulf %sub3A_148, %sub3A_127 : vector<16xf32>
        %mul3A_161 = arith.mulf %sub3A, %sub3A_154 : vector<16xf32>
        %mul3A_162 = arith.mulf %sub3A, %sub3A_127 : vector<16xf32>
        %mul3A_163 = arith.mulf %sub3A_148, %sub3A_151 : vector<16xf32>
        %mul3A_164 = arith.mulf %sub3A_148, %sub3A_91 : vector<16xf32>
        %mul3A_165 = arith.mulf %sub3A, %sub3A_151 : vector<16xf32>
        %mul3A_166 = arith.mulf %sub3A, %sub3A_91 : vector<16xf32>
        %mul3A_167 = arith.mulf %mul3A_155, %select_n3A : vector<16xf32>
        %mul3A_168 = arith.mulf %mul3A_156, %select_n3A : vector<16xf32>
        %mul3A_169 = arith.mulf %mul3A_157, %select_n3A : vector<16xf32>
        %mul3A_170 = arith.mulf %mul3A_158, %select_n3A : vector<16xf32>
        %mul3A_171 = arith.mulf %mul3A_159, %select_n3A_109 : vector<16xf32>
        %mul3A_172 = arith.mulf %mul3A_160, %select_n3A_109 : vector<16xf32>
        %mul3A_173 = arith.mulf %mul3A_161, %select_n3A_109 : vector<16xf32>
        %mul3A_174 = arith.mulf %mul3A_162, %select_n3A_109 : vector<16xf32>
        %mul3A_175 = arith.mulf %mul3A_163, %select_n3A_145 : vector<16xf32>
        %mul3A_176 = arith.mulf %mul3A_164, %select_n3A_145 : vector<16xf32>
        %mul3A_177 = arith.mulf %mul3A_165, %select_n3A_145 : vector<16xf32>
        %mul3A_178 = arith.mulf %mul3A_166, %select_n3A_145 : vector<16xf32>
        %broadcast_in_dim3A_179 = arith.constant 0.000000e+00 : f32
        %broadcast_in_dim3A_180 = vector.broadcast %broadcast_in_dim3A_179 : f32 to vector<16xf32>
        %mul3A_181 = arith.mulf %sub3A_148, %mul3A_155 : vector<16xf32>
        %add3A_182 = arith.constant 0 : i32
        %add3A_183 = arith.addi %add3A_182, %mul3A_37 : i32
        %add3A_184 = vector.broadcast %add3A_183 : i32 to vector<16xi32>
        %add3A_185 = arith.addi %add3A_184, %iota3A : vector<16xi32>
        %broadcast_in_dim3A_186 = arith.constant 0 : i32
        %broadcast_in_dim3A_187 = vector.broadcast %broadcast_in_dim3A_186 : i32 to vector<16xi32>
        %gather3A = tpu.vector_load_idx %arg10[%add3A_185, %broadcast_in_dim3A_187] : memref<4096x8xf32, #tpu.memory_space<vmem>>[vector<16xi32>, vector<16xi32>], vector<16xf32>,
        %mul3A_188 = arith.mulf %mul3A_181, %gather3A : vector<16xf32>
        %add3A_189 = arith.addf %broadcast_in_dim3A_180, %mul3A_188 : vector<16xf32>
        %mul3A_190 = arith.mulf %mul3A_167, %gather3A : vector<16xf32>
        %sub3A_191 = arith.subf %broadcast_in_dim3A_180, %mul3A_190 : vector<16xf32>
        %mul3A_192 = arith.mulf %mul3A_171, %gather3A : vector<16xf32>
        %sub3A_193 = arith.subf %broadcast_in_dim3A_180, %mul3A_192 : vector<16xf32>
        %mul3A_194 = arith.mulf %mul3A_175, %gather3A : vector<16xf32>
        %sub3A_195 = arith.subf %broadcast_in_dim3A_180, %mul3A_194 : vector<16xf32>
        %broadcast_in_dim3A_196 = arith.constant 1 : i32
        %broadcast_in_dim3A_197 = vector.broadcast %broadcast_in_dim3A_196 : i32 to vector<16xi32>
        %gather3A_198 = tpu.vector_load_idx %arg10[%add3A_185, %broadcast_in_dim3A_197] : memref<4096x8xf32, #tpu.memory_space<vmem>>[vector<16xi32>, vector<16xi32>], vector<16xf32>,
        %mul3A_199 = arith.mulf %mul3A_181, %gather3A_198 : vector<16xf32>
        %add3A_200 = arith.addf %broadcast_in_dim3A_180, %mul3A_199 : vector<16xf32>
        %mul3A_201 = arith.mulf %mul3A_167, %gather3A_198 : vector<16xf32>
        %sub3A_202 = arith.subf %broadcast_in_dim3A_180, %mul3A_201 : vector<16xf32>
        %mul3A_203 = arith.mulf %mul3A_171, %gather3A_198 : vector<16xf32>
        %sub3A_204 = arith.subf %broadcast_in_dim3A_180, %mul3A_203 : vector<16xf32>
        %mul3A_205 = arith.mulf %mul3A_175, %gather3A_198 : vector<16xf32>
        %sub3A_206 = arith.subf %broadcast_in_dim3A_180, %mul3A_205 : vector<16xf32>
        %broadcast_in_dim3A_207 = arith.constant 2 : i32
        %broadcast_in_dim3A_208 = vector.broadcast %broadcast_in_dim3A_207 : i32 to vector<16xi32>
        %gather3A_209 = tpu.vector_load_idx %arg10[%add3A_185, %broadcast_in_dim3A_208] : memref<4096x8xf32, #tpu.memory_space<vmem>>[vector<16xi32>, vector<16xi32>], vector<16xf32>,
        %mul3A_210 = arith.mulf %mul3A_181, %gather3A_209 : vector<16xf32>
        %add3A_211 = arith.addf %broadcast_in_dim3A_180, %mul3A_210 : vector<16xf32>
        %mul3A_212 = arith.mulf %mul3A_167, %gather3A_209 : vector<16xf32>
        %sub3A_213 = arith.subf %broadcast_in_dim3A_180, %mul3A_212 : vector<16xf32>
        %mul3A_214 = arith.mulf %mul3A_171, %gather3A_209 : vector<16xf32>
        %sub3A_215 = arith.subf %broadcast_in_dim3A_180, %mul3A_214 : vector<16xf32>
        %mul3A_216 = arith.mulf %mul3A_175, %gather3A_209 : vector<16xf32>
        %sub3A_217 = arith.subf %broadcast_in_dim3A_180, %mul3A_216 : vector<16xf32>
        %broadcast_in_dim3A_218 = arith.constant 3 : i32
        %broadcast_in_dim3A_219 = vector.broadcast %broadcast_in_dim3A_218 : i32 to vector<16xi32>
        %gather3A_220 = tpu.vector_load_idx %arg10[%add3A_185, %broadcast_in_dim3A_219] : memref<4096x8xf32, #tpu.memory_space<vmem>>[vector<16xi32>, vector<16xi32>], vector<16xf32>,
        %mul3A_221 = arith.mulf %mul3A_181, %gather3A_220 : vector<16xf32>
        %add3A_222 = arith.addf %broadcast_in_dim3A_180, %mul3A_221 : vector<16xf32>
        %mul3A_223 = arith.mulf %mul3A_167, %gather3A_220 : vector<16xf32>
        %sub3A_224 = arith.subf %broadcast_in_dim3A_180, %mul3A_223 : vector<16xf32>
        %mul3A_225 = arith.mulf %mul3A_171, %gather3A_220 : vector<16xf32>
        %sub3A_226 = arith.subf %broadcast_in_dim3A_180, %mul3A_225 : vector<16xf32>
        %mul3A_227 = arith.mulf %mul3A_175, %gather3A_220 : vector<16xf32>
        %sub3A_228 = arith.subf %broadcast_in_dim3A_180, %mul3A_227 : vector<16xf32>
        %broadcast_in_dim3A_229 = arith.constant 4 : i32
        %broadcast_in_dim3A_230 = vector.broadcast %broadcast_in_dim3A_229 : i32 to vector<16xi32>
        %gather3A_231 = tpu.vector_load_idx %arg10[%add3A_185, %broadcast_in_dim3A_230] : memref<4096x8xf32, #tpu.memory_space<vmem>>[vector<16xi32>, vector<16xi32>], vector<16xf32>,
        %mul3A_232 = arith.mulf %mul3A_181, %gather3A_231 : vector<16xf32>
        %add3A_233 = arith.addf %broadcast_in_dim3A_180, %mul3A_232 : vector<16xf32>
        %mul3A_234 = arith.mulf %mul3A_167, %gather3A_231 : vector<16xf32>
        %sub3A_235 = arith.subf %broadcast_in_dim3A_180, %mul3A_234 : vector<16xf32>
        %mul3A_236 = arith.mulf %mul3A_171, %gather3A_231 : vector<16xf32>
        %sub3A_237 = arith.subf %broadcast_in_dim3A_180, %mul3A_236 : vector<16xf32>
        %mul3A_238 = arith.mulf %mul3A_175, %gather3A_231 : vector<16xf32>
        %sub3A_239 = arith.subf %broadcast_in_dim3A_180, %mul3A_238 : vector<16xf32>
        %broadcast_in_dim3A_240 = arith.constant 5 : i32
        %broadcast_in_dim3A_241 = vector.broadcast %broadcast_in_dim3A_240 : i32 to vector<16xi32>
        %gather3A_242 = tpu.vector_load_idx %arg10[%add3A_185, %broadcast_in_dim3A_241] : memref<4096x8xf32, #tpu.memory_space<vmem>>[vector<16xi32>, vector<16xi32>], vector<16xf32>,
        %mul3A_243 = arith.mulf %mul3A_181, %gather3A_242 : vector<16xf32>
        %add3A_244 = arith.addf %broadcast_in_dim3A_180, %mul3A_243 : vector<16xf32>
        %mul3A_245 = arith.mulf %mul3A_167, %gather3A_242 : vector<16xf32>
        %sub3A_246 = arith.subf %broadcast_in_dim3A_180, %mul3A_245 : vector<16xf32>
        %mul3A_247 = arith.mulf %mul3A_171, %gather3A_242 : vector<16xf32>
        %sub3A_248 = arith.subf %broadcast_in_dim3A_180, %mul3A_247 : vector<16xf32>
        %mul3A_249 = arith.mulf %mul3A_175, %gather3A_242 : vector<16xf32>
        %sub3A_250 = arith.subf %broadcast_in_dim3A_180, %mul3A_249 : vector<16xf32>
        %broadcast_in_dim3A_251 = arith.constant 6 : i32
        %broadcast_in_dim3A_252 = vector.broadcast %broadcast_in_dim3A_251 : i32 to vector<16xi32>
        %gather3A_253 = tpu.vector_load_idx %arg10[%add3A_185, %broadcast_in_dim3A_252] : memref<4096x8xf32, #tpu.memory_space<vmem>>[vector<16xi32>, vector<16xi32>], vector<16xf32>,
        %mul3A_254 = arith.mulf %mul3A_181, %gather3A_253 : vector<16xf32>
        %add3A_255 = arith.addf %broadcast_in_dim3A_180, %mul3A_254 : vector<16xf32>
        %mul3A_256 = arith.mulf %mul3A_167, %gather3A_253 : vector<16xf32>
        %sub3A_257 = arith.subf %broadcast_in_dim3A_180, %mul3A_256 : vector<16xf32>
        %mul3A_258 = arith.mulf %mul3A_171, %gather3A_253 : vector<16xf32>
        %sub3A_259 = arith.subf %broadcast_in_dim3A_180, %mul3A_258 : vector<16xf32>
        %mul3A_260 = arith.mulf %mul3A_175, %gather3A_253 : vector<16xf32>
        %sub3A_261 = arith.subf %broadcast_in_dim3A_180, %mul3A_260 : vector<16xf32>
        %broadcast_in_dim3A_262 = arith.constant 7 : i32
        %broadcast_in_dim3A_263 = vector.broadcast %broadcast_in_dim3A_262 : i32 to vector<16xi32>
        %gather3A_264 = tpu.vector_load_idx %arg10[%add3A_185, %broadcast_in_dim3A_263] : memref<4096x8xf32, #tpu.memory_space<vmem>>[vector<16xi32>, vector<16xi32>], vector<16xf32>,
        %mul3A_265 = arith.mulf %mul3A_181, %gather3A_264 : vector<16xf32>
        %add3A_266 = arith.addf %broadcast_in_dim3A_180, %mul3A_265 : vector<16xf32>
        %mul3A_267 = arith.mulf %mul3A_167, %gather3A_264 : vector<16xf32>
        %sub3A_268 = arith.subf %broadcast_in_dim3A_180, %mul3A_267 : vector<16xf32>
        %mul3A_269 = arith.mulf %mul3A_171, %gather3A_264 : vector<16xf32>
        %sub3A_270 = arith.subf %broadcast_in_dim3A_180, %mul3A_269 : vector<16xf32>
        %mul3A_271 = arith.mulf %mul3A_175, %gather3A_264 : vector<16xf32>
        %sub3A_272 = arith.subf %broadcast_in_dim3A_180, %mul3A_271 : vector<16xf32>
        %mul3A_273 = arith.mulf %sub3A_148, %mul3A_156 : vector<16xf32>
        %add3A_274 = arith.constant 512 : i32
        %add3A_275 = arith.addi %add3A_274, %mul3A_37 : i32
        %add3A_276 = vector.broadcast %add3A_275 : i32 to vector<16xi32>
        %add3A_277 = arith.addi %add3A_276, %iota3A : vector<16xi32>
        %broadcast_in_dim3A_278 = arith.constant 0 : i32
        %broadcast_in_dim3A_279 = vector.broadcast %broadcast_in_dim3A_278 : i32 to vector<16xi32>
        %gather3A_280 = tpu.vector_load_idx %arg10[%add3A_277, %broadcast_in_dim3A_279] : memref<4096x8xf32, #tpu.memory_space<vmem>>[vector<16xi32>, vector<16xi32>], vector<16xf32>,
        %mul3A_281 = arith.mulf %mul3A_273, %gather3A_280 : vector<16xf32>
        %add3A_282 = arith.addf %add3A_189, %mul3A_281 : vector<16xf32>
        %mul3A_283 = arith.mulf %mul3A_168, %gather3A_280 : vector<16xf32>
        %sub3A_284 = arith.subf %sub3A_191, %mul3A_283 : vector<16xf32>
        %mul3A_285 = arith.mulf %mul3A_172, %gather3A_280 : vector<16xf32>
        %sub3A_286 = arith.subf %sub3A_193, %mul3A_285 : vector<16xf32>
        %mul3A_287 = arith.mulf %mul3A_175, %gather3A_280 : vector<16xf32>
        %add3A_288 = arith.addf %sub3A_195, %mul3A_287 : vector<16xf32>
        %broadcast_in_dim3A_289 = arith.constant 1 : i32
        %broadcast_in_dim3A_290 = vector.broadcast %broadcast_in_dim3A_289 : i32 to vector<16xi32>
        %gather3A_291 = tpu.vector_load_idx %arg10[%add3A_277, %broadcast_in_dim3A_290] : memref<4096x8xf32, #tpu.memory_space<vmem>>[vector<16xi32>, vector<16xi32>], vector<16xf32>,
        %mul3A_292 = arith.mulf %mul3A_273, %gather3A_291 : vector<16xf32>
        %add3A_293 = arith.addf %add3A_200, %mul3A_292 : vector<16xf32>
        %mul3A_294 = arith.mulf %mul3A_168, %gather3A_291 : vector<16xf32>
        %sub3A_295 = arith.subf %sub3A_202, %mul3A_294 : vector<16xf32>
        %mul3A_296 = arith.mulf %mul3A_172, %gather3A_291 : vector<16xf32>
        %sub3A_297 = arith.subf %sub3A_204, %mul3A_296 : vector<16xf32>
        %mul3A_298 = arith.mulf %mul3A_175, %gather3A_291 : vector<16xf32>
        %add3A_299 = arith.addf %sub3A_206, %mul3A_298 : vector<16xf32>
        %broadcast_in_dim3A_300 = arith.constant 2 : i32
        %broadcast_in_dim3A_301 = vector.broadcast %broadcast_in_dim3A_300 : i32 to vector<16xi32>
        %gather3A_302 = tpu.vector_load_idx %arg10[%add3A_277, %broadcast_in_dim3A_301] : memref<4096x8xf32, #tpu.memory_space<vmem>>[vector<16xi32>, vector<16xi32>], vector<16xf32>,
        %mul3A_303 = arith.mulf %mul3A_273, %gather3A_302 : vector<16xf32>
        %add3A_304 = arith.addf %add3A_211, %mul3A_303 : vector<16xf32>
        %mul3A_305 = arith.mulf %mul3A_168, %gather3A_302 : vector<16xf32>
        %sub3A_306 = arith.subf %sub3A_213, %mul3A_305 : vector<16xf32>
        %mul3A_307 = arith.mulf %mul3A_172, %gather3A_302 : vector<16xf32>
        %sub3A_308 = arith.subf %sub3A_215, %mul3A_307 : vector<16xf32>
        %mul3A_309 = arith.mulf %mul3A_175, %gather3A_302 : vector<16xf32>
        %add3A_310 = arith.addf %sub3A_217, %mul3A_309 : vector<16xf32>
        %broadcast_in_dim3A_311 = arith.constant 3 : i32
        %broadcast_in_dim3A_312 = vector.broadcast %broadcast_in_dim3A_311 : i32 to vector<16xi32>
        %gather3A_313 = tpu.vector_load_idx %arg10[%add3A_277, %broadcast_in_dim3A_312] : memref<4096x8xf32, #tpu.memory_space<vmem>>[vector<16xi32>, vector<16xi32>], vector<16xf32>,
        %mul3A_314 = arith.mulf %mul3A_273, %gather3A_313 : vector<16xf32>
        %add3A_315 = arith.addf %add3A_222, %mul3A_314 : vector<16xf32>
        %mul3A_316 = arith.mulf %mul3A_168, %gather3A_313 : vector<16xf32>
        %sub3A_317 = arith.subf %sub3A_224, %mul3A_316 : vector<16xf32>
        %mul3A_318 = arith.mulf %mul3A_172, %gather3A_313 : vector<16xf32>
        %sub3A_319 = arith.subf %sub3A_226, %mul3A_318 : vector<16xf32>
        %mul3A_320 = arith.mulf %mul3A_175, %gather3A_313 : vector<16xf32>
        %add3A_321 = arith.addf %sub3A_228, %mul3A_320 : vector<16xf32>
        %broadcast_in_dim3A_322 = arith.constant 4 : i32
        %broadcast_in_dim3A_323 = vector.broadcast %broadcast_in_dim3A_322 : i32 to vector<16xi32>
        %gather3A_324 = tpu.vector_load_idx %arg10[%add3A_277, %broadcast_in_dim3A_323] : memref<4096x8xf32, #tpu.memory_space<vmem>>[vector<16xi32>, vector<16xi32>], vector<16xf32>,
        %mul3A_325 = arith.mulf %mul3A_273, %gather3A_324 : vector<16xf32>
        %add3A_326 = arith.addf %add3A_233, %mul3A_325 : vector<16xf32>
        %mul3A_327 = arith.mulf %mul3A_168, %gather3A_324 : vector<16xf32>
        %sub3A_328 = arith.subf %sub3A_235, %mul3A_327 : vector<16xf32>
        %mul3A_329 = arith.mulf %mul3A_172, %gather3A_324 : vector<16xf32>
        %sub3A_330 = arith.subf %sub3A_237, %mul3A_329 : vector<16xf32>
        %mul3A_331 = arith.mulf %mul3A_175, %gather3A_324 : vector<16xf32>
        %add3A_332 = arith.addf %sub3A_239, %mul3A_331 : vector<16xf32>
        %broadcast_in_dim3A_333 = arith.constant 5 : i32
        %broadcast_in_dim3A_334 = vector.broadcast %broadcast_in_dim3A_333 : i32 to vector<16xi32>
        %gather3A_335 = tpu.vector_load_idx %arg10[%add3A_277, %broadcast_in_dim3A_334] : memref<4096x8xf32, #tpu.memory_space<vmem>>[vector<16xi32>, vector<16xi32>], vector<16xf32>,
        %mul3A_336 = arith.mulf %mul3A_273, %gather3A_335 : vector<16xf32>
        %add3A_337 = arith.addf %add3A_244, %mul3A_336 : vector<16xf32>
        %mul3A_338 = arith.mulf %mul3A_168, %gather3A_335 : vector<16xf32>
        %sub3A_339 = arith.subf %sub3A_246, %mul3A_338 : vector<16xf32>
        %mul3A_340 = arith.mulf %mul3A_172, %gather3A_335 : vector<16xf32>
        %sub3A_341 = arith.subf %sub3A_248, %mul3A_340 : vector<16xf32>
        %mul3A_342 = arith.mulf %mul3A_175, %gather3A_335 : vector<16xf32>
        %add3A_343 = arith.addf %sub3A_250, %mul3A_342 : vector<16xf32>
        %broadcast_in_dim3A_344 = arith.constant 6 : i32
        %broadcast_in_dim3A_345 = vector.broadcast %broadcast_in_dim3A_344 : i32 to vector<16xi32>
        %gather3A_346 = tpu.vector_load_idx %arg10[%add3A_277, %broadcast_in_dim3A_345] : memref<4096x8xf32, #tpu.memory_space<vmem>>[vector<16xi32>, vector<16xi32>], vector<16xf32>,
        %mul3A_347 = arith.mulf %mul3A_273, %gather3A_346 : vector<16xf32>
        %add3A_348 = arith.addf %add3A_255, %mul3A_347 : vector<16xf32>
        %mul3A_349 = arith.mulf %mul3A_168, %gather3A_346 : vector<16xf32>
        %sub3A_350 = arith.subf %sub3A_257, %mul3A_349 : vector<16xf32>
        %mul3A_351 = arith.mulf %mul3A_172, %gather3A_346 : vector<16xf32>
        %sub3A_352 = arith.subf %sub3A_259, %mul3A_351 : vector<16xf32>
        %mul3A_353 = arith.mulf %mul3A_175, %gather3A_346 : vector<16xf32>
        %add3A_354 = arith.addf %sub3A_261, %mul3A_353 : vector<16xf32>
        %broadcast_in_dim3A_355 = arith.constant 7 : i32
        %broadcast_in_dim3A_356 = vector.broadcast %broadcast_in_dim3A_355 : i32 to vector<16xi32>
        %gather3A_357 = tpu.vector_load_idx %arg10[%add3A_277, %broadcast_in_dim3A_356] : memref<4096x8xf32, #tpu.memory_space<vmem>>[vector<16xi32>, vector<16xi32>], vector<16xf32>,
        %mul3A_358 = arith.mulf %mul3A_273, %gather3A_357 : vector<16xf32>
        %add3A_359 = arith.addf %add3A_266, %mul3A_358 : vector<16xf32>
        %mul3A_360 = arith.mulf %mul3A_168, %gather3A_357 : vector<16xf32>
        %sub3A_361 = arith.subf %sub3A_268, %mul3A_360 : vector<16xf32>
        %mul3A_362 = arith.mulf %mul3A_172, %gather3A_357 : vector<16xf32>
        %sub3A_363 = arith.subf %sub3A_270, %mul3A_362 : vector<16xf32>
        %mul3A_364 = arith.mulf %mul3A_175, %gather3A_357 : vector<16xf32>
        %add3A_365 = arith.addf %sub3A_272, %mul3A_364 : vector<16xf32>
        %mul3A_366 = arith.mulf %sub3A_148, %mul3A_157 : vector<16xf32>
        %add3A_367 = arith.constant 1024 : i32
        %add3A_368 = arith.addi %add3A_367, %mul3A_37 : i32
        %add3A_369 = vector.broadcast %add3A_368 : i32 to vector<16xi32>
        %add3A_370 = arith.addi %add3A_369, %iota3A : vector<16xi32>
        %broadcast_in_dim3A_371 = arith.constant 0 : i32
        %broadcast_in_dim3A_372 = vector.broadcast %broadcast_in_dim3A_371 : i32 to vector<16xi32>
        %gather3A_373 = tpu.vector_load_idx %arg10[%add3A_370, %broadcast_in_dim3A_372] : memref<4096x8xf32, #tpu.memory_space<vmem>>[vector<16xi32>, vector<16xi32>], vector<16xf32>,
        %mul3A_374 = arith.mulf %mul3A_366, %gather3A_373 : vector<16xf32>
        %add3A_375 = arith.addf %add3A_282, %mul3A_374 : vector<16xf32>
        %mul3A_376 = arith.mulf %mul3A_169, %gather3A_373 : vector<16xf32>
        %sub3A_377 = arith.subf %sub3A_284, %mul3A_376 : vector<16xf32>
        %mul3A_378 = arith.mulf %mul3A_171, %gather3A_373 : vector<16xf32>
        %add3A_379 = arith.addf %sub3A_286, %mul3A_378 : vector<16xf32>
        %mul3A_380 = arith.mulf %mul3A_176, %gather3A_373 : vector<16xf32>
        %sub3A_381 = arith.subf %add3A_288, %mul3A_380 : vector<16xf32>
        %broadcast_in_dim3A_382 = arith.constant 1 : i32
        %broadcast_in_dim3A_383 = vector.broadcast %broadcast_in_dim3A_382 : i32 to vector<16xi32>
        %gather3A_384 = tpu.vector_load_idx %arg10[%add3A_370, %broadcast_in_dim3A_383] : memref<4096x8xf32, #tpu.memory_space<vmem>>[vector<16xi32>, vector<16xi32>], vector<16xf32>,
        %mul3A_385 = arith.mulf %mul3A_366, %gather3A_384 : vector<16xf32>
        %add3A_386 = arith.addf %add3A_293, %mul3A_385 : vector<16xf32>
        %mul3A_387 = arith.mulf %mul3A_169, %gather3A_384 : vector<16xf32>
        %sub3A_388 = arith.subf %sub3A_295, %mul3A_387 : vector<16xf32>
        %mul3A_389 = arith.mulf %mul3A_171, %gather3A_384 : vector<16xf32>
        %add3A_390 = arith.addf %sub3A_297, %mul3A_389 : vector<16xf32>
        %mul3A_391 = arith.mulf %mul3A_176, %gather3A_384 : vector<16xf32>
        %sub3A_392 = arith.subf %add3A_299, %mul3A_391 : vector<16xf32>
        %broadcast_in_dim3A_393 = arith.constant 2 : i32
        %broadcast_in_dim3A_394 = vector.broadcast %broadcast_in_dim3A_393 : i32 to vector<16xi32>
        %gather3A_395 = tpu.vector_load_idx %arg10[%add3A_370, %broadcast_in_dim3A_394] : memref<4096x8xf32, #tpu.memory_space<vmem>>[vector<16xi32>, vector<16xi32>], vector<16xf32>,
        %mul3A_396 = arith.mulf %mul3A_366, %gather3A_395 : vector<16xf32>
        %add3A_397 = arith.addf %add3A_304, %mul3A_396 : vector<16xf32>
        %mul3A_398 = arith.mulf %mul3A_169, %gather3A_395 : vector<16xf32>
        %sub3A_399 = arith.subf %sub3A_306, %mul3A_398 : vector<16xf32>
        %mul3A_400 = arith.mulf %mul3A_171, %gather3A_395 : vector<16xf32>
        %add3A_401 = arith.addf %sub3A_308, %mul3A_400 : vector<16xf32>
        %mul3A_402 = arith.mulf %mul3A_176, %gather3A_395 : vector<16xf32>
        %sub3A_403 = arith.subf %add3A_310, %mul3A_402 : vector<16xf32>
        %broadcast_in_dim3A_404 = arith.constant 3 : i32
        %broadcast_in_dim3A_405 = vector.broadcast %broadcast_in_dim3A_404 : i32 to vector<16xi32>
        %gather3A_406 = tpu.vector_load_idx %arg10[%add3A_370, %broadcast_in_dim3A_405] : memref<4096x8xf32, #tpu.memory_space<vmem>>[vector<16xi32>, vector<16xi32>], vector<16xf32>,
        %mul3A_407 = arith.mulf %mul3A_366, %gather3A_406 : vector<16xf32>
        %add3A_408 = arith.addf %add3A_315, %mul3A_407 : vector<16xf32>
        %mul3A_409 = arith.mulf %mul3A_169, %gather3A_406 : vector<16xf32>
        %sub3A_410 = arith.subf %sub3A_317, %mul3A_409 : vector<16xf32>
        %mul3A_411 = arith.mulf %mul3A_171, %gather3A_406 : vector<16xf32>
        %add3A_412 = arith.addf %sub3A_319, %mul3A_411 : vector<16xf32>
        %mul3A_413 = arith.mulf %mul3A_176, %gather3A_406 : vector<16xf32>
        %sub3A_414 = arith.subf %add3A_321, %mul3A_413 : vector<16xf32>
        %broadcast_in_dim3A_415 = arith.constant 4 : i32
        %broadcast_in_dim3A_416 = vector.broadcast %broadcast_in_dim3A_415 : i32 to vector<16xi32>
        %gather3A_417 = tpu.vector_load_idx %arg10[%add3A_370, %broadcast_in_dim3A_416] : memref<4096x8xf32, #tpu.memory_space<vmem>>[vector<16xi32>, vector<16xi32>], vector<16xf32>,
        %mul3A_418 = arith.mulf %mul3A_366, %gather3A_417 : vector<16xf32>
        %add3A_419 = arith.addf %add3A_326, %mul3A_418 : vector<16xf32>
        %mul3A_420 = arith.mulf %mul3A_169, %gather3A_417 : vector<16xf32>
        %sub3A_421 = arith.subf %sub3A_328, %mul3A_420 : vector<16xf32>
        %mul3A_422 = arith.mulf %mul3A_171, %gather3A_417 : vector<16xf32>
        %add3A_423 = arith.addf %sub3A_330, %mul3A_422 : vector<16xf32>
        %mul3A_424 = arith.mulf %mul3A_176, %gather3A_417 : vector<16xf32>
        %sub3A_425 = arith.subf %add3A_332, %mul3A_424 : vector<16xf32>
        %broadcast_in_dim3A_426 = arith.constant 5 : i32
        %broadcast_in_dim3A_427 = vector.broadcast %broadcast_in_dim3A_426 : i32 to vector<16xi32>
        %gather3A_428 = tpu.vector_load_idx %arg10[%add3A_370, %broadcast_in_dim3A_427] : memref<4096x8xf32, #tpu.memory_space<vmem>>[vector<16xi32>, vector<16xi32>], vector<16xf32>,
        %mul3A_429 = arith.mulf %mul3A_366, %gather3A_428 : vector<16xf32>
        %add3A_430 = arith.addf %add3A_337, %mul3A_429 : vector<16xf32>
        %mul3A_431 = arith.mulf %mul3A_169, %gather3A_428 : vector<16xf32>
        %sub3A_432 = arith.subf %sub3A_339, %mul3A_431 : vector<16xf32>
        %mul3A_433 = arith.mulf %mul3A_171, %gather3A_428 : vector<16xf32>
        %add3A_434 = arith.addf %sub3A_341, %mul3A_433 : vector<16xf32>
        %mul3A_435 = arith.mulf %mul3A_176, %gather3A_428 : vector<16xf32>
        %sub3A_436 = arith.subf %add3A_343, %mul3A_435 : vector<16xf32>
        %broadcast_in_dim3A_437 = arith.constant 6 : i32
        %broadcast_in_dim3A_438 = vector.broadcast %broadcast_in_dim3A_437 : i32 to vector<16xi32>
        %gather3A_439 = tpu.vector_load_idx %arg10[%add3A_370, %broadcast_in_dim3A_438] : memref<4096x8xf32, #tpu.memory_space<vmem>>[vector<16xi32>, vector<16xi32>], vector<16xf32>,
        %mul3A_440 = arith.mulf %mul3A_366, %gather3A_439 : vector<16xf32>
        %add3A_441 = arith.addf %add3A_348, %mul3A_440 : vector<16xf32>
        %mul3A_442 = arith.mulf %mul3A_169, %gather3A_439 : vector<16xf32>
        %sub3A_443 = arith.subf %sub3A_350, %mul3A_442 : vector<16xf32>
        %mul3A_444 = arith.mulf %mul3A_171, %gather3A_439 : vector<16xf32>
        %add3A_445 = arith.addf %sub3A_352, %mul3A_444 : vector<16xf32>
        %mul3A_446 = arith.mulf %mul3A_176, %gather3A_439 : vector<16xf32>
        %sub3A_447 = arith.subf %add3A_354, %mul3A_446 : vector<16xf32>
        %broadcast_in_dim3A_448 = arith.constant 7 : i32
        %broadcast_in_dim3A_449 = vector.broadcast %broadcast_in_dim3A_448 : i32 to vector<16xi32>
        %gather3A_450 = tpu.vector_load_idx %arg10[%add3A_370, %broadcast_in_dim3A_449] : memref<4096x8xf32, #tpu.memory_space<vmem>>[vector<16xi32>, vector<16xi32>], vector<16xf32>,
        %mul3A_451 = arith.mulf %mul3A_366, %gather3A_450 : vector<16xf32>
        %add3A_452 = arith.addf %add3A_359, %mul3A_451 : vector<16xf32>
        %mul3A_453 = arith.mulf %mul3A_169, %gather3A_450 : vector<16xf32>
        %sub3A_454 = arith.subf %sub3A_361, %mul3A_453 : vector<16xf32>
        %mul3A_455 = arith.mulf %mul3A_171, %gather3A_450 : vector<16xf32>
        %add3A_456 = arith.addf %sub3A_363, %mul3A_455 : vector<16xf32>
        %mul3A_457 = arith.mulf %mul3A_176, %gather3A_450 : vector<16xf32>
        %sub3A_458 = arith.subf %add3A_365, %mul3A_457 : vector<16xf32>
        %mul3A_459 = arith.mulf %sub3A_148, %mul3A_158 : vector<16xf32>
        %add3A_460 = arith.constant 1536 : i32
        %add3A_461 = arith.addi %add3A_460, %mul3A_37 : i32
        %add3A_462 = vector.broadcast %add3A_461 : i32 to vector<16xi32>
        %add3A_463 = arith.addi %add3A_462, %iota3A : vector<16xi32>
        %broadcast_in_dim3A_464 = arith.constant 0 : i32
        %broadcast_in_dim3A_465 = vector.broadcast %broadcast_in_dim3A_464 : i32 to vector<16xi32>
        %gather3A_466 = tpu.vector_load_idx %arg10[%add3A_463, %broadcast_in_dim3A_465] : memref<4096x8xf32, #tpu.memory_space<vmem>>[vector<16xi32>, vector<16xi32>], vector<16xf32>,
        %mul3A_467 = arith.mulf %mul3A_459, %gather3A_466 : vector<16xf32>
        %add3A_468 = arith.addf %add3A_375, %mul3A_467 : vector<16xf32>
        %mul3A_469 = arith.mulf %mul3A_170, %gather3A_466 : vector<16xf32>
        %sub3A_470 = arith.subf %sub3A_377, %mul3A_469 : vector<16xf32>
        %mul3A_471 = arith.mulf %mul3A_172, %gather3A_466 : vector<16xf32>
        %add3A_472 = arith.addf %add3A_379, %mul3A_471 : vector<16xf32>
        %mul3A_473 = arith.mulf %mul3A_176, %gather3A_466 : vector<16xf32>
        %add3A_474 = arith.addf %sub3A_381, %mul3A_473 : vector<16xf32>
        %broadcast_in_dim3A_475 = arith.constant 1 : i32
        %broadcast_in_dim3A_476 = vector.broadcast %broadcast_in_dim3A_475 : i32 to vector<16xi32>
        %gather3A_477 = tpu.vector_load_idx %arg10[%add3A_463, %broadcast_in_dim3A_476] : memref<4096x8xf32, #tpu.memory_space<vmem>>[vector<16xi32>, vector<16xi32>], vector<16xf32>,
        %mul3A_478 = arith.mulf %mul3A_459, %gather3A_477 : vector<16xf32>
        %add3A_479 = arith.addf %add3A_386, %mul3A_478 : vector<16xf32>
        %mul3A_480 = arith.mulf %mul3A_170, %gather3A_477 : vector<16xf32>
        %sub3A_481 = arith.subf %sub3A_388, %mul3A_480 : vector<16xf32>
        %mul3A_482 = arith.mulf %mul3A_172, %gather3A_477 : vector<16xf32>
        %add3A_483 = arith.addf %add3A_390, %mul3A_482 : vector<16xf32>
        %mul3A_484 = arith.mulf %mul3A_176, %gather3A_477 : vector<16xf32>
        %add3A_485 = arith.addf %sub3A_392, %mul3A_484 : vector<16xf32>
        %broadcast_in_dim3A_486 = arith.constant 2 : i32
        %broadcast_in_dim3A_487 = vector.broadcast %broadcast_in_dim3A_486 : i32 to vector<16xi32>
        %gather3A_488 = tpu.vector_load_idx %arg10[%add3A_463, %broadcast_in_dim3A_487] : memref<4096x8xf32, #tpu.memory_space<vmem>>[vector<16xi32>, vector<16xi32>], vector<16xf32>,
        %mul3A_489 = arith.mulf %mul3A_459, %gather3A_488 : vector<16xf32>
        %add3A_490 = arith.addf %add3A_397, %mul3A_489 : vector<16xf32>
        %mul3A_491 = arith.mulf %mul3A_170, %gather3A_488 : vector<16xf32>
        %sub3A_492 = arith.subf %sub3A_399, %mul3A_491 : vector<16xf32>
        %mul3A_493 = arith.mulf %mul3A_172, %gather3A_488 : vector<16xf32>
        %add3A_494 = arith.addf %add3A_401, %mul3A_493 : vector<16xf32>
        %mul3A_495 = arith.mulf %mul3A_176, %gather3A_488 : vector<16xf32>
        %add3A_496 = arith.addf %sub3A_403, %mul3A_495 : vector<16xf32>
        %broadcast_in_dim3A_497 = arith.constant 3 : i32
        %broadcast_in_dim3A_498 = vector.broadcast %broadcast_in_dim3A_497 : i32 to vector<16xi32>
        %gather3A_499 = tpu.vector_load_idx %arg10[%add3A_463, %broadcast_in_dim3A_498] : memref<4096x8xf32, #tpu.memory_space<vmem>>[vector<16xi32>, vector<16xi32>], vector<16xf32>,
        %mul3A_500 = arith.mulf %mul3A_459, %gather3A_499 : vector<16xf32>
        %add3A_501 = arith.addf %add3A_408, %mul3A_500 : vector<16xf32>
        %mul3A_502 = arith.mulf %mul3A_170, %gather3A_499 : vector<16xf32>
        %sub3A_503 = arith.subf %sub3A_410, %mul3A_502 : vector<16xf32>
        %mul3A_504 = arith.mulf %mul3A_172, %gather3A_499 : vector<16xf32>
        %add3A_505 = arith.addf %add3A_412, %mul3A_504 : vector<16xf32>
        %mul3A_506 = arith.mulf %mul3A_176, %gather3A_499 : vector<16xf32>
        %add3A_507 = arith.addf %sub3A_414, %mul3A_506 : vector<16xf32>
        %broadcast_in_dim3A_508 = arith.constant 4 : i32
        %broadcast_in_dim3A_509 = vector.broadcast %broadcast_in_dim3A_508 : i32 to vector<16xi32>
        %gather3A_510 = tpu.vector_load_idx %arg10[%add3A_463, %broadcast_in_dim3A_509] : memref<4096x8xf32, #tpu.memory_space<vmem>>[vector<16xi32>, vector<16xi32>], vector<16xf32>,
        %mul3A_511 = arith.mulf %mul3A_459, %gather3A_510 : vector<16xf32>
        %add3A_512 = arith.addf %add3A_419, %mul3A_511 : vector<16xf32>
        %mul3A_513 = arith.mulf %mul3A_170, %gather3A_510 : vector<16xf32>
        %sub3A_514 = arith.subf %sub3A_421, %mul3A_513 : vector<16xf32>
        %mul3A_515 = arith.mulf %mul3A_172, %gather3A_510 : vector<16xf32>
        %add3A_516 = arith.addf %add3A_423, %mul3A_515 : vector<16xf32>
        %mul3A_517 = arith.mulf %mul3A_176, %gather3A_510 : vector<16xf32>
        %add3A_518 = arith.addf %sub3A_425, %mul3A_517 : vector<16xf32>
        %broadcast_in_dim3A_519 = arith.constant 5 : i32
        %broadcast_in_dim3A_520 = vector.broadcast %broadcast_in_dim3A_519 : i32 to vector<16xi32>
        %gather3A_521 = tpu.vector_load_idx %arg10[%add3A_463, %broadcast_in_dim3A_520] : memref<4096x8xf32, #tpu.memory_space<vmem>>[vector<16xi32>, vector<16xi32>], vector<16xf32>,
        %mul3A_522 = arith.mulf %mul3A_459, %gather3A_521 : vector<16xf32>
        %add3A_523 = arith.addf %add3A_430, %mul3A_522 : vector<16xf32>
        %mul3A_524 = arith.mulf %mul3A_170, %gather3A_521 : vector<16xf32>
        %sub3A_525 = arith.subf %sub3A_432, %mul3A_524 : vector<16xf32>
        %mul3A_526 = arith.mulf %mul3A_172, %gather3A_521 : vector<16xf32>
        %add3A_527 = arith.addf %add3A_434, %mul3A_526 : vector<16xf32>
        %mul3A_528 = arith.mulf %mul3A_176, %gather3A_521 : vector<16xf32>
        %add3A_529 = arith.addf %sub3A_436, %mul3A_528 : vector<16xf32>
        %broadcast_in_dim3A_530 = arith.constant 6 : i32
        %broadcast_in_dim3A_531 = vector.broadcast %broadcast_in_dim3A_530 : i32 to vector<16xi32>
        %gather3A_532 = tpu.vector_load_idx %arg10[%add3A_463, %broadcast_in_dim3A_531] : memref<4096x8xf32, #tpu.memory_space<vmem>>[vector<16xi32>, vector<16xi32>], vector<16xf32>,
        %mul3A_533 = arith.mulf %mul3A_459, %gather3A_532 : vector<16xf32>
        %add3A_534 = arith.addf %add3A_441, %mul3A_533 : vector<16xf32>
        %mul3A_535 = arith.mulf %mul3A_170, %gather3A_532 : vector<16xf32>
        %sub3A_536 = arith.subf %sub3A_443, %mul3A_535 : vector<16xf32>
        %mul3A_537 = arith.mulf %mul3A_172, %gather3A_532 : vector<16xf32>
        %add3A_538 = arith.addf %add3A_445, %mul3A_537 : vector<16xf32>
        %mul3A_539 = arith.mulf %mul3A_176, %gather3A_532 : vector<16xf32>
        %add3A_540 = arith.addf %sub3A_447, %mul3A_539 : vector<16xf32>
        %broadcast_in_dim3A_541 = arith.constant 7 : i32
        %broadcast_in_dim3A_542 = vector.broadcast %broadcast_in_dim3A_541 : i32 to vector<16xi32>
        %gather3A_543 = tpu.vector_load_idx %arg10[%add3A_463, %broadcast_in_dim3A_542] : memref<4096x8xf32, #tpu.memory_space<vmem>>[vector<16xi32>, vector<16xi32>], vector<16xf32>,
        %mul3A_544 = arith.mulf %mul3A_459, %gather3A_543 : vector<16xf32>
        %add3A_545 = arith.addf %add3A_452, %mul3A_544 : vector<16xf32>
        %mul3A_546 = arith.mulf %mul3A_170, %gather3A_543 : vector<16xf32>
        %sub3A_547 = arith.subf %sub3A_454, %mul3A_546 : vector<16xf32>
        %mul3A_548 = arith.mulf %mul3A_172, %gather3A_543 : vector<16xf32>
        %add3A_549 = arith.addf %add3A_456, %mul3A_548 : vector<16xf32>
        %mul3A_550 = arith.mulf %mul3A_176, %gather3A_543 : vector<16xf32>
        %add3A_551 = arith.addf %sub3A_458, %mul3A_550 : vector<16xf32>
        %mul3A_552 = arith.mulf %sub3A, %mul3A_155 : vector<16xf32>
        %add3A_553 = arith.constant 2048 : i32
        %add3A_554 = arith.addi %add3A_553, %mul3A_37 : i32
        %add3A_555 = vector.broadcast %add3A_554 : i32 to vector<16xi32>
        %add3A_556 = arith.addi %add3A_555, %iota3A : vector<16xi32>
        %broadcast_in_dim3A_557 = arith.constant 0 : i32
        %broadcast_in_dim3A_558 = vector.broadcast %broadcast_in_dim3A_557 : i32 to vector<16xi32>
        %gather3A_559 = tpu.vector_load_idx %arg10[%add3A_556, %broadcast_in_dim3A_558] : memref<4096x8xf32, #tpu.memory_space<vmem>>[vector<16xi32>, vector<16xi32>], vector<16xf32>,
        %mul3A_560 = arith.mulf %mul3A_552, %gather3A_559 : vector<16xf32>
        %add3A_561 = arith.addf %add3A_468, %mul3A_560 : vector<16xf32>
        %mul3A_562 = arith.mulf %mul3A_167, %gather3A_559 : vector<16xf32>
        %add3A_563 = arith.addf %sub3A_470, %mul3A_562 : vector<16xf32>
        %mul3A_564 = arith.mulf %mul3A_173, %gather3A_559 : vector<16xf32>
        %sub3A_565 = arith.subf %add3A_472, %mul3A_564 : vector<16xf32>
        %mul3A_566 = arith.mulf %mul3A_177, %gather3A_559 : vector<16xf32>
        %sub3A_567 = arith.subf %add3A_474, %mul3A_566 : vector<16xf32>
        %broadcast_in_dim3A_568 = arith.constant 1 : i32
        %broadcast_in_dim3A_569 = vector.broadcast %broadcast_in_dim3A_568 : i32 to vector<16xi32>
        %gather3A_570 = tpu.vector_load_idx %arg10[%add3A_556, %broadcast_in_dim3A_569] : memref<4096x8xf32, #tpu.memory_space<vmem>>[vector<16xi32>, vector<16xi32>], vector<16xf32>,
        %mul3A_571 = arith.mulf %mul3A_552, %gather3A_570 : vector<16xf32>
        %add3A_572 = arith.addf %add3A_479, %mul3A_571 : vector<16xf32>
        %mul3A_573 = arith.mulf %mul3A_167, %gather3A_570 : vector<16xf32>
        %add3A_574 = arith.addf %sub3A_481, %mul3A_573 : vector<16xf32>
        %mul3A_575 = arith.mulf %mul3A_173, %gather3A_570 : vector<16xf32>
        %sub3A_576 = arith.subf %add3A_483, %mul3A_575 : vector<16xf32>
        %mul3A_577 = arith.mulf %mul3A_177, %gather3A_570 : vector<16xf32>
        %sub3A_578 = arith.subf %add3A_485, %mul3A_577 : vector<16xf32>
        %broadcast_in_dim3A_579 = arith.constant 2 : i32
        %broadcast_in_dim3A_580 = vector.broadcast %broadcast_in_dim3A_579 : i32 to vector<16xi32>
        %gather3A_581 = tpu.vector_load_idx %arg10[%add3A_556, %broadcast_in_dim3A_580] : memref<4096x8xf32, #tpu.memory_space<vmem>>[vector<16xi32>, vector<16xi32>], vector<16xf32>,
        %mul3A_582 = arith.mulf %mul3A_552, %gather3A_581 : vector<16xf32>
        %add3A_583 = arith.addf %add3A_490, %mul3A_582 : vector<16xf32>
        %mul3A_584 = arith.mulf %mul3A_167, %gather3A_581 : vector<16xf32>
        %add3A_585 = arith.addf %sub3A_492, %mul3A_584 : vector<16xf32>
        %mul3A_586 = arith.mulf %mul3A_173, %gather3A_581 : vector<16xf32>
        %sub3A_587 = arith.subf %add3A_494, %mul3A_586 : vector<16xf32>
        %mul3A_588 = arith.mulf %mul3A_177, %gather3A_581 : vector<16xf32>
        %sub3A_589 = arith.subf %add3A_496, %mul3A_588 : vector<16xf32>
        %broadcast_in_dim3A_590 = arith.constant 3 : i32
        %broadcast_in_dim3A_591 = vector.broadcast %broadcast_in_dim3A_590 : i32 to vector<16xi32>
        %gather3A_592 = tpu.vector_load_idx %arg10[%add3A_556, %broadcast_in_dim3A_591] : memref<4096x8xf32, #tpu.memory_space<vmem>>[vector<16xi32>, vector<16xi32>], vector<16xf32>,
        %mul3A_593 = arith.mulf %mul3A_552, %gather3A_592 : vector<16xf32>
        %add3A_594 = arith.addf %add3A_501, %mul3A_593 : vector<16xf32>
        %mul3A_595 = arith.mulf %mul3A_167, %gather3A_592 : vector<16xf32>
        %add3A_596 = arith.addf %sub3A_503, %mul3A_595 : vector<16xf32>
        %mul3A_597 = arith.mulf %mul3A_173, %gather3A_592 : vector<16xf32>
        %sub3A_598 = arith.subf %add3A_505, %mul3A_597 : vector<16xf32>
        %mul3A_599 = arith.mulf %mul3A_177, %gather3A_592 : vector<16xf32>
        %sub3A_600 = arith.subf %add3A_507, %mul3A_599 : vector<16xf32>
        %broadcast_in_dim3A_601 = arith.constant 4 : i32
        %broadcast_in_dim3A_602 = vector.broadcast %broadcast_in_dim3A_601 : i32 to vector<16xi32>
        %gather3A_603 = tpu.vector_load_idx %arg10[%add3A_556, %broadcast_in_dim3A_602] : memref<4096x8xf32, #tpu.memory_space<vmem>>[vector<16xi32>, vector<16xi32>], vector<16xf32>,
        %mul3A_604 = arith.mulf %mul3A_552, %gather3A_603 : vector<16xf32>
        %add3A_605 = arith.addf %add3A_512, %mul3A_604 : vector<16xf32>
        %mul3A_606 = arith.mulf %mul3A_167, %gather3A_603 : vector<16xf32>
        %add3A_607 = arith.addf %sub3A_514, %mul3A_606 : vector<16xf32>
        %mul3A_608 = arith.mulf %mul3A_173, %gather3A_603 : vector<16xf32>
        %sub3A_609 = arith.subf %add3A_516, %mul3A_608 : vector<16xf32>
        %mul3A_610 = arith.mulf %mul3A_177, %gather3A_603 : vector<16xf32>
        %sub3A_611 = arith.subf %add3A_518, %mul3A_610 : vector<16xf32>
        %broadcast_in_dim3A_612 = arith.constant 5 : i32
        %broadcast_in_dim3A_613 = vector.broadcast %broadcast_in_dim3A_612 : i32 to vector<16xi32>
        %gather3A_614 = tpu.vector_load_idx %arg10[%add3A_556, %broadcast_in_dim3A_613] : memref<4096x8xf32, #tpu.memory_space<vmem>>[vector<16xi32>, vector<16xi32>], vector<16xf32>,
        %mul3A_615 = arith.mulf %mul3A_552, %gather3A_614 : vector<16xf32>
        %add3A_616 = arith.addf %add3A_523, %mul3A_615 : vector<16xf32>
        %mul3A_617 = arith.mulf %mul3A_167, %gather3A_614 : vector<16xf32>
        %add3A_618 = arith.addf %sub3A_525, %mul3A_617 : vector<16xf32>
        %mul3A_619 = arith.mulf %mul3A_173, %gather3A_614 : vector<16xf32>
        %sub3A_620 = arith.subf %add3A_527, %mul3A_619 : vector<16xf32>
        %mul3A_621 = arith.mulf %mul3A_177, %gather3A_614 : vector<16xf32>
        %sub3A_622 = arith.subf %add3A_529, %mul3A_621 : vector<16xf32>
        %broadcast_in_dim3A_623 = arith.constant 6 : i32
        %broadcast_in_dim3A_624 = vector.broadcast %broadcast_in_dim3A_623 : i32 to vector<16xi32>
        %gather3A_625 = tpu.vector_load_idx %arg10[%add3A_556, %broadcast_in_dim3A_624] : memref<4096x8xf32, #tpu.memory_space<vmem>>[vector<16xi32>, vector<16xi32>], vector<16xf32>,
        %mul3A_626 = arith.mulf %mul3A_552, %gather3A_625 : vector<16xf32>
        %add3A_627 = arith.addf %add3A_534, %mul3A_626 : vector<16xf32>
        %mul3A_628 = arith.mulf %mul3A_167, %gather3A_625 : vector<16xf32>
        %add3A_629 = arith.addf %sub3A_536, %mul3A_628 : vector<16xf32>
        %mul3A_630 = arith.mulf %mul3A_173, %gather3A_625 : vector<16xf32>
        %sub3A_631 = arith.subf %add3A_538, %mul3A_630 : vector<16xf32>
        %mul3A_632 = arith.mulf %mul3A_177, %gather3A_625 : vector<16xf32>
        %sub3A_633 = arith.subf %add3A_540, %mul3A_632 : vector<16xf32>
        %broadcast_in_dim3A_634 = arith.constant 7 : i32
        %broadcast_in_dim3A_635 = vector.broadcast %broadcast_in_dim3A_634 : i32 to vector<16xi32>
        %gather3A_636 = tpu.vector_load_idx %arg10[%add3A_556, %broadcast_in_dim3A_635] : memref<4096x8xf32, #tpu.memory_space<vmem>>[vector<16xi32>, vector<16xi32>], vector<16xf32>,
        %mul3A_637 = arith.mulf %mul3A_552, %gather3A_636 : vector<16xf32>
        %add3A_638 = arith.addf %add3A_545, %mul3A_637 : vector<16xf32>
        %mul3A_639 = arith.mulf %mul3A_167, %gather3A_636 : vector<16xf32>
        %add3A_640 = arith.addf %sub3A_547, %mul3A_639 : vector<16xf32>
        %mul3A_641 = arith.mulf %mul3A_173, %gather3A_636 : vector<16xf32>
        %sub3A_642 = arith.subf %add3A_549, %mul3A_641 : vector<16xf32>
        %mul3A_643 = arith.mulf %mul3A_177, %gather3A_636 : vector<16xf32>
        %sub3A_644 = arith.subf %add3A_551, %mul3A_643 : vector<16xf32>
        %mul3A_645 = arith.mulf %sub3A, %mul3A_156 : vector<16xf32>
        %add3A_646 = arith.constant 2560 : i32
        %add3A_647 = arith.addi %add3A_646, %mul3A_37 : i32
        %add3A_648 = vector.broadcast %add3A_647 : i32 to vector<16xi32>
        %add3A_649 = arith.addi %add3A_648, %iota3A : vector<16xi32>
        %broadcast_in_dim3A_650 = arith.constant 0 : i32
        %broadcast_in_dim3A_651 = vector.broadcast %broadcast_in_dim3A_650 : i32 to vector<16xi32>
        %gather3A_652 = tpu.vector_load_idx %arg10[%add3A_649, %broadcast_in_dim3A_651] : memref<4096x8xf32, #tpu.memory_space<vmem>>[vector<16xi32>, vector<16xi32>], vector<16xf32>,
        %mul3A_653 = arith.mulf %mul3A_645, %gather3A_652 : vector<16xf32>
        %add3A_654 = arith.addf %add3A_561, %mul3A_653 : vector<16xf32>
        %mul3A_655 = arith.mulf %mul3A_168, %gather3A_652 : vector<16xf32>
        %add3A_656 = arith.addf %add3A_563, %mul3A_655 : vector<16xf32>
        %mul3A_657 = arith.mulf %mul3A_174, %gather3A_652 : vector<16xf32>
        %sub3A_658 = arith.subf %sub3A_565, %mul3A_657 : vector<16xf32>
        %mul3A_659 = arith.mulf %mul3A_177, %gather3A_652 : vector<16xf32>
        %add3A_660 = arith.addf %sub3A_567, %mul3A_659 : vector<16xf32>
        %broadcast_in_dim3A_661 = arith.constant 1 : i32
        %broadcast_in_dim3A_662 = vector.broadcast %broadcast_in_dim3A_661 : i32 to vector<16xi32>
        %gather3A_663 = tpu.vector_load_idx %arg10[%add3A_649, %broadcast_in_dim3A_662] : memref<4096x8xf32, #tpu.memory_space<vmem>>[vector<16xi32>, vector<16xi32>], vector<16xf32>,
        %mul3A_664 = arith.mulf %mul3A_645, %gather3A_663 : vector<16xf32>
        %add3A_665 = arith.addf %add3A_572, %mul3A_664 : vector<16xf32>
        %mul3A_666 = arith.mulf %mul3A_168, %gather3A_663 : vector<16xf32>
        %add3A_667 = arith.addf %add3A_574, %mul3A_666 : vector<16xf32>
        %mul3A_668 = arith.mulf %mul3A_174, %gather3A_663 : vector<16xf32>
        %sub3A_669 = arith.subf %sub3A_576, %mul3A_668 : vector<16xf32>
        %mul3A_670 = arith.mulf %mul3A_177, %gather3A_663 : vector<16xf32>
        %add3A_671 = arith.addf %sub3A_578, %mul3A_670 : vector<16xf32>
        %broadcast_in_dim3A_672 = arith.constant 2 : i32
        %broadcast_in_dim3A_673 = vector.broadcast %broadcast_in_dim3A_672 : i32 to vector<16xi32>
        %gather3A_674 = tpu.vector_load_idx %arg10[%add3A_649, %broadcast_in_dim3A_673] : memref<4096x8xf32, #tpu.memory_space<vmem>>[vector<16xi32>, vector<16xi32>], vector<16xf32>,
        %mul3A_675 = arith.mulf %mul3A_645, %gather3A_674 : vector<16xf32>
        %add3A_676 = arith.addf %add3A_583, %mul3A_675 : vector<16xf32>
        %mul3A_677 = arith.mulf %mul3A_168, %gather3A_674 : vector<16xf32>
        %add3A_678 = arith.addf %add3A_585, %mul3A_677 : vector<16xf32>
        %mul3A_679 = arith.mulf %mul3A_174, %gather3A_674 : vector<16xf32>
        %sub3A_680 = arith.subf %sub3A_587, %mul3A_679 : vector<16xf32>
        %mul3A_681 = arith.mulf %mul3A_177, %gather3A_674 : vector<16xf32>
        %add3A_682 = arith.addf %sub3A_589, %mul3A_681 : vector<16xf32>
        %broadcast_in_dim3A_683 = arith.constant 3 : i32
        %broadcast_in_dim3A_684 = vector.broadcast %broadcast_in_dim3A_683 : i32 to vector<16xi32>
        %gather3A_685 = tpu.vector_load_idx %arg10[%add3A_649, %broadcast_in_dim3A_684] : memref<4096x8xf32, #tpu.memory_space<vmem>>[vector<16xi32>, vector<16xi32>], vector<16xf32>,
        %mul3A_686 = arith.mulf %mul3A_645, %gather3A_685 : vector<16xf32>
        %add3A_687 = arith.addf %add3A_594, %mul3A_686 : vector<16xf32>
        %mul3A_688 = arith.mulf %mul3A_168, %gather3A_685 : vector<16xf32>
        %add3A_689 = arith.addf %add3A_596, %mul3A_688 : vector<16xf32>
        %mul3A_690 = arith.mulf %mul3A_174, %gather3A_685 : vector<16xf32>
        %sub3A_691 = arith.subf %sub3A_598, %mul3A_690 : vector<16xf32>
        %mul3A_692 = arith.mulf %mul3A_177, %gather3A_685 : vector<16xf32>
        %add3A_693 = arith.addf %sub3A_600, %mul3A_692 : vector<16xf32>
        %broadcast_in_dim3A_694 = arith.constant 4 : i32
        %broadcast_in_dim3A_695 = vector.broadcast %broadcast_in_dim3A_694 : i32 to vector<16xi32>
        %gather3A_696 = tpu.vector_load_idx %arg10[%add3A_649, %broadcast_in_dim3A_695] : memref<4096x8xf32, #tpu.memory_space<vmem>>[vector<16xi32>, vector<16xi32>], vector<16xf32>,
        %mul3A_697 = arith.mulf %mul3A_645, %gather3A_696 : vector<16xf32>
        %add3A_698 = arith.addf %add3A_605, %mul3A_697 : vector<16xf32>
        %mul3A_699 = arith.mulf %mul3A_168, %gather3A_696 : vector<16xf32>
        %add3A_700 = arith.addf %add3A_607, %mul3A_699 : vector<16xf32>
        %mul3A_701 = arith.mulf %mul3A_174, %gather3A_696 : vector<16xf32>
        %sub3A_702 = arith.subf %sub3A_609, %mul3A_701 : vector<16xf32>
        %mul3A_703 = arith.mulf %mul3A_177, %gather3A_696 : vector<16xf32>
        %add3A_704 = arith.addf %sub3A_611, %mul3A_703 : vector<16xf32>
        %broadcast_in_dim3A_705 = arith.constant 5 : i32
        %broadcast_in_dim3A_706 = vector.broadcast %broadcast_in_dim3A_705 : i32 to vector<16xi32>
        %gather3A_707 = tpu.vector_load_idx %arg10[%add3A_649, %broadcast_in_dim3A_706] : memref<4096x8xf32, #tpu.memory_space<vmem>>[vector<16xi32>, vector<16xi32>], vector<16xf32>,
        %mul3A_708 = arith.mulf %mul3A_645, %gather3A_707 : vector<16xf32>
        %add3A_709 = arith.addf %add3A_616, %mul3A_708 : vector<16xf32>
        %mul3A_710 = arith.mulf %mul3A_168, %gather3A_707 : vector<16xf32>
        %add3A_711 = arith.addf %add3A_618, %mul3A_710 : vector<16xf32>
        %mul3A_712 = arith.mulf %mul3A_174, %gather3A_707 : vector<16xf32>
        %sub3A_713 = arith.subf %sub3A_620, %mul3A_712 : vector<16xf32>
        %mul3A_714 = arith.mulf %mul3A_177, %gather3A_707 : vector<16xf32>
        %add3A_715 = arith.addf %sub3A_622, %mul3A_714 : vector<16xf32>
        %broadcast_in_dim3A_716 = arith.constant 6 : i32
        %broadcast_in_dim3A_717 = vector.broadcast %broadcast_in_dim3A_716 : i32 to vector<16xi32>
        %gather3A_718 = tpu.vector_load_idx %arg10[%add3A_649, %broadcast_in_dim3A_717] : memref<4096x8xf32, #tpu.memory_space<vmem>>[vector<16xi32>, vector<16xi32>], vector<16xf32>,
        %mul3A_719 = arith.mulf %mul3A_645, %gather3A_718 : vector<16xf32>
        %add3A_720 = arith.addf %add3A_627, %mul3A_719 : vector<16xf32>
        %mul3A_721 = arith.mulf %mul3A_168, %gather3A_718 : vector<16xf32>
        %add3A_722 = arith.addf %add3A_629, %mul3A_721 : vector<16xf32>
        %mul3A_723 = arith.mulf %mul3A_174, %gather3A_718 : vector<16xf32>
        %sub3A_724 = arith.subf %sub3A_631, %mul3A_723 : vector<16xf32>
        %mul3A_725 = arith.mulf %mul3A_177, %gather3A_718 : vector<16xf32>
        %add3A_726 = arith.addf %sub3A_633, %mul3A_725 : vector<16xf32>
        %broadcast_in_dim3A_727 = arith.constant 7 : i32
        %broadcast_in_dim3A_728 = vector.broadcast %broadcast_in_dim3A_727 : i32 to vector<16xi32>
        %gather3A_729 = tpu.vector_load_idx %arg10[%add3A_649, %broadcast_in_dim3A_728] : memref<4096x8xf32, #tpu.memory_space<vmem>>[vector<16xi32>, vector<16xi32>], vector<16xf32>,
        %mul3A_730 = arith.mulf %mul3A_645, %gather3A_729 : vector<16xf32>
        %add3A_731 = arith.addf %add3A_638, %mul3A_730 : vector<16xf32>
        %mul3A_732 = arith.mulf %mul3A_168, %gather3A_729 : vector<16xf32>
        %add3A_733 = arith.addf %add3A_640, %mul3A_732 : vector<16xf32>
        %mul3A_734 = arith.mulf %mul3A_174, %gather3A_729 : vector<16xf32>
        %sub3A_735 = arith.subf %sub3A_642, %mul3A_734 : vector<16xf32>
        %mul3A_736 = arith.mulf %mul3A_177, %gather3A_729 : vector<16xf32>
        %add3A_737 = arith.addf %sub3A_644, %mul3A_736 : vector<16xf32>
        %mul3A_738 = arith.mulf %sub3A, %mul3A_157 : vector<16xf32>
        %add3A_739 = arith.constant 3072 : i32
        %add3A_740 = arith.addi %add3A_739, %mul3A_37 : i32
        %add3A_741 = vector.broadcast %add3A_740 : i32 to vector<16xi32>
        %add3A_742 = arith.addi %add3A_741, %iota3A : vector<16xi32>
        %broadcast_in_dim3A_743 = arith.constant 0 : i32
        %broadcast_in_dim3A_744 = vector.broadcast %broadcast_in_dim3A_743 : i32 to vector<16xi32>
        %gather3A_745 = tpu.vector_load_idx %arg10[%add3A_742, %broadcast_in_dim3A_744] : memref<4096x8xf32, #tpu.memory_space<vmem>>[vector<16xi32>, vector<16xi32>], vector<16xf32>,
        %mul3A_746 = arith.mulf %mul3A_738, %gather3A_745 : vector<16xf32>
        %add3A_747 = arith.addf %add3A_654, %mul3A_746 : vector<16xf32>
        %mul3A_748 = arith.mulf %mul3A_169, %gather3A_745 : vector<16xf32>
        %add3A_749 = arith.addf %add3A_656, %mul3A_748 : vector<16xf32>
        %mul3A_750 = arith.mulf %mul3A_173, %gather3A_745 : vector<16xf32>
        %add3A_751 = arith.addf %sub3A_658, %mul3A_750 : vector<16xf32>
        %mul3A_752 = arith.mulf %mul3A_178, %gather3A_745 : vector<16xf32>
        %sub3A_753 = arith.subf %add3A_660, %mul3A_752 : vector<16xf32>
        %broadcast_in_dim3A_754 = arith.constant 1 : i32
        %broadcast_in_dim3A_755 = vector.broadcast %broadcast_in_dim3A_754 : i32 to vector<16xi32>
        %gather3A_756 = tpu.vector_load_idx %arg10[%add3A_742, %broadcast_in_dim3A_755] : memref<4096x8xf32, #tpu.memory_space<vmem>>[vector<16xi32>, vector<16xi32>], vector<16xf32>,
        %mul3A_757 = arith.mulf %mul3A_738, %gather3A_756 : vector<16xf32>
        %add3A_758 = arith.addf %add3A_665, %mul3A_757 : vector<16xf32>
        %mul3A_759 = arith.mulf %mul3A_169, %gather3A_756 : vector<16xf32>
        %add3A_760 = arith.addf %add3A_667, %mul3A_759 : vector<16xf32>
        %mul3A_761 = arith.mulf %mul3A_173, %gather3A_756 : vector<16xf32>
        %add3A_762 = arith.addf %sub3A_669, %mul3A_761 : vector<16xf32>
        %mul3A_763 = arith.mulf %mul3A_178, %gather3A_756 : vector<16xf32>
        %sub3A_764 = arith.subf %add3A_671, %mul3A_763 : vector<16xf32>
        %broadcast_in_dim3A_765 = arith.constant 2 : i32
        %broadcast_in_dim3A_766 = vector.broadcast %broadcast_in_dim3A_765 : i32 to vector<16xi32>
        %gather3A_767 = tpu.vector_load_idx %arg10[%add3A_742, %broadcast_in_dim3A_766] : memref<4096x8xf32, #tpu.memory_space<vmem>>[vector<16xi32>, vector<16xi32>], vector<16xf32>,
        %mul3A_768 = arith.mulf %mul3A_738, %gather3A_767 : vector<16xf32>
        %add3A_769 = arith.addf %add3A_676, %mul3A_768 : vector<16xf32>
        %mul3A_770 = arith.mulf %mul3A_169, %gather3A_767 : vector<16xf32>
        %add3A_771 = arith.addf %add3A_678, %mul3A_770 : vector<16xf32>
        %mul3A_772 = arith.mulf %mul3A_173, %gather3A_767 : vector<16xf32>
        %add3A_773 = arith.addf %sub3A_680, %mul3A_772 : vector<16xf32>
        %mul3A_774 = arith.mulf %mul3A_178, %gather3A_767 : vector<16xf32>
        %sub3A_775 = arith.subf %add3A_682, %mul3A_774 : vector<16xf32>
        %broadcast_in_dim3A_776 = arith.constant 3 : i32
        %broadcast_in_dim3A_777 = vector.broadcast %broadcast_in_dim3A_776 : i32 to vector<16xi32>
        %gather3A_778 = tpu.vector_load_idx %arg10[%add3A_742, %broadcast_in_dim3A_777] : memref<4096x8xf32, #tpu.memory_space<vmem>>[vector<16xi32>, vector<16xi32>], vector<16xf32>,
        %mul3A_779 = arith.mulf %mul3A_738, %gather3A_778 : vector<16xf32>
        %add3A_780 = arith.addf %add3A_687, %mul3A_779 : vector<16xf32>
        %mul3A_781 = arith.mulf %mul3A_169, %gather3A_778 : vector<16xf32>
        %add3A_782 = arith.addf %add3A_689, %mul3A_781 : vector<16xf32>
        %mul3A_783 = arith.mulf %mul3A_173, %gather3A_778 : vector<16xf32>
        %add3A_784 = arith.addf %sub3A_691, %mul3A_783 : vector<16xf32>
        %mul3A_785 = arith.mulf %mul3A_178, %gather3A_778 : vector<16xf32>
        %sub3A_786 = arith.subf %add3A_693, %mul3A_785 : vector<16xf32>
        %broadcast_in_dim3A_787 = arith.constant 4 : i32
        %broadcast_in_dim3A_788 = vector.broadcast %broadcast_in_dim3A_787 : i32 to vector<16xi32>
        %gather3A_789 = tpu.vector_load_idx %arg10[%add3A_742, %broadcast_in_dim3A_788] : memref<4096x8xf32, #tpu.memory_space<vmem>>[vector<16xi32>, vector<16xi32>], vector<16xf32>,
        %mul3A_790 = arith.mulf %mul3A_738, %gather3A_789 : vector<16xf32>
        %add3A_791 = arith.addf %add3A_698, %mul3A_790 : vector<16xf32>
        %mul3A_792 = arith.mulf %mul3A_169, %gather3A_789 : vector<16xf32>
        %add3A_793 = arith.addf %add3A_700, %mul3A_792 : vector<16xf32>
        %mul3A_794 = arith.mulf %mul3A_173, %gather3A_789 : vector<16xf32>
        %add3A_795 = arith.addf %sub3A_702, %mul3A_794 : vector<16xf32>
        %mul3A_796 = arith.mulf %mul3A_178, %gather3A_789 : vector<16xf32>
        %sub3A_797 = arith.subf %add3A_704, %mul3A_796 : vector<16xf32>
        %broadcast_in_dim3A_798 = arith.constant 5 : i32
        %broadcast_in_dim3A_799 = vector.broadcast %broadcast_in_dim3A_798 : i32 to vector<16xi32>
        %gather3A_800 = tpu.vector_load_idx %arg10[%add3A_742, %broadcast_in_dim3A_799] : memref<4096x8xf32, #tpu.memory_space<vmem>>[vector<16xi32>, vector<16xi32>], vector<16xf32>,
        %mul3A_801 = arith.mulf %mul3A_738, %gather3A_800 : vector<16xf32>
        %add3A_802 = arith.addf %add3A_709, %mul3A_801 : vector<16xf32>
        %mul3A_803 = arith.mulf %mul3A_169, %gather3A_800 : vector<16xf32>
        %add3A_804 = arith.addf %add3A_711, %mul3A_803 : vector<16xf32>
        %mul3A_805 = arith.mulf %mul3A_173, %gather3A_800 : vector<16xf32>
        %add3A_806 = arith.addf %sub3A_713, %mul3A_805 : vector<16xf32>
        %mul3A_807 = arith.mulf %mul3A_178, %gather3A_800 : vector<16xf32>
        %sub3A_808 = arith.subf %add3A_715, %mul3A_807 : vector<16xf32>
        %broadcast_in_dim3A_809 = arith.constant 6 : i32
        %broadcast_in_dim3A_810 = vector.broadcast %broadcast_in_dim3A_809 : i32 to vector<16xi32>
        %gather3A_811 = tpu.vector_load_idx %arg10[%add3A_742, %broadcast_in_dim3A_810] : memref<4096x8xf32, #tpu.memory_space<vmem>>[vector<16xi32>, vector<16xi32>], vector<16xf32>,
        %mul3A_812 = arith.mulf %mul3A_738, %gather3A_811 : vector<16xf32>
        %add3A_813 = arith.addf %add3A_720, %mul3A_812 : vector<16xf32>
        %mul3A_814 = arith.mulf %mul3A_169, %gather3A_811 : vector<16xf32>
        %add3A_815 = arith.addf %add3A_722, %mul3A_814 : vector<16xf32>
        %mul3A_816 = arith.mulf %mul3A_173, %gather3A_811 : vector<16xf32>
        %add3A_817 = arith.addf %sub3A_724, %mul3A_816 : vector<16xf32>
        %mul3A_818 = arith.mulf %mul3A_178, %gather3A_811 : vector<16xf32>
        %sub3A_819 = arith.subf %add3A_726, %mul3A_818 : vector<16xf32>
        %broadcast_in_dim3A_820 = arith.constant 7 : i32
        %broadcast_in_dim3A_821 = vector.broadcast %broadcast_in_dim3A_820 : i32 to vector<16xi32>
        %gather3A_822 = tpu.vector_load_idx %arg10[%add3A_742, %broadcast_in_dim3A_821] : memref<4096x8xf32, #tpu.memory_space<vmem>>[vector<16xi32>, vector<16xi32>], vector<16xf32>,
        %mul3A_823 = arith.mulf %mul3A_738, %gather3A_822 : vector<16xf32>
        %add3A_824 = arith.addf %add3A_731, %mul3A_823 : vector<16xf32>
        %mul3A_825 = arith.mulf %mul3A_169, %gather3A_822 : vector<16xf32>
        %add3A_826 = arith.addf %add3A_733, %mul3A_825 : vector<16xf32>
        %mul3A_827 = arith.mulf %mul3A_173, %gather3A_822 : vector<16xf32>
        %add3A_828 = arith.addf %sub3A_735, %mul3A_827 : vector<16xf32>
        %mul3A_829 = arith.mulf %mul3A_178, %gather3A_822 : vector<16xf32>
        %sub3A_830 = arith.subf %add3A_737, %mul3A_829 : vector<16xf32>
        %mul3A_831 = arith.mulf %sub3A, %mul3A_158 : vector<16xf32>
        %add3A_832 = arith.constant 3584 : i32
        %add3A_833 = arith.addi %add3A_832, %mul3A_37 : i32
        %add3A_834 = vector.broadcast %add3A_833 : i32 to vector<16xi32>
        %add3A_835 = arith.addi %add3A_834, %iota3A : vector<16xi32>
        %broadcast_in_dim3A_836 = arith.constant 0 : i32
        %broadcast_in_dim3A_837 = vector.broadcast %broadcast_in_dim3A_836 : i32 to vector<16xi32>
        %gather3A_838 = tpu.vector_load_idx %arg10[%add3A_835, %broadcast_in_dim3A_837] : memref<4096x8xf32, #tpu.memory_space<vmem>>[vector<16xi32>, vector<16xi32>], vector<16xf32>,
        %mul3A_839 = arith.mulf %mul3A_831, %gather3A_838 : vector<16xf32>
        %add3A_840 = arith.addf %add3A_747, %mul3A_839 : vector<16xf32>
        %mul3A_841 = arith.mulf %mul3A_170, %gather3A_838 : vector<16xf32>
        %add3A_842 = arith.addf %add3A_749, %mul3A_841 : vector<16xf32>
        %mul3A_843 = arith.mulf %mul3A_174, %gather3A_838 : vector<16xf32>
        %add3A_844 = arith.addf %add3A_751, %mul3A_843 : vector<16xf32>
        %mul3A_845 = arith.mulf %mul3A_178, %gather3A_838 : vector<16xf32>
        %add3A_846 = arith.addf %sub3A_753, %mul3A_845 : vector<16xf32>
        %broadcast_in_dim3A_847 = arith.constant 1 : i32
        %broadcast_in_dim3A_848 = vector.broadcast %broadcast_in_dim3A_847 : i32 to vector<16xi32>
        %gather3A_849 = tpu.vector_load_idx %arg10[%add3A_835, %broadcast_in_dim3A_848] : memref<4096x8xf32, #tpu.memory_space<vmem>>[vector<16xi32>, vector<16xi32>], vector<16xf32>,
        %mul3A_850 = arith.mulf %mul3A_831, %gather3A_849 : vector<16xf32>
        %add3A_851 = arith.addf %add3A_758, %mul3A_850 : vector<16xf32>
        %mul3A_852 = arith.mulf %mul3A_170, %gather3A_849 : vector<16xf32>
        %add3A_853 = arith.addf %add3A_760, %mul3A_852 : vector<16xf32>
        %mul3A_854 = arith.mulf %mul3A_174, %gather3A_849 : vector<16xf32>
        %add3A_855 = arith.addf %add3A_762, %mul3A_854 : vector<16xf32>
        %mul3A_856 = arith.mulf %mul3A_178, %gather3A_849 : vector<16xf32>
        %add3A_857 = arith.addf %sub3A_764, %mul3A_856 : vector<16xf32>
        %broadcast_in_dim3A_858 = arith.constant 2 : i32
        %broadcast_in_dim3A_859 = vector.broadcast %broadcast_in_dim3A_858 : i32 to vector<16xi32>
        %gather3A_860 = tpu.vector_load_idx %arg10[%add3A_835, %broadcast_in_dim3A_859] : memref<4096x8xf32, #tpu.memory_space<vmem>>[vector<16xi32>, vector<16xi32>], vector<16xf32>,
        %mul3A_861 = arith.mulf %mul3A_831, %gather3A_860 : vector<16xf32>
        %add3A_862 = arith.addf %add3A_769, %mul3A_861 : vector<16xf32>
        %mul3A_863 = arith.mulf %mul3A_170, %gather3A_860 : vector<16xf32>
        %add3A_864 = arith.addf %add3A_771, %mul3A_863 : vector<16xf32>
        %mul3A_865 = arith.mulf %mul3A_174, %gather3A_860 : vector<16xf32>
        %add3A_866 = arith.addf %add3A_773, %mul3A_865 : vector<16xf32>
        %mul3A_867 = arith.mulf %mul3A_178, %gather3A_860 : vector<16xf32>
        %add3A_868 = arith.addf %sub3A_775, %mul3A_867 : vector<16xf32>
        %broadcast_in_dim3A_869 = arith.constant 3 : i32
        %broadcast_in_dim3A_870 = vector.broadcast %broadcast_in_dim3A_869 : i32 to vector<16xi32>
        %gather3A_871 = tpu.vector_load_idx %arg10[%add3A_835, %broadcast_in_dim3A_870] : memref<4096x8xf32, #tpu.memory_space<vmem>>[vector<16xi32>, vector<16xi32>], vector<16xf32>,
        %mul3A_872 = arith.mulf %mul3A_831, %gather3A_871 : vector<16xf32>
        %add3A_873 = arith.addf %add3A_780, %mul3A_872 : vector<16xf32>
        %mul3A_874 = arith.mulf %mul3A_170, %gather3A_871 : vector<16xf32>
        %add3A_875 = arith.addf %add3A_782, %mul3A_874 : vector<16xf32>
        %mul3A_876 = arith.mulf %mul3A_174, %gather3A_871 : vector<16xf32>
        %add3A_877 = arith.addf %add3A_784, %mul3A_876 : vector<16xf32>
        %mul3A_878 = arith.mulf %mul3A_178, %gather3A_871 : vector<16xf32>
        %add3A_879 = arith.addf %sub3A_786, %mul3A_878 : vector<16xf32>
        %broadcast_in_dim3A_880 = arith.constant 4 : i32
        %broadcast_in_dim3A_881 = vector.broadcast %broadcast_in_dim3A_880 : i32 to vector<16xi32>
        %gather3A_882 = tpu.vector_load_idx %arg10[%add3A_835, %broadcast_in_dim3A_881] : memref<4096x8xf32, #tpu.memory_space<vmem>>[vector<16xi32>, vector<16xi32>], vector<16xf32>,
        %mul3A_883 = arith.mulf %mul3A_831, %gather3A_882 : vector<16xf32>
        %add3A_884 = arith.addf %add3A_791, %mul3A_883 : vector<16xf32>
        %mul3A_885 = arith.mulf %mul3A_170, %gather3A_882 : vector<16xf32>
        %add3A_886 = arith.addf %add3A_793, %mul3A_885 : vector<16xf32>
        %mul3A_887 = arith.mulf %mul3A_174, %gather3A_882 : vector<16xf32>
        %add3A_888 = arith.addf %add3A_795, %mul3A_887 : vector<16xf32>
        %mul3A_889 = arith.mulf %mul3A_178, %gather3A_882 : vector<16xf32>
        %add3A_890 = arith.addf %sub3A_797, %mul3A_889 : vector<16xf32>
        %broadcast_in_dim3A_891 = arith.constant 5 : i32
        %broadcast_in_dim3A_892 = vector.broadcast %broadcast_in_dim3A_891 : i32 to vector<16xi32>
        %gather3A_893 = tpu.vector_load_idx %arg10[%add3A_835, %broadcast_in_dim3A_892] : memref<4096x8xf32, #tpu.memory_space<vmem>>[vector<16xi32>, vector<16xi32>], vector<16xf32>,
        %mul3A_894 = arith.mulf %mul3A_831, %gather3A_893 : vector<16xf32>
        %add3A_895 = arith.addf %add3A_802, %mul3A_894 : vector<16xf32>
        %mul3A_896 = arith.mulf %mul3A_170, %gather3A_893 : vector<16xf32>
        %add3A_897 = arith.addf %add3A_804, %mul3A_896 : vector<16xf32>
        %mul3A_898 = arith.mulf %mul3A_174, %gather3A_893 : vector<16xf32>
        %add3A_899 = arith.addf %add3A_806, %mul3A_898 : vector<16xf32>
        %mul3A_900 = arith.mulf %mul3A_178, %gather3A_893 : vector<16xf32>
        %add3A_901 = arith.addf %sub3A_808, %mul3A_900 : vector<16xf32>
        %broadcast_in_dim3A_902 = arith.constant 6 : i32
        %broadcast_in_dim3A_903 = vector.broadcast %broadcast_in_dim3A_902 : i32 to vector<16xi32>
        %gather3A_904 = tpu.vector_load_idx %arg10[%add3A_835, %broadcast_in_dim3A_903] : memref<4096x8xf32, #tpu.memory_space<vmem>>[vector<16xi32>, vector<16xi32>], vector<16xf32>,
        %mul3A_905 = arith.mulf %mul3A_831, %gather3A_904 : vector<16xf32>
        %add3A_906 = arith.addf %add3A_813, %mul3A_905 : vector<16xf32>
        %mul3A_907 = arith.mulf %mul3A_170, %gather3A_904 : vector<16xf32>
        %add3A_908 = arith.addf %add3A_815, %mul3A_907 : vector<16xf32>
        %mul3A_909 = arith.mulf %mul3A_174, %gather3A_904 : vector<16xf32>
        %add3A_910 = arith.addf %add3A_817, %mul3A_909 : vector<16xf32>
        %mul3A_911 = arith.mulf %mul3A_178, %gather3A_904 : vector<16xf32>
        %add3A_912 = arith.addf %sub3A_819, %mul3A_911 : vector<16xf32>
        %broadcast_in_dim3A_913 = arith.constant 7 : i32
        %broadcast_in_dim3A_914 = vector.broadcast %broadcast_in_dim3A_913 : i32 to vector<16xi32>
        %gather3A_915 = tpu.vector_load_idx %arg10[%add3A_835, %broadcast_in_dim3A_914] : memref<4096x8xf32, #tpu.memory_space<vmem>>[vector<16xi32>, vector<16xi32>], vector<16xf32>,
        %mul3A_916 = arith.mulf %mul3A_831, %gather3A_915 : vector<16xf32>
        %add3A_917 = arith.addf %add3A_824, %mul3A_916 : vector<16xf32>
        %mul3A_918 = arith.mulf %mul3A_170, %gather3A_915 : vector<16xf32>
        %add3A_919 = arith.addf %add3A_826, %mul3A_918 : vector<16xf32>
        %mul3A_920 = arith.mulf %mul3A_174, %gather3A_915 : vector<16xf32>
        %add3A_921 = arith.addf %add3A_828, %mul3A_920 : vector<16xf32>
        %mul3A_922 = arith.mulf %mul3A_178, %gather3A_915 : vector<16xf32>
        %add3A_923 = arith.addf %sub3A_830, %mul3A_922 : vector<16xf32>
        %jit3A = arith.constant 128 : i32
        %div3A = arith.divsi %mul3A_37, %jit3A : i32
        %sign3A = arith.constant 0 : i32
        %sign3A_924 = arith.cmpi sgt, %mul3A_37, %sign3A : i32
        %sign3A_925 = arith.extui %sign3A_924 : i1 to i32
        %sign3A_926 = arith.constant 0 : i32
        %sign3A_927 = arith.cmpi slt, %mul3A_37, %sign3A_926 : i32
        %sign3A_928 = arith.extui %sign3A_927 : i1 to i32
        %sign3A_929 = arith.subi %sign3A_925, %sign3A_928 : i32
        %sign3A_930 = arith.constant 0 : i32
        %sign3A_931 = arith.cmpi sgt, %jit3A, %sign3A_930 : i32
        %sign3A_932 = arith.extui %sign3A_931 : i1 to i32
        %sign3A_933 = arith.constant 0 : i32
        %sign3A_934 = arith.cmpi slt, %jit3A, %sign3A_933 : i32
        %sign3A_935 = arith.extui %sign3A_934 : i1 to i32
        %sign3A_936 = arith.subi %sign3A_932, %sign3A_935 : i32
        %ne3A = arith.cmpi ne, %sign3A_929, %sign3A_936 : i32
        %rem3A = arith.remsi %mul3A_37, %jit3A : i32
        %ne3A_937 = arith.constant 0 : i32
        %ne3A_938 = arith.cmpi ne, %rem3A, %ne3A_937 : i32
        %and3A_939 = arith.andi %ne3A, %ne3A_938 : i1
        %sub3A_940 = arith.constant 1 : i32
        %sub3A_941 = arith.subi %div3A, %sub3A_940 : i32
        %select_n3A_942 = arith.select %and3A_939, %sub3A_941, %div3A : i32
        %mul3A_943 = arith.constant 4096 : i32
        %mul3A_944 = arith.muli %select_n3A_942, %mul3A_943 : i32
        %jit3A_945 = arith.constant 128 : i32
        %eq3A = arith.constant 0 : i32
        %eq3A_946 = arith.cmpi eq, %jit3A_945, %eq3A : i32
        %jit3A_947 = arith.constant 1 : i32
        %select_n3A_948 = arith.select %eq3A_946, %jit3A_947, %jit3A_945 : i32
        %rem3A_949 = arith.remsi %mul3A_37, %select_n3A_948 : i32
        %ne3A_950 = arith.constant 0 : i32
        %ne3A_951 = arith.cmpi ne, %rem3A_949, %ne3A_950 : i32
        %lt3A = arith.constant 0 : i32
        %lt3A_952 = arith.cmpi slt, %rem3A_949, %lt3A : i32
        %lt3A_953 = arith.constant 0 : i32
        %lt3A_954 = arith.cmpi slt, %select_n3A_948, %lt3A_953 : i32
        %ne3A_955 = arith.xori %lt3A_952, %lt3A_954 : i1
        %and3A_956 = arith.andi %ne3A_955, %ne3A_951 : i1
        %add3A_957 = arith.addi %rem3A_949, %select_n3A_948 : i32
        %select_n3A_958 = arith.select %and3A_956, %add3A_957, %rem3A_949 : i32
        %add3A_959 = arith.addi %mul3A_944, %select_n3A_958 : i32
        %add3A_960 = arith.constant 0 : i32
        %add3A_961 = arith.addi %add3A_959, %add3A_960 : i32
        %swap3A = arith.index_cast %add3A_961 : i32 to index
        %swap3A_962 = tpu.vector_load %arg11[%swap3A] {strides = array<i32>} : memref<16384xf32, #tpu.memory_space<vmem>>, vector<16xf32>,
        tpu.vector_store %arg11[%swap3A], %add3A_840 {strides = array<i32>} : memref<16384xf32, #tpu.memory_space<vmem>>, vector<16xf32>,
        %add3A_963 = arith.constant 1024 : i32
        %add3A_964 = arith.addi %add3A_959, %add3A_963 : i32
        %swap3A_965 = arith.index_cast %add3A_964 : i32 to index
        %swap3A_966 = tpu.vector_load %arg11[%swap3A_965] {strides = array<i32>} : memref<16384xf32, #tpu.memory_space<vmem>>, vector<16xf32>,
        tpu.vector_store %arg11[%swap3A_965], %add3A_842 {strides = array<i32>} : memref<16384xf32, #tpu.memory_space<vmem>>, vector<16xf32>,
        %add3A_967 = arith.constant 2048 : i32
        %add3A_968 = arith.addi %add3A_959, %add3A_967 : i32
        %swap3A_969 = arith.index_cast %add3A_968 : i32 to index
        %swap3A_970 = tpu.vector_load %arg11[%swap3A_969] {strides = array<i32>} : memref<16384xf32, #tpu.memory_space<vmem>>, vector<16xf32>,
        tpu.vector_store %arg11[%swap3A_969], %add3A_844 {strides = array<i32>} : memref<16384xf32, #tpu.memory_space<vmem>>, vector<16xf32>,
        %add3A_971 = arith.constant 3072 : i32
        %add3A_972 = arith.addi %add3A_959, %add3A_971 : i32
        %swap3A_973 = arith.index_cast %add3A_972 : i32 to index
        %swap3A_974 = tpu.vector_load %arg11[%swap3A_973] {strides = array<i32>} : memref<16384xf32, #tpu.memory_space<vmem>>, vector<16xf32>,
        tpu.vector_store %arg11[%swap3A_973], %add3A_846 {strides = array<i32>} : memref<16384xf32, #tpu.memory_space<vmem>>, vector<16xf32>,
        %add3A_975 = arith.constant 128 : i32
        %add3A_976 = arith.addi %add3A_959, %add3A_975 : i32
        %swap3A_977 = arith.index_cast %add3A_976 : i32 to index
        %swap3A_978 = tpu.vector_load %arg11[%swap3A_977] {strides = array<i32>} : memref<16384xf32, #tpu.memory_space<vmem>>, vector<16xf32>,
        tpu.vector_store %arg11[%swap3A_977], %add3A_851 {strides = array<i32>} : memref<16384xf32, #tpu.memory_space<vmem>>, vector<16xf32>,
        %add3A_979 = arith.constant 1152 : i32
        %add3A_980 = arith.addi %add3A_959, %add3A_979 : i32
        %swap3A_981 = arith.index_cast %add3A_980 : i32 to index
        %swap3A_982 = tpu.vector_load %arg11[%swap3A_981] {strides = array<i32>} : memref<16384xf32, #tpu.memory_space<vmem>>, vector<16xf32>,
        tpu.vector_store %arg11[%swap3A_981], %add3A_853 {strides = array<i32>} : memref<16384xf32, #tpu.memory_space<vmem>>, vector<16xf32>,
        %add3A_983 = arith.constant 2176 : i32
        %add3A_984 = arith.addi %add3A_959, %add3A_983 : i32
        %swap3A_985 = arith.index_cast %add3A_984 : i32 to index
        %swap3A_986 = tpu.vector_load %arg11[%swap3A_985] {strides = array<i32>} : memref<16384xf32, #tpu.memory_space<vmem>>, vector<16xf32>,
        tpu.vector_store %arg11[%swap3A_985], %add3A_855 {strides = array<i32>} : memref<16384xf32, #tpu.memory_space<vmem>>, vector<16xf32>,
        %add3A_987 = arith.constant 3200 : i32
        %add3A_988 = arith.addi %add3A_959, %add3A_987 : i32
        %swap3A_989 = arith.index_cast %add3A_988 : i32 to index
        %swap3A_990 = tpu.vector_load %arg11[%swap3A_989] {strides = array<i32>} : memref<16384xf32, #tpu.memory_space<vmem>>, vector<16xf32>,
        tpu.vector_store %arg11[%swap3A_989], %add3A_857 {strides = array<i32>} : memref<16384xf32, #tpu.memory_space<vmem>>, vector<16xf32>,
        %add3A_991 = arith.constant 256 : i32
        %add3A_992 = arith.addi %add3A_959, %add3A_991 : i32
        %swap3A_993 = arith.index_cast %add3A_992 : i32 to index
        %swap3A_994 = tpu.vector_load %arg11[%swap3A_993] {strides = array<i32>} : memref<16384xf32, #tpu.memory_space<vmem>>, vector<16xf32>,
        tpu.vector_store %arg11[%swap3A_993], %add3A_862 {strides = array<i32>} : memref<16384xf32, #tpu.memory_space<vmem>>, vector<16xf32>,
        %add3A_995 = arith.constant 1280 : i32
        %add3A_996 = arith.addi %add3A_959, %add3A_995 : i32
        %swap3A_997 = arith.index_cast %add3A_996 : i32 to index
        %swap3A_998 = tpu.vector_load %arg11[%swap3A_997] {strides = array<i32>} : memref<16384xf32, #tpu.memory_space<vmem>>, vector<16xf32>,
        tpu.vector_store %arg11[%swap3A_997], %add3A_864 {strides = array<i32>} : memref<16384xf32, #tpu.memory_space<vmem>>, vector<16xf32>,
        %add3A_999 = arith.constant 2304 : i32
        %add3A_1000 = arith.addi %add3A_959, %add3A_999 : i32
        %swap3A_1001 = arith.index_cast %add3A_1000 : i32 to index
        %swap3A_1002 = tpu.vector_load %arg11[%swap3A_1001] {strides = array<i32>} : memref<16384xf32, #tpu.memory_space<vmem>>, vector<16xf32>,
        tpu.vector_store %arg11[%swap3A_1001], %add3A_866 {strides = array<i32>} : memref<16384xf32, #tpu.memory_space<vmem>>, vector<16xf32>,
        %add3A_1003 = arith.constant 3328 : i32
        %add3A_1004 = arith.addi %add3A_959, %add3A_1003 : i32
        %swap3A_1005 = arith.index_cast %add3A_1004 : i32 to index
        %swap3A_1006 = tpu.vector_load %arg11[%swap3A_1005] {strides = array<i32>} : memref<16384xf32, #tpu.memory_space<vmem>>, vector<16xf32>,
        tpu.vector_store %arg11[%swap3A_1005], %add3A_868 {strides = array<i32>} : memref<16384xf32, #tpu.memory_space<vmem>>, vector<16xf32>,
        %add3A_1007 = arith.constant 384 : i32
        %add3A_1008 = arith.addi %add3A_959, %add3A_1007 : i32
        %swap3A_1009 = arith.index_cast %add3A_1008 : i32 to index
        %swap3A_1010 = tpu.vector_load %arg11[%swap3A_1009] {strides = array<i32>} : memref<16384xf32, #tpu.memory_space<vmem>>, vector<16xf32>,
        tpu.vector_store %arg11[%swap3A_1009], %add3A_873 {strides = array<i32>} : memref<16384xf32, #tpu.memory_space<vmem>>, vector<16xf32>,
        %add3A_1011 = arith.constant 1408 : i32
        %add3A_1012 = arith.addi %add3A_959, %add3A_1011 : i32
        %swap3A_1013 = arith.index_cast %add3A_1012 : i32 to index
        %swap3A_1014 = tpu.vector_load %arg11[%swap3A_1013] {strides = array<i32>} : memref<16384xf32, #tpu.memory_space<vmem>>, vector<16xf32>,
        tpu.vector_store %arg11[%swap3A_1013], %add3A_875 {strides = array<i32>} : memref<16384xf32, #tpu.memory_space<vmem>>, vector<16xf32>,
        %add3A_1015 = arith.constant 2432 : i32
        %add3A_1016 = arith.addi %add3A_959, %add3A_1015 : i32
        %swap3A_1017 = arith.index_cast %add3A_1016 : i32 to index
        %swap3A_1018 = tpu.vector_load %arg11[%swap3A_1017] {strides = array<i32>} : memref<16384xf32, #tpu.memory_space<vmem>>, vector<16xf32>,
        tpu.vector_store %arg11[%swap3A_1017], %add3A_877 {strides = array<i32>} : memref<16384xf32, #tpu.memory_space<vmem>>, vector<16xf32>,
        %add3A_1019 = arith.constant 3456 : i32
        %add3A_1020 = arith.addi %add3A_959, %add3A_1019 : i32
        %swap3A_1021 = arith.index_cast %add3A_1020 : i32 to index
        %swap3A_1022 = tpu.vector_load %arg11[%swap3A_1021] {strides = array<i32>} : memref<16384xf32, #tpu.memory_space<vmem>>, vector<16xf32>,
        tpu.vector_store %arg11[%swap3A_1021], %add3A_879 {strides = array<i32>} : memref<16384xf32, #tpu.memory_space<vmem>>, vector<16xf32>,
        %add3A_1023 = arith.constant 512 : i32
        %add3A_1024 = arith.addi %add3A_959, %add3A_1023 : i32
        %swap3A_1025 = arith.index_cast %add3A_1024 : i32 to index
        %swap3A_1026 = tpu.vector_load %arg11[%swap3A_1025] {strides = array<i32>} : memref<16384xf32, #tpu.memory_space<vmem>>, vector<16xf32>,
        tpu.vector_store %arg11[%swap3A_1025], %add3A_884 {strides = array<i32>} : memref<16384xf32, #tpu.memory_space<vmem>>, vector<16xf32>,
        %add3A_1027 = arith.constant 1536 : i32
        %add3A_1028 = arith.addi %add3A_959, %add3A_1027 : i32
        %swap3A_1029 = arith.index_cast %add3A_1028 : i32 to index
        %swap3A_1030 = tpu.vector_load %arg11[%swap3A_1029] {strides = array<i32>} : memref<16384xf32, #tpu.memory_space<vmem>>, vector<16xf32>,
        tpu.vector_store %arg11[%swap3A_1029], %add3A_886 {strides = array<i32>} : memref<16384xf32, #tpu.memory_space<vmem>>, vector<16xf32>,
        %add3A_1031 = arith.constant 2560 : i32
        %add3A_1032 = arith.addi %add3A_959, %add3A_1031 : i32
        %swap3A_1033 = arith.index_cast %add3A_1032 : i32 to index
        %swap3A_1034 = tpu.vector_load %arg11[%swap3A_1033] {strides = array<i32>} : memref<16384xf32, #tpu.memory_space<vmem>>, vector<16xf32>,
        tpu.vector_store %arg11[%swap3A_1033], %add3A_888 {strides = array<i32>} : memref<16384xf32, #tpu.memory_space<vmem>>, vector<16xf32>,
        %add3A_1035 = arith.constant 3584 : i32
        %add3A_1036 = arith.addi %add3A_959, %add3A_1035 : i32
        %swap3A_1037 = arith.index_cast %add3A_1036 : i32 to index
        %swap3A_1038 = tpu.vector_load %arg11[%swap3A_1037] {strides = array<i32>} : memref<16384xf32, #tpu.memory_space<vmem>>, vector<16xf32>,
        tpu.vector_store %arg11[%swap3A_1037], %add3A_890 {strides = array<i32>} : memref<16384xf32, #tpu.memory_space<vmem>>, vector<16xf32>,
        %add3A_1039 = arith.constant 640 : i32
        %add3A_1040 = arith.addi %add3A_959, %add3A_1039 : i32
        %swap3A_1041 = arith.index_cast %add3A_1040 : i32 to index
        %swap3A_1042 = tpu.vector_load %arg11[%swap3A_1041] {strides = array<i32>} : memref<16384xf32, #tpu.memory_space<vmem>>, vector<16xf32>,
        tpu.vector_store %arg11[%swap3A_1041], %add3A_895 {strides = array<i32>} : memref<16384xf32, #tpu.memory_space<vmem>>, vector<16xf32>,
        %add3A_1043 = arith.constant 1664 : i32
        %add3A_1044 = arith.addi %add3A_959, %add3A_1043 : i32
        %swap3A_1045 = arith.index_cast %add3A_1044 : i32 to index
        %swap3A_1046 = tpu.vector_load %arg11[%swap3A_1045] {strides = array<i32>} : memref<16384xf32, #tpu.memory_space<vmem>>, vector<16xf32>,
        tpu.vector_store %arg11[%swap3A_1045], %add3A_897 {strides = array<i32>} : memref<16384xf32, #tpu.memory_space<vmem>>, vector<16xf32>,
        %add3A_1047 = arith.constant 2688 : i32
        %add3A_1048 = arith.addi %add3A_959, %add3A_1047 : i32
        %swap3A_1049 = arith.index_cast %add3A_1048 : i32 to index
        %swap3A_1050 = tpu.vector_load %arg11[%swap3A_1049] {strides = array<i32>} : memref<16384xf32, #tpu.memory_space<vmem>>, vector<16xf32>,
        tpu.vector_store %arg11[%swap3A_1049], %add3A_899 {strides = array<i32>} : memref<16384xf32, #tpu.memory_space<vmem>>, vector<16xf32>,
        %add3A_1051 = arith.constant 3712 : i32
        %add3A_1052 = arith.addi %add3A_959, %add3A_1051 : i32
        %swap3A_1053 = arith.index_cast %add3A_1052 : i32 to index
        %swap3A_1054 = tpu.vector_load %arg11[%swap3A_1053] {strides = array<i32>} : memref<16384xf32, #tpu.memory_space<vmem>>, vector<16xf32>,
        tpu.vector_store %arg11[%swap3A_1053], %add3A_901 {strides = array<i32>} : memref<16384xf32, #tpu.memory_space<vmem>>, vector<16xf32>,
        %add3A_1055 = arith.constant 768 : i32
        %add3A_1056 = arith.addi %add3A_959, %add3A_1055 : i32
        %swap3A_1057 = arith.index_cast %add3A_1056 : i32 to index
        %swap3A_1058 = tpu.vector_load %arg11[%swap3A_1057] {strides = array<i32>} : memref<16384xf32, #tpu.memory_space<vmem>>, vector<16xf32>,
        tpu.vector_store %arg11[%swap3A_1057], %add3A_906 {strides = array<i32>} : memref<16384xf32, #tpu.memory_space<vmem>>, vector<16xf32>,
        %add3A_1059 = arith.constant 1792 : i32
        %add3A_1060 = arith.addi %add3A_959, %add3A_1059 : i32
        %swap3A_1061 = arith.index_cast %add3A_1060 : i32 to index
        %swap3A_1062 = tpu.vector_load %arg11[%swap3A_1061] {strides = array<i32>} : memref<16384xf32, #tpu.memory_space<vmem>>, vector<16xf32>,
        tpu.vector_store %arg11[%swap3A_1061], %add3A_908 {strides = array<i32>} : memref<16384xf32, #tpu.memory_space<vmem>>, vector<16xf32>,
        %add3A_1063 = arith.constant 2816 : i32
        %add3A_1064 = arith.addi %add3A_959, %add3A_1063 : i32
        %swap3A_1065 = arith.index_cast %add3A_1064 : i32 to index
        %swap3A_1066 = tpu.vector_load %arg11[%swap3A_1065] {strides = array<i32>} : memref<16384xf32, #tpu.memory_space<vmem>>, vector<16xf32>,
        tpu.vector_store %arg11[%swap3A_1065], %add3A_910 {strides = array<i32>} : memref<16384xf32, #tpu.memory_space<vmem>>, vector<16xf32>,
        %add3A_1067 = arith.constant 3840 : i32
        %add3A_1068 = arith.addi %add3A_959, %add3A_1067 : i32
        %swap3A_1069 = arith.index_cast %add3A_1068 : i32 to index
        %swap3A_1070 = tpu.vector_load %arg11[%swap3A_1069] {strides = array<i32>} : memref<16384xf32, #tpu.memory_space<vmem>>, vector<16xf32>,
        tpu.vector_store %arg11[%swap3A_1069], %add3A_912 {strides = array<i32>} : memref<16384xf32, #tpu.memory_space<vmem>>, vector<16xf32>,
        %add3A_1071 = arith.constant 896 : i32
        %add3A_1072 = arith.addi %add3A_959, %add3A_1071 : i32
        %swap3A_1073 = arith.index_cast %add3A_1072 : i32 to index
        %swap3A_1074 = tpu.vector_load %arg11[%swap3A_1073] {strides = array<i32>} : memref<16384xf32, #tpu.memory_space<vmem>>, vector<16xf32>,
        tpu.vector_store %arg11[%swap3A_1073], %add3A_917 {strides = array<i32>} : memref<16384xf32, #tpu.memory_space<vmem>>, vector<16xf32>,
        %add3A_1075 = arith.constant 1920 : i32
        %add3A_1076 = arith.addi %add3A_959, %add3A_1075 : i32
        %swap3A_1077 = arith.index_cast %add3A_1076 : i32 to index
        %swap3A_1078 = tpu.vector_load %arg11[%swap3A_1077] {strides = array<i32>} : memref<16384xf32, #tpu.memory_space<vmem>>, vector<16xf32>,
        tpu.vector_store %arg11[%swap3A_1077], %add3A_919 {strides = array<i32>} : memref<16384xf32, #tpu.memory_space<vmem>>, vector<16xf32>,
        %add3A_1079 = arith.constant 2944 : i32
        %add3A_1080 = arith.addi %add3A_959, %add3A_1079 : i32
        %swap3A_1081 = arith.index_cast %add3A_1080 : i32 to index
        %swap3A_1082 = tpu.vector_load %arg11[%swap3A_1081] {strides = array<i32>} : memref<16384xf32, #tpu.memory_space<vmem>>, vector<16xf32>,
        tpu.vector_store %arg11[%swap3A_1081], %add3A_921 {strides = array<i32>} : memref<16384xf32, #tpu.memory_space<vmem>>, vector<16xf32>,
        %add3A_1083 = arith.constant 3968 : i32
        %add3A_1084 = arith.addi %add3A_959, %add3A_1083 : i32
        %swap3A_1085 = arith.index_cast %add3A_1084 : i32 to index
        %swap3A_1086 = tpu.vector_load %arg11[%swap3A_1085] {strides = array<i32>} : memref<16384xf32, #tpu.memory_space<vmem>>, vector<16xf32>,
        tpu.vector_store %arg11[%swap3A_1085], %add3A_923 {strides = array<i32>} : memref<16384xf32, #tpu.memory_space<vmem>>, vector<16xf32>,
      }
      %scan3A_28 = arith.constant 32 : i32
      %mul3A_29 = arith.constant 32 : i32
      %mul3A_30 = arith.muli %mul3A_14, %mul3A_29 : i32
      "tpu.region"() ({
        %run_scoped3A = tpu.sem_alloc : memref<!tpu.dma_semaphore, #tpu.memory_space<semaphore_mem>>
        %dma_start3A_31 = tpu.memref_slice %arg6[%mul3A_30] : memref<32505856xf32, #tpu.memory_space<hbm>> -> memref<16384xf32, #tpu.memory_space<hbm>>
        %dma_start3A_32 = tpu.memref_slice %arg6[%mul3A_30] : memref<32505856xf32, #tpu.memory_space<hbm>> -> memref<16384xf32, #tpu.memory_space<hbm>>
        tpu.enqueue_dma source(%arg11 : memref<16384xf32, #tpu.memory_space<vmem>>) target(%dma_start3A_32 : memref<16384xf32, #tpu.memory_space<hbm>>) target_semaphore(%run_scoped3A : memref<!tpu.dma_semaphore, #tpu.memory_space<semaphore_mem>>)
        %dma_wait3A_33 = tpu.memref_slice %arg6[%mul3A_30] : memref<32505856xf32, #tpu.memory_space<hbm>> -> memref<16384xf32, #tpu.memory_space<hbm>>
        %dma_wait3A_34 = tpu.memref_slice %arg6[%mul3A_30] : memref<32505856xf32, #tpu.memory_space<hbm>> -> memref<16384xf32, #tpu.memory_space<hbm>>
        tpu.wait_dma2 semaphore(%run_scoped3A : memref<!tpu.dma_semaphore, #tpu.memory_space<semaphore_mem>>) src(%arg11 : memref<16384xf32, #tpu.memory_space<vmem>>) dst(%dma_wait3A_34 : memref<16384xf32, #tpu.memory_space<hbm>>)
        tpu.yield
      }) : () -> ()
      "tpu.region"() ({
        %run_scoped3A = tpu.sem_alloc : memref<!tpu.dma_semaphore, #tpu.memory_space<semaphore_mem>>
        %dma_start3A_31 = tpu.memref_slice %arg7[%mul3A_14] : memref<1015808xi32, #tpu.memory_space<hbm>> -> memref<512xi32, #tpu.memory_space<hbm>>
        %dma_start3A_32 = tpu.memref_slice %arg7[%mul3A_14] : memref<1015808xi32, #tpu.memory_space<hbm>> -> memref<512xi32, #tpu.memory_space<hbm>>
        tpu.enqueue_dma source(%arg12 : memref<512xi32, #tpu.memory_space<vmem>>) target(%dma_start3A_32 : memref<512xi32, #tpu.memory_space<hbm>>) target_semaphore(%run_scoped3A : memref<!tpu.dma_semaphore, #tpu.memory_space<semaphore_mem>>)
        %dma_wait3A_33 = tpu.memref_slice %arg7[%mul3A_14] : memref<1015808xi32, #tpu.memory_space<hbm>> -> memref<512xi32, #tpu.memory_space<hbm>>
        %dma_wait3A_34 = tpu.memref_slice %arg7[%mul3A_14] : memref<1015808xi32, #tpu.memory_space<hbm>> -> memref<512xi32, #tpu.memory_space<hbm>>
        tpu.wait_dma2 semaphore(%run_scoped3A : memref<!tpu.dma_semaphore, #tpu.memory_space<semaphore_mem>>) src(%arg12 : memref<512xi32, #tpu.memory_space<vmem>>) dst(%dma_wait3A_34 : memref<512xi32, #tpu.memory_space<hbm>>)
        tpu.yield
      }) : () -> ()
    }
    %scan3A_4 = arith.constant 62 : i32
    return
  }
}

module attributes {stable_mosaic.version = 14 : i64} {
  func.func @_tc_body(%arg0: i32, %arg1: memref<32x32x128xf32, #tpu.memory_space<vmem>>, %arg2: memref<32x8xf32, #tpu.memory_space<vmem>>, %arg3: memref<32x32xf32, #tpu.memory_space<vmem>>, %arg4: memref<32x32xf32, #tpu.memory_space<vmem>>, %arg5: memref<8x32xf32, #tpu.memory_space<vmem>>, %arg6: memref<32x1xf32, #tpu.memory_space<vmem>>, %arg7: memref<1x32xf32, #tpu.memory_space<vmem>>, %arg8: memref<32x128xf32, #tpu.memory_space<vmem>>, %arg9: memref<8x4096xf32, #tpu.memory_space<vmem>>) attributes {dimension_semantics = [#tpu.dimension_semantics<arbitrary>], iteration_bounds = array<i64: 248>, scalar_prefetch = 0 : i64, scratch_operands = 0 : i64, tpu.core_type = #tpu.core_type<tc>, window_params = [{transform_indices = @transform_0, window_bounds = array<i64: 32, 32, 128>}, {pipeline_mode = #tpu.pipeline_mode<synchronous>, transform_indices = @transform_1, window_bounds = array<i64: 32, 8>}, {pipeline_mode = #tpu.pipeline_mode<synchronous>, transform_indices = @transform_2, window_bounds = array<i64: 32, 32>}, {pipeline_mode = #tpu.pipeline_mode<synchronous>, transform_indices = @transform_3, window_bounds = array<i64: 32, 32>}, {pipeline_mode = #tpu.pipeline_mode<synchronous>, transform_indices = @transform_4, window_bounds = array<i64: 8, 32>}, {pipeline_mode = #tpu.pipeline_mode<synchronous>, transform_indices = @transform_5, window_bounds = array<i64: 32, 1>}, {pipeline_mode = #tpu.pipeline_mode<synchronous>, transform_indices = @transform_6, window_bounds = array<i64: 1, 32>}, {pipeline_mode = #tpu.pipeline_mode<synchronous>, transform_indices = @transform_7, window_bounds = array<i64: 32, 128>}, {transform_indices = @transform_8, window_bounds = array<i64: 8, 4096>}]} {
    %get3A = arith.constant 0 : index
    %get3A_0 = arith.constant 0 : index
    %get3A_1 = arith.constant 0 : index
    %get3A_2 = vector.load %arg1[%get3A, %get3A_0, %get3A_1] : memref<32x32x128xf32, #tpu.memory_space<vmem>>, vector<1x32x128xf32>
    %get3A_3 = vector.shape_cast %get3A_2 : vector<1x32x128xf32> to vector<32x128xf32>
    %get3A_4 = arith.constant 1 : index
    %get3A_5 = arith.constant 0 : index
    %get3A_6 = arith.constant 0 : index
    %get3A_7 = vector.load %arg1[%get3A_4, %get3A_5, %get3A_6] : memref<32x32x128xf32, #tpu.memory_space<vmem>>, vector<1x32x128xf32>
    %get3A_8 = vector.shape_cast %get3A_7 : vector<1x32x128xf32> to vector<32x128xf32>
    %get3A_9 = arith.constant 2 : index
    %get3A_10 = arith.constant 0 : index
    %get3A_11 = arith.constant 0 : index
    %get3A_12 = vector.load %arg1[%get3A_9, %get3A_10, %get3A_11] : memref<32x32x128xf32, #tpu.memory_space<vmem>>, vector<1x32x128xf32>
    %get3A_13 = vector.shape_cast %get3A_12 : vector<1x32x128xf32> to vector<32x128xf32>
    %get3A_14 = arith.constant 3 : index
    %get3A_15 = arith.constant 0 : index
    %get3A_16 = arith.constant 0 : index
    %get3A_17 = vector.load %arg1[%get3A_14, %get3A_15, %get3A_16] : memref<32x32x128xf32, #tpu.memory_space<vmem>>, vector<1x32x128xf32>
    %get3A_18 = vector.shape_cast %get3A_17 : vector<1x32x128xf32> to vector<32x128xf32>
    %get3A_19 = arith.constant 4 : index
    %get3A_20 = arith.constant 0 : index
    %get3A_21 = arith.constant 0 : index
    %get3A_22 = vector.load %arg1[%get3A_19, %get3A_20, %get3A_21] : memref<32x32x128xf32, #tpu.memory_space<vmem>>, vector<1x32x128xf32>
    %get3A_23 = vector.shape_cast %get3A_22 : vector<1x32x128xf32> to vector<32x128xf32>
    %get3A_24 = arith.constant 5 : index
    %get3A_25 = arith.constant 0 : index
    %get3A_26 = arith.constant 0 : index
    %get3A_27 = vector.load %arg1[%get3A_24, %get3A_25, %get3A_26] : memref<32x32x128xf32, #tpu.memory_space<vmem>>, vector<1x32x128xf32>
    %get3A_28 = vector.shape_cast %get3A_27 : vector<1x32x128xf32> to vector<32x128xf32>
    %get3A_29 = arith.constant 6 : index
    %get3A_30 = arith.constant 0 : index
    %get3A_31 = arith.constant 0 : index
    %get3A_32 = vector.load %arg1[%get3A_29, %get3A_30, %get3A_31] : memref<32x32x128xf32, #tpu.memory_space<vmem>>, vector<1x32x128xf32>
    %get3A_33 = vector.shape_cast %get3A_32 : vector<1x32x128xf32> to vector<32x128xf32>
    %get3A_34 = arith.constant 7 : index
    %get3A_35 = arith.constant 0 : index
    %get3A_36 = arith.constant 0 : index
    %get3A_37 = vector.load %arg1[%get3A_34, %get3A_35, %get3A_36] : memref<32x32x128xf32, #tpu.memory_space<vmem>>, vector<1x32x128xf32>
    %get3A_38 = vector.shape_cast %get3A_37 : vector<1x32x128xf32> to vector<32x128xf32>
    %get3A_39 = arith.constant 8 : index
    %get3A_40 = arith.constant 0 : index
    %get3A_41 = arith.constant 0 : index
    %get3A_42 = vector.load %arg1[%get3A_39, %get3A_40, %get3A_41] : memref<32x32x128xf32, #tpu.memory_space<vmem>>, vector<1x32x128xf32>
    %get3A_43 = vector.shape_cast %get3A_42 : vector<1x32x128xf32> to vector<32x128xf32>
    %get3A_44 = arith.constant 9 : index
    %get3A_45 = arith.constant 0 : index
    %get3A_46 = arith.constant 0 : index
    %get3A_47 = vector.load %arg1[%get3A_44, %get3A_45, %get3A_46] : memref<32x32x128xf32, #tpu.memory_space<vmem>>, vector<1x32x128xf32>
    %get3A_48 = vector.shape_cast %get3A_47 : vector<1x32x128xf32> to vector<32x128xf32>
    %get3A_49 = arith.constant 10 : index
    %get3A_50 = arith.constant 0 : index
    %get3A_51 = arith.constant 0 : index
    %get3A_52 = vector.load %arg1[%get3A_49, %get3A_50, %get3A_51] : memref<32x32x128xf32, #tpu.memory_space<vmem>>, vector<1x32x128xf32>
    %get3A_53 = vector.shape_cast %get3A_52 : vector<1x32x128xf32> to vector<32x128xf32>
    %get3A_54 = arith.constant 11 : index
    %get3A_55 = arith.constant 0 : index
    %get3A_56 = arith.constant 0 : index
    %get3A_57 = vector.load %arg1[%get3A_54, %get3A_55, %get3A_56] : memref<32x32x128xf32, #tpu.memory_space<vmem>>, vector<1x32x128xf32>
    %get3A_58 = vector.shape_cast %get3A_57 : vector<1x32x128xf32> to vector<32x128xf32>
    %get3A_59 = arith.constant 12 : index
    %get3A_60 = arith.constant 0 : index
    %get3A_61 = arith.constant 0 : index
    %get3A_62 = vector.load %arg1[%get3A_59, %get3A_60, %get3A_61] : memref<32x32x128xf32, #tpu.memory_space<vmem>>, vector<1x32x128xf32>
    %get3A_63 = vector.shape_cast %get3A_62 : vector<1x32x128xf32> to vector<32x128xf32>
    %get3A_64 = arith.constant 13 : index
    %get3A_65 = arith.constant 0 : index
    %get3A_66 = arith.constant 0 : index
    %get3A_67 = vector.load %arg1[%get3A_64, %get3A_65, %get3A_66] : memref<32x32x128xf32, #tpu.memory_space<vmem>>, vector<1x32x128xf32>
    %get3A_68 = vector.shape_cast %get3A_67 : vector<1x32x128xf32> to vector<32x128xf32>
    %get3A_69 = arith.constant 14 : index
    %get3A_70 = arith.constant 0 : index
    %get3A_71 = arith.constant 0 : index
    %get3A_72 = vector.load %arg1[%get3A_69, %get3A_70, %get3A_71] : memref<32x32x128xf32, #tpu.memory_space<vmem>>, vector<1x32x128xf32>
    %get3A_73 = vector.shape_cast %get3A_72 : vector<1x32x128xf32> to vector<32x128xf32>
    %get3A_74 = arith.constant 15 : index
    %get3A_75 = arith.constant 0 : index
    %get3A_76 = arith.constant 0 : index
    %get3A_77 = vector.load %arg1[%get3A_74, %get3A_75, %get3A_76] : memref<32x32x128xf32, #tpu.memory_space<vmem>>, vector<1x32x128xf32>
    %get3A_78 = vector.shape_cast %get3A_77 : vector<1x32x128xf32> to vector<32x128xf32>
    %get3A_79 = arith.constant 16 : index
    %get3A_80 = arith.constant 0 : index
    %get3A_81 = arith.constant 0 : index
    %get3A_82 = vector.load %arg1[%get3A_79, %get3A_80, %get3A_81] : memref<32x32x128xf32, #tpu.memory_space<vmem>>, vector<1x32x128xf32>
    %get3A_83 = vector.shape_cast %get3A_82 : vector<1x32x128xf32> to vector<32x128xf32>
    %get3A_84 = arith.constant 17 : index
    %get3A_85 = arith.constant 0 : index
    %get3A_86 = arith.constant 0 : index
    %get3A_87 = vector.load %arg1[%get3A_84, %get3A_85, %get3A_86] : memref<32x32x128xf32, #tpu.memory_space<vmem>>, vector<1x32x128xf32>
    %get3A_88 = vector.shape_cast %get3A_87 : vector<1x32x128xf32> to vector<32x128xf32>
    %get3A_89 = arith.constant 18 : index
    %get3A_90 = arith.constant 0 : index
    %get3A_91 = arith.constant 0 : index
    %get3A_92 = vector.load %arg1[%get3A_89, %get3A_90, %get3A_91] : memref<32x32x128xf32, #tpu.memory_space<vmem>>, vector<1x32x128xf32>
    %get3A_93 = vector.shape_cast %get3A_92 : vector<1x32x128xf32> to vector<32x128xf32>
    %get3A_94 = arith.constant 19 : index
    %get3A_95 = arith.constant 0 : index
    %get3A_96 = arith.constant 0 : index
    %get3A_97 = vector.load %arg1[%get3A_94, %get3A_95, %get3A_96] : memref<32x32x128xf32, #tpu.memory_space<vmem>>, vector<1x32x128xf32>
    %get3A_98 = vector.shape_cast %get3A_97 : vector<1x32x128xf32> to vector<32x128xf32>
    %get3A_99 = arith.constant 20 : index
    %get3A_100 = arith.constant 0 : index
    %get3A_101 = arith.constant 0 : index
    %get3A_102 = vector.load %arg1[%get3A_99, %get3A_100, %get3A_101] : memref<32x32x128xf32, #tpu.memory_space<vmem>>, vector<1x32x128xf32>
    %get3A_103 = vector.shape_cast %get3A_102 : vector<1x32x128xf32> to vector<32x128xf32>
    %get3A_104 = arith.constant 21 : index
    %get3A_105 = arith.constant 0 : index
    %get3A_106 = arith.constant 0 : index
    %get3A_107 = vector.load %arg1[%get3A_104, %get3A_105, %get3A_106] : memref<32x32x128xf32, #tpu.memory_space<vmem>>, vector<1x32x128xf32>
    %get3A_108 = vector.shape_cast %get3A_107 : vector<1x32x128xf32> to vector<32x128xf32>
    %get3A_109 = arith.constant 22 : index
    %get3A_110 = arith.constant 0 : index
    %get3A_111 = arith.constant 0 : index
    %get3A_112 = vector.load %arg1[%get3A_109, %get3A_110, %get3A_111] : memref<32x32x128xf32, #tpu.memory_space<vmem>>, vector<1x32x128xf32>
    %get3A_113 = vector.shape_cast %get3A_112 : vector<1x32x128xf32> to vector<32x128xf32>
    %get3A_114 = arith.constant 23 : index
    %get3A_115 = arith.constant 0 : index
    %get3A_116 = arith.constant 0 : index
    %get3A_117 = vector.load %arg1[%get3A_114, %get3A_115, %get3A_116] : memref<32x32x128xf32, #tpu.memory_space<vmem>>, vector<1x32x128xf32>
    %get3A_118 = vector.shape_cast %get3A_117 : vector<1x32x128xf32> to vector<32x128xf32>
    %get3A_119 = arith.constant 24 : index
    %get3A_120 = arith.constant 0 : index
    %get3A_121 = arith.constant 0 : index
    %get3A_122 = vector.load %arg1[%get3A_119, %get3A_120, %get3A_121] : memref<32x32x128xf32, #tpu.memory_space<vmem>>, vector<1x32x128xf32>
    %get3A_123 = vector.shape_cast %get3A_122 : vector<1x32x128xf32> to vector<32x128xf32>
    %get3A_124 = arith.constant 25 : index
    %get3A_125 = arith.constant 0 : index
    %get3A_126 = arith.constant 0 : index
    %get3A_127 = vector.load %arg1[%get3A_124, %get3A_125, %get3A_126] : memref<32x32x128xf32, #tpu.memory_space<vmem>>, vector<1x32x128xf32>
    %get3A_128 = vector.shape_cast %get3A_127 : vector<1x32x128xf32> to vector<32x128xf32>
    %get3A_129 = arith.constant 26 : index
    %get3A_130 = arith.constant 0 : index
    %get3A_131 = arith.constant 0 : index
    %get3A_132 = vector.load %arg1[%get3A_129, %get3A_130, %get3A_131] : memref<32x32x128xf32, #tpu.memory_space<vmem>>, vector<1x32x128xf32>
    %get3A_133 = vector.shape_cast %get3A_132 : vector<1x32x128xf32> to vector<32x128xf32>
    %get3A_134 = arith.constant 27 : index
    %get3A_135 = arith.constant 0 : index
    %get3A_136 = arith.constant 0 : index
    %get3A_137 = vector.load %arg1[%get3A_134, %get3A_135, %get3A_136] : memref<32x32x128xf32, #tpu.memory_space<vmem>>, vector<1x32x128xf32>
    %get3A_138 = vector.shape_cast %get3A_137 : vector<1x32x128xf32> to vector<32x128xf32>
    %get3A_139 = arith.constant 28 : index
    %get3A_140 = arith.constant 0 : index
    %get3A_141 = arith.constant 0 : index
    %get3A_142 = vector.load %arg1[%get3A_139, %get3A_140, %get3A_141] : memref<32x32x128xf32, #tpu.memory_space<vmem>>, vector<1x32x128xf32>
    %get3A_143 = vector.shape_cast %get3A_142 : vector<1x32x128xf32> to vector<32x128xf32>
    %get3A_144 = arith.constant 29 : index
    %get3A_145 = arith.constant 0 : index
    %get3A_146 = arith.constant 0 : index
    %get3A_147 = vector.load %arg1[%get3A_144, %get3A_145, %get3A_146] : memref<32x32x128xf32, #tpu.memory_space<vmem>>, vector<1x32x128xf32>
    %get3A_148 = vector.shape_cast %get3A_147 : vector<1x32x128xf32> to vector<32x128xf32>
    %get3A_149 = arith.constant 30 : index
    %get3A_150 = arith.constant 0 : index
    %get3A_151 = arith.constant 0 : index
    %get3A_152 = vector.load %arg1[%get3A_149, %get3A_150, %get3A_151] : memref<32x32x128xf32, #tpu.memory_space<vmem>>, vector<1x32x128xf32>
    %get3A_153 = vector.shape_cast %get3A_152 : vector<1x32x128xf32> to vector<32x128xf32>
    %get3A_154 = arith.constant 31 : index
    %get3A_155 = arith.constant 0 : index
    %get3A_156 = arith.constant 0 : index
    %get3A_157 = vector.load %arg1[%get3A_154, %get3A_155, %get3A_156] : memref<32x32x128xf32, #tpu.memory_space<vmem>>, vector<1x32x128xf32>
    %get3A_158 = vector.shape_cast %get3A_157 : vector<1x32x128xf32> to vector<32x128xf32>
    %concatenate3A = tpu.concatenate %get3A_3, %get3A_8, %get3A_13, %get3A_18, %get3A_23, %get3A_28, %get3A_33, %get3A_38, %get3A_43, %get3A_48, %get3A_53, %get3A_58, %get3A_63, %get3A_68, %get3A_73, %get3A_78, %get3A_83, %get3A_88, %get3A_93, %get3A_98, %get3A_103, %get3A_108, %get3A_113, %get3A_118, %get3A_123, %get3A_128, %get3A_133, %get3A_138, %get3A_143, %get3A_148, %get3A_153, %get3A_158 in 1 : vector<32x128xf32>, vector<32x128xf32>, vector<32x128xf32>, vector<32x128xf32>, vector<32x128xf32>, vector<32x128xf32>, vector<32x128xf32>, vector<32x128xf32>, vector<32x128xf32>, vector<32x128xf32>, vector<32x128xf32>, vector<32x128xf32>, vector<32x128xf32>, vector<32x128xf32>, vector<32x128xf32>, vector<32x128xf32>, vector<32x128xf32>, vector<32x128xf32>, vector<32x128xf32>, vector<32x128xf32>, vector<32x128xf32>, vector<32x128xf32>, vector<32x128xf32>, vector<32x128xf32>, vector<32x128xf32>, vector<32x128xf32>, vector<32x128xf32>, vector<32x128xf32>, vector<32x128xf32>, vector<32x128xf32>, vector<32x128xf32>, vector<32x128xf32> -> vector<32x4096xf32>
    %slice3A = vector.extract_strided_slice %concatenate3A {offsets = [0, 0], sizes = [8, 4096], strides = [1, 1]} : vector<32x4096xf32> to vector<8x4096xf32>
    %slice3A_159 = vector.extract_strided_slice %concatenate3A {offsets = [8, 0], sizes = [8, 4096], strides = [1, 1]} : vector<32x4096xf32> to vector<8x4096xf32>
    %slice3A_160 = vector.extract_strided_slice %concatenate3A {offsets = [16, 0], sizes = [8, 4096], strides = [1, 1]} : vector<32x4096xf32> to vector<8x4096xf32>
    %slice3A_161 = vector.extract_strided_slice %concatenate3A {offsets = [24, 0], sizes = [8, 4096], strides = [1, 1]} : vector<32x4096xf32> to vector<8x4096xf32>
    %get3A_162 = arith.constant 0 : index
    %get3A_163 = arith.constant 0 : index
    %get3A_164 = vector.load %arg8[%get3A_162, %get3A_163] : memref<32x128xf32, #tpu.memory_space<vmem>>, vector<32x1xf32>
    %get3A_165 = arith.constant 0 : index
    %get3A_166 = arith.constant 1 : index
    %get3A_167 = vector.load %arg8[%get3A_165, %get3A_166] : memref<32x128xf32, #tpu.memory_space<vmem>>, vector<32x1xf32>
    %get3A_168 = arith.constant 0 : index
    %get3A_169 = arith.constant 2 : index
    %get3A_170 = vector.load %arg8[%get3A_168, %get3A_169] : memref<32x128xf32, #tpu.memory_space<vmem>>, vector<1x1xf32>
    %get3A_171 = arith.constant 0 : index
    %get3A_172 = arith.constant 0 : index
    %get3A_173 = vector.load %arg2[%get3A_171, %get3A_172] : memref<32x8xf32, #tpu.memory_space<vmem>>, vector<32x8xf32>
    %dot_general3A = arith.constant dense<0.000000e+00> : vector<32x4096xf32>
    %dot_general3A_174 = tpu.matmul %get3A_173, %slice3A, %dot_general3A {dimension_numbers = #tpu.dot_dimension_numbers<[1], [0], [0], [1], [0, 0, 1, 1], [], []>, transpose_lhs_hint = false} : vector<32x8xf32>, vector<8x4096xf32>, vector<32x4096xf32> -> vector<32x4096xf32>
    %add3A = vector.broadcast %get3A_164 : vector<32x1xf32> to vector<32x4096xf32>
    %add3A_175 = arith.addf %dot_general3A_174, %add3A : vector<32x4096xf32>
    %max3A = arith.constant 0.000000e+00 : f32
    %max3A_176 = vector.broadcast %max3A : f32 to vector<32x4096xf32>
    %max3A_177 = arith.maximumf %add3A_175, %max3A_176 : vector<32x4096xf32>
    %get3A_178 = arith.constant 0 : index
    %get3A_179 = arith.constant 0 : index
    %get3A_180 = vector.load %arg3[%get3A_178, %get3A_179] : memref<32x32xf32, #tpu.memory_space<vmem>>, vector<32x32xf32>
    %dot_general3A_181 = arith.constant dense<0.000000e+00> : vector<32x4096xf32>
    %dot_general3A_182 = tpu.matmul %get3A_180, %max3A_177, %dot_general3A_181 {dimension_numbers = #tpu.dot_dimension_numbers<[1], [0], [0], [1], [0, 0, 1, 1], [], []>, transpose_lhs_hint = false} : vector<32x32xf32>, vector<32x4096xf32>, vector<32x4096xf32> -> vector<32x4096xf32>
    %add3A_183 = vector.broadcast %get3A_167 : vector<32x1xf32> to vector<32x4096xf32>
    %add3A_184 = arith.addf %dot_general3A_182, %add3A_183 : vector<32x4096xf32>
    %max3A_185 = arith.constant 0.000000e+00 : f32
    %max3A_186 = vector.broadcast %max3A_185 : f32 to vector<32x4096xf32>
    %max3A_187 = arith.maximumf %add3A_184, %max3A_186 : vector<32x4096xf32>
    %get3A_188 = arith.constant 0 : index
    %get3A_189 = arith.constant 0 : index
    %get3A_190 = vector.load %arg7[%get3A_188, %get3A_189] : memref<1x32xf32, #tpu.memory_space<vmem>>, vector<1x32xf32>
    %dot_general3A_191 = arith.constant dense<0.000000e+00> : vector<1x4096xf32>
    %dot_general3A_192 = tpu.matmul %get3A_190, %max3A_187, %dot_general3A_191 {dimension_numbers = #tpu.dot_dimension_numbers<[1], [0], [0], [1], [0, 0, 1, 1], [], []>, transpose_lhs_hint = false} : vector<1x32xf32>, vector<32x4096xf32>, vector<1x4096xf32> -> vector<1x4096xf32>
    %add3A_193 = vector.broadcast %get3A_170 : vector<1x1xf32> to vector<1x4096xf32>
    %add3A_194 = arith.addf %dot_general3A_192, %add3A_193 : vector<1x4096xf32>
    %gt3A = arith.constant 0.000000e+00 : f32
    %gt3A_195 = vector.broadcast %gt3A : f32 to vector<32x4096xf32>
    %gt3A_196 = arith.cmpf ogt, %add3A_184, %gt3A_195 : vector<32x4096xf32>
    %get3A_197 = arith.constant 0 : index
    %get3A_198 = arith.constant 0 : index
    %get3A_199 = vector.load %arg6[%get3A_197, %get3A_198] : memref<32x1xf32, #tpu.memory_space<vmem>>, vector<32x1xf32>
    %jit3A = arith.constant 0.000000e+00 : f32
    %broadcast_in_dim3A = vector.shape_cast %get3A_199 : vector<32x1xf32> to vector<32x1xf32>
    %broadcast_in_dim3A_200 = vector.broadcast %broadcast_in_dim3A : vector<32x1xf32> to vector<32x4096xf32>
    %broadcast_in_dim3A_201 = vector.broadcast %jit3A : f32 to vector<32x4096xf32>
    %select_n3A = arith.select %gt3A_196, %broadcast_in_dim3A_200, %broadcast_in_dim3A_201 : vector<32x4096xi1>, vector<32x4096xf32>
    %gt3A_202 = arith.constant 0.000000e+00 : f32
    %gt3A_203 = vector.broadcast %gt3A_202 : f32 to vector<32x4096xf32>
    %gt3A_204 = arith.cmpf ogt, %add3A_175, %gt3A_203 : vector<32x4096xf32>
    %get3A_205 = arith.constant 0 : index
    %get3A_206 = arith.constant 0 : index
    %get3A_207 = vector.load %arg4[%get3A_205, %get3A_206] : memref<32x32xf32, #tpu.memory_space<vmem>>, vector<32x32xf32>
    %dot_general3A_208 = arith.constant dense<0.000000e+00> : vector<32x4096xf32>
    %dot_general3A_209 = tpu.matmul %get3A_207, %select_n3A, %dot_general3A_208 {dimension_numbers = #tpu.dot_dimension_numbers<[1], [0], [0], [1], [0, 0, 1, 1], [], []>, transpose_lhs_hint = false} : vector<32x32xf32>, vector<32x4096xf32>, vector<32x4096xf32> -> vector<32x4096xf32>
    %jit3A_210 = arith.constant 0.000000e+00 : f32
    %broadcast_in_dim3A_211 = vector.broadcast %jit3A_210 : f32 to vector<32x4096xf32>
    %select_n3A_212 = arith.select %gt3A_204, %dot_general3A_209, %broadcast_in_dim3A_211 : vector<32x4096xi1>, vector<32x4096xf32>
    %get3A_213 = arith.constant 0 : index
    %get3A_214 = arith.constant 0 : index
    %get3A_215 = vector.load %arg5[%get3A_213, %get3A_214] : memref<8x32xf32, #tpu.memory_space<vmem>>, vector<8x32xf32>
    %dot_general3A_216 = arith.constant dense<0.000000e+00> : vector<8x4096xf32>
    %dot_general3A_217 = tpu.matmul %get3A_215, %select_n3A_212, %dot_general3A_216 {dimension_numbers = #tpu.dot_dimension_numbers<[1], [0], [0], [1], [0, 0, 1, 1], [], []>, transpose_lhs_hint = false} : vector<8x32xf32>, vector<32x4096xf32>, vector<8x4096xf32> -> vector<8x4096xf32>
    %mul3A = arith.mulf %dot_general3A_217, %slice3A_159 : vector<8x4096xf32>
    %reduce_sum3A = arith.constant dense<0.000000e+00> : vector<4096xf32>
    %reduce_sum3A_218 = vector.multi_reduction <add>, %mul3A, %reduce_sum3A [0] : vector<8x4096xf32> to vector<4096xf32>
    %broadcast_in_dim3A_219 = vector.shape_cast %reduce_sum3A_218 : vector<4096xf32> to vector<1x4096xf32>
    %mul3A_220 = arith.mulf %dot_general3A_217, %slice3A_160 : vector<8x4096xf32>
    %reduce_sum3A_221 = arith.constant dense<0.000000e+00> : vector<4096xf32>
    %reduce_sum3A_222 = vector.multi_reduction <add>, %mul3A_220, %reduce_sum3A_221 [0] : vector<8x4096xf32> to vector<4096xf32>
    %broadcast_in_dim3A_223 = vector.shape_cast %reduce_sum3A_222 : vector<4096xf32> to vector<1x4096xf32>
    %mul3A_224 = arith.mulf %dot_general3A_217, %slice3A_161 : vector<8x4096xf32>
    %reduce_sum3A_225 = arith.constant dense<0.000000e+00> : vector<4096xf32>
    %reduce_sum3A_226 = vector.multi_reduction <add>, %mul3A_224, %reduce_sum3A_225 [0] : vector<8x4096xf32> to vector<4096xf32>
    %broadcast_in_dim3A_227 = vector.shape_cast %reduce_sum3A_226 : vector<4096xf32> to vector<1x4096xf32>
    %concatenate3A_228 = tpu.concatenate %add3A_194, %broadcast_in_dim3A_219, %broadcast_in_dim3A_223, %broadcast_in_dim3A_227 in 0 : vector<1x4096xf32>, vector<1x4096xf32>, vector<1x4096xf32>, vector<1x4096xf32> -> vector<4x4096xf32>
    %swap3A = arith.constant 0 : index
    %swap3A_229 = arith.constant 0 : index
    %swap3A_230 = vector.load %arg9[%swap3A, %swap3A_229] : memref<8x4096xf32, #tpu.memory_space<vmem>>, vector<4x4096xf32>
    tpu.vector_store %arg9[%swap3A, %swap3A_229], %concatenate3A_228 {strides = array<i32>} : memref<8x4096xf32, #tpu.memory_space<vmem>>, vector<4x4096xf32>,
    return
  }
  func.func @transform_0(%arg0: i32) -> (i32, i32, i32) {
    %c0_i32 = arith.constant 0 : i32
    %c0_i32_0 = arith.constant 0 : i32
    %c0_i32_1 = arith.constant 0 : i32
    return %arg0, %c0_i32, %c0_i32_0 : i32, i32, i32
  }
  func.func @transform_1(%arg0: i32) -> (i32, i32) {
    %c0_i32 = arith.constant 0 : i32
    %c0_i32_0 = arith.constant 0 : i32
    %c0_i32_1 = arith.constant 0 : i32
    return %c0_i32, %c0_i32_0 : i32, i32
  }
  func.func @transform_2(%arg0: i32) -> (i32, i32) {
    %c0_i32 = arith.constant 0 : i32
    %c0_i32_0 = arith.constant 0 : i32
    %c0_i32_1 = arith.constant 0 : i32
    return %c0_i32, %c0_i32_0 : i32, i32
  }
  func.func @transform_3(%arg0: i32) -> (i32, i32) {
    %c0_i32 = arith.constant 0 : i32
    %c0_i32_0 = arith.constant 0 : i32
    %c0_i32_1 = arith.constant 0 : i32
    return %c0_i32, %c0_i32_0 : i32, i32
  }
  func.func @transform_4(%arg0: i32) -> (i32, i32) {
    %c0_i32 = arith.constant 0 : i32
    %c0_i32_0 = arith.constant 0 : i32
    %c0_i32_1 = arith.constant 0 : i32
    return %c0_i32, %c0_i32_0 : i32, i32
  }
  func.func @transform_5(%arg0: i32) -> (i32, i32) {
    %c0_i32 = arith.constant 0 : i32
    %c0_i32_0 = arith.constant 0 : i32
    %c0_i32_1 = arith.constant 0 : i32
    return %c0_i32, %c0_i32_0 : i32, i32
  }
  func.func @transform_6(%arg0: i32) -> (i32, i32) {
    %c0_i32 = arith.constant 0 : i32
    %c0_i32_0 = arith.constant 0 : i32
    %c0_i32_1 = arith.constant 0 : i32
    return %c0_i32, %c0_i32_0 : i32, i32
  }
  func.func @transform_7(%arg0: i32) -> (i32, i32) {
    %c0_i32 = arith.constant 0 : i32
    %c0_i32_0 = arith.constant 0 : i32
    %c0_i32_1 = arith.constant 0 : i32
    return %c0_i32, %c0_i32_0 : i32, i32
  }
  func.func @transform_8(%arg0: i32) -> (i32, i32) {
    %c0_i32 = arith.constant 0 : i32
    %c0_i32_0 = arith.constant 0 : i32
    return %c0_i32, %arg0 : i32, i32
  }
}

</mosaic_0001>

<sc_bundles>
// kernel: kernel.5.cloned.1.call-start
scs
__scs_entry_jumppad:
0x0: {  	(pc) =	sbr.rel $0x88, $3  }
0x1: {  	(tag) =	ssettag $0x0;
	lr =	simm.s32 $0x1  }
0x2: {  	[smem:$0x3F99] =	sst lr;
	_ =	strace $0xD0000000  }
0x3: {  	_ = 	snop  }
0x4: {  	_ = 	snop  }
0x5: {  	_ = 	snop  }
0x6: {  	_ = 	snop  }
0x7: {  	_ = 	snop  }
__scs_overlays_trampoline_lowered:
0x8: {  	[smem:$0x3FA8] =	sst s0  }
0x9: {  	[smem:$0x3FA9] =	sst s1  }
0xa: {  	[smem:$0x3FAA] =	sst s2  }
0xb: {  	[smem:$0x3FAB] =	sst s3  }
0xc: {  	[smem:$0x3FAC] =	sst s4  }
0xd: {  	[smem:$0x3FAD] =	sst s5  }
0xe: {  	[smem:$0x3FAE] =	sst s6  }
0xf: {  	[smem:$0x3FAF] =	sst s7  }
0x10: {  	[smem:$0x3FB0] =	sst s8  }
0x11: {  	[smem:$0x3FB1] =	sst s9;
	s0 =	simm.s32 @!p0 $0x0  }
0x12: {  	s1 =	sld [smem:$0x3F97];
	s0 =	simm.s32 @p0 $0x1  }
0x13: {  	[smem:$0x3FB2] =	sst s0;
	s0 =	simm.s32 @!p1 $0x0  }
0x14: {  	s2 =	sld [smem:$0x3F96];
	s0 =	simm.s32 @p1 $0x1  }
0x15: {  	[smem:$0x3FB3] =	sst s0;
	s0 =	simm.s32 @!p2 $0x0  }
0x16: {  	s3 =	sld [smem:$0x3FDB];
	s0 =	simm.s32 @p2 $0x1  }
0x17: {  	s4 =	simm.s32 $0x1BF5;
	[smem:$0x3FB5] =	sst s0  }
0x18: {  	s0 =	sld [smem:$0x3F98];
	_ =	swait.ge [sflag:s4], $0x0  }
0x19: {  	s7 =	sld [smem:$0x3F99]  }
0x1a: {  	s8 =	sadd.s32 $0xFFFFE003, lr  }
0x1b: {  	s9 =	sadd.s32 $0xFFFFFEF7, lr;
	s5 =	simm.s32 $0xFFFFFFFF;
	p2 =	slt.u32 s8, $0xFFFFF086  }
0x1c: {  	p1 =	slt.u32 s9, $0xF7A;
	s5 =	simm.s32 @!p2 $0x0  }
0x1d: {  	s5 =	simm.s32 @p1 $0x1;
	p0 =	seq.s32 s7, s2  }
0x1e: {  	s7 =	smul.u32 @!p0 $0xF7A, s2;
	p2 =	seq.s32 @!p0 s5, $0x0  }
0x1f: {  	s9 =	smul.u32 $0xF7A, s1;
	s8 =	simm.s32 @!p0 $0x1BF5;
	p2 =	por !p2, p0  }
0x20: {  	[sflag:s8] =	ssyncset.s32 @!p0 $0xFFFFF086;
	s6 =	sadd.s32 @!p0 s3, s7;
	s7 =	simm.s32 @!p0 $0x108  }
0x21: {  	s3 =	sadd.s32 s3, s9;
	s6 =	sadd.s32 @!p0 $0x88, s6;
	s7 =	simm.s32 @p2 $0x1082  }
0x22: {  	[simem:s7], [sflag:s8] =	dma.local @!p0 [hbm:s6], $0xF7A  }
0x23: {  	s9 =	sor.u32 $0xD0000000, s2;
	s6 =	simm.s32 $0x108;
	_ =	swait.ge @!p0 [sflag:s8], $0x0  }
0x24: {  	s3 =	sadd.s32 $0x88, s3;
	s6 =	simm.s32 @!p1 $0x1082;
	[sflag:s4] =	ssyncset.s32 $0xFFFFF086  }
0x25: {  	[simem:s6], [sflag:s4] =	dma.local [hbm:s3], $0xF7A  }
0x26: {  	[smem:$0x3F99] =	sst s1;
	(tag) =	ssettag s2;
	_ =	strace s9  }
0x27: {  	s1 =	sld [smem:$0x3FA9]  }
0x28: {  	s2 =	sld [smem:$0x3FAA]  }
0x29: {  	s4 =	sld [smem:$0x3FAC]  }
0x2a: {  	p0 =	seq.s32 s5, $0x0;
	s5 =	sld [smem:$0x3FAD]  }
0x2b: {  	s6 =	sld [smem:$0x3FAE]  }
0x2c: {  	s7 =	sld [smem:$0x3FAF]  }
0x2d: {  	s3 =	simm.s32 $0x108;
	s8 =	sld [smem:$0x3FB0]  }
0x2e: {  	s3 =	simm.s32 @!p0 $0x1082;
	s9 =	sld [smem:$0x3FB1]  }
0x2f: {  	lr =	sadd.s32 s0, s3;
	s0 =	sld [smem:$0x3FA8]  }
0x30: {  	s3 =	sld [smem:$0x3FAB]  }
0x31: {  	[smem:$0x3FB4] =	sst s10  }
0x32: {  	s10 =	sld [smem:$0x3FB2];
	_ =	sdelay $0x3  }
0x33: {  	p0 =	seq.s32 s10, $0x1;
	s10 =	sld [smem:$0x3FB4];
	_ =	sdelay $0x3  }
0x34: {  	[smem:$0x3FB4] =	sst s10  }
0x35: {  	s10 =	sld [smem:$0x3FB3];
	_ =	sdelay $0x3  }
0x36: {  	p1 =	seq.s32 s10, $0x1;
	s10 =	sld [smem:$0x3FB4];
	_ =	sdelay $0x3  }
0x37: {  	[smem:$0x3FB4] =	sst s10  }
0x38: {  	s10 =	sld [smem:$0x3FB5]  }
0x39: {  	_ = 	snop;
	(pc) =	sbr.ind lr, $3  }
0x3a: {  	_ = 	snop  }
0x3b: {  	_ = 	snop  }
0x3c: {  	p2 =	seq.s32 s10, $0x1;
	s10 =	sld [smem:$0x3FB4]  }
0x3d: {  	_ =	shalt  }
0x3e: {  	_ =	shalt  }
0x3f: {  	_ =	shalt  }
0x40: {  	_ =	shalt  }
0x41: {  	_ =	shalt  }
0x42: {  	_ =	shalt  }
0x43: {  	_ =	shalt  }
0x44: {  	_ =	shalt  }
0x45: {  	_ =	shalt  }
0x46: {  	_ =	shalt  }
0x47: {  	_ =	shalt  }
0x48: {  	_ =	shalt  }
0x49: {  	_ =	shalt  }
0x4a: {  	_ =	shalt  }
0x4b: {  	_ =	shalt  }
0x4c: {  	_ =	shalt  }
0x4d: {  	_ =	shalt  }
0x4e: {  	_ =	shalt  }
0x4f: {  	_ =	shalt  }
0x50: {  	_ =	shalt  }
0x51: {  	_ =	shalt  }
0x52: {  	_ =	shalt  }
0x53: {  	_ =	shalt  }
0x54: {  	_ =	shalt  }
0x55: {  	_ =	shalt  }
0x56: {  	_ =	shalt  }
0x57: {  	_ =	shalt  }
0x58: {  	_ =	shalt  }
0x59: {  	_ =	shalt  }
0x5a: {  	_ =	shalt  }
0x5b: {  	_ =	shalt  }
0x5c: {  	_ =	shalt  }
0x5d: {  	_ =	shalt  }
0x5e: {  	_ =	shalt  }
0x5f: {  	_ =	shalt  }
0x60: {  	_ =	shalt  }
0x61: {  	_ =	shalt  }
0x62: {  	_ =	shalt  }
0x63: {  	_ =	shalt  }
0x64: {  	_ =	shalt  }
0x65: {  	_ =	shalt  }
0x66: {  	_ =	shalt  }
0x67: {  	_ =	shalt  }
0x68: {  	_ =	shalt  }
0x69: {  	_ =	shalt  }
0x6a: {  	_ =	shalt  }
0x6b: {  	_ =	shalt  }
0x6c: {  	_ =	shalt  }
0x6d: {  	_ =	shalt  }
0x6e: {  	_ =	shalt  }
0x6f: {  	_ =	shalt  }
0x70: {  	_ =	shalt  }
0x71: {  	_ =	shalt  }
0x72: {  	_ =	shalt  }
0x73: {  	_ =	shalt  }
0x74: {  	_ =	shalt  }
0x75: {  	_ =	shalt  }
0x76: {  	_ =	shalt  }
0x77: {  	_ =	shalt  }
0x78: {  	_ =	shalt  }
0x79: {  	_ =	shalt  }
0x7a: {  	_ =	shalt  }
0x7b: {  	_ =	shalt  }
0x7c: {  	_ =	shalt  }
0x7d: {  	_ =	shalt  }
0x7e: {  	_ =	shalt  }
0x7f: {  	_ =	shalt  }
0x80: {  	_ =	shalt  }
0x81: {  	_ =	shalt  }
0x82: {  	_ =	shalt  }
0x83: {  	_ =	shalt  }
0x84: {  	_ =	shalt  }
0x85: {  	_ =	shalt  }
0x86: {  	_ =	shalt  }
0x87: {  	_ =	shalt  }
.Lfunc_end0:
.L_simem_size_0:
called_computation_lowered:
.L_overlay_start_0:
0x88: {  	s2 =	sld [smem:$0x3FD9]  }
0x89: {  	s3 =	sld [smem:$0x3FFE];
	_ =	sdelay $0x1  }
0x8a: {  	s1 =	srdreg.scid  }
0x8b: {  	s0 =	sand.u32 $0x1, s1  }
0x8c: {  	s17 =	sshll.u32 s0, $0xA;
	s2 =	sadd.s32 s3, s2  }
0x8d: {  	s2 =	sadd.s32 s2, s17  }
0x8e: {  	[smem:$0x3FC0] =	sst s2  }
0x8f: {  	_ = 	snop  }
0x90: {  	s2 =	sld [smem:$0x3FC8];
	(tm) =	ssettm $0x1  }
0x91: {  	s18 =	sld [smem:$0x3FFB];
	_ =	sdelay $0x3  }
0x92: {  	_ =	strace s18  }
0x93: {  	s3 =	sld [smem:$0x3FFC];
	_ =	sdelay $0x3  }
0x94: {  	_ =	strace s3  }
0x95: {  	s3 =	sld [smem:$0x3FFD];
	_ =	sdelay $0x3  }
0x96: {  	_ =	strace s3  }
0x97: {  	_ =	strace $0x8FFFFFFF  }
0x98: {  	s19 =	sld [smem:$0x3FDB];
	_ =	sdelay $0x1  }
0x99: {  	s4 =	simm.s32 $_scs_section_size  }
0x9a: {  	s5 =	simm.s32 $_size__tile_overlayer_lowered;
	s6 =	simm.s32 $_tile_overlayer_lowered  }
0x9b: {  	s22 =	simm.s32 $0x1BFF;
	s21 =	sshll.u32 s6, $0x1;
	s3 =	sadd.s32 s4, s19  }
0x9c: {  	s7 =	simm.s32 $0x0;
	s20 =	sshll.u32 s5, $0x1;
	s5 =	sadd.s32 s21, s3  }
0x9d: {  	[timem:s7], [sflag:s22] =	dma.local [hbm:s5], s20  }
0x9e: {  	_ =	swait.ge [sflag:s22], s20  }
0x9f: {  	s4 =	ssub.s32 $0x0, s20;
	[sflag:s22] =	ssyncset.done $0x0  }
0xa0: {  	[sflag:s22] =	ssyncadd.s32 s4;
	_ =	sdelay $0x1  }
0xa1: {  	s23 =	simm.s32 $0x1B8B  }
0xa2: {  	_ =	swait.ge [sflag:s23], $0x1  }
0xa3: {  	[sflag:s23] =	ssyncset.done $0x0  }
0xa4: {  	s25 =	simm.s32 $0x1B8E;
	s24 =	sld [smem:$0x3FFE];
	[sflag:s23] =	ssyncadd.s32 $0xFFFFFFFF  }
0xa5: {  	s26 =	simm.s32 $execute0_lowered;
	[smem:$0x3FD2] =	sst s25  }
0xa6: {  	s5 =	sshll.u32 s26, $0x1;
	_ =	strace $0x80000046;
	[dreg:$0x1] =	wrdreg $0xFFFFFFFF  }
0xa7: {  	s28 =	simm.s32 $_size_execute0_lowered;
	s3 =	sadd.s32 s3, s5;
	[dreg:$0x0] =	wrdreg $0x0  }
0xa8: {  	s5 =	sshll.u32 s28, $0x1;
	[dreg:$0x2] =	wrdreg s3  }
0xa9: {  	[dreg:$0x3] =	wrdreg s5  }
0xaa: {  	[dreg:$0x4] =	wrdreg $0xC0  }
0xab: {  	_ =	task [dreg:s7], $0x5FFFF  }
0xac: {  	[dreg:$0x1] =	wrdreg $0xFFFFFFFF  }
0xad: {  	[dreg:$0x0] =	wrdreg $0x60  }
0xae: {  	[dreg:$0x2] =	wrdreg s2  }
0xaf: {  	[dreg:$0x3] =	wrdreg s24  }
0xb0: {  	[dreg:$0x4] =	wrdreg $0x9  }
0xb1: {  	_ =	task.clear_ibuf [dreg:s7], $0x5FFFF;
	_ =	strace $0x90000046  }
0xb2: {  	s29 =	simm.s32 $0x9;
	_ =	strace $0x80000048  }
0xb3: {  	_ =	swait.ge [sflag:s29], $0x1  }
0xb4: {  	[sflag:s29] =	ssyncadd.s32 $0xFFFFFFFF  }
0xb5: {  	_ =	strace $0x90000048  }
0xb6: {  	_ =	sfence  }
0xb7: {  	s30 =	sld [smem:$0x0];
	_ =	sdelay $0x2  }
0xb8: {  	s31 =	sshll.u32 s1, $0xD;
	s1 =	sshrl.u32 s1, $0x2  }
0xb9: {  	s3 =	sand.u32 $0x4000, s31;
	s1 =	sadd.s32 s1, s30  }
0xba: {  	s0 =	sor.u32 s3, s0;
	s1 =	sshll.u32 s1, $0x11  }
0xbb: {  	s0 =	sor.u32 s1, s0  }
0xbc: {  	s0 =	sadd.s32 $0x8F2B, s0  }
0xbd: {  	[sflag:s0] =	ssyncadd.remote.s32 $0x1  }
0xbe: {  	_ =	sfence.sel $0xFFFF  }
0xbf: {  	[dreg:$0x0] =	wrdreg $0xFFFFFFFF;
	(pc) =	sbr.abs _section_cstart, $3  }
0xc0: {  	[dreg:$0x1] =	wrdreg $0xFFFFFFFF  }
0xc1: {  	_ =	task.clear_ibuf [dreg:s7], $0x2FFFF;
	_ =	strace $0x9FFFFFFF  }
0xc2: {  	(tm) =	ssettm $0x7FFFFFFF  }
0xc3: {  	_ =	shalt  }
tec
execute0_lowered:
.L_overlay_start_1:
0x0: {  	(tag) =	ssettag $0x1  }
0x1: {  	s1 =	rddreg [dreg:$0x0];
	s0 =	srdreg.scid  }
0x2: {  	s3 =	rddreg [dreg:$0x1];
	s2 =	stileid.u32  }
0x3: {  	s4 =	simm.s32 $0x0;
	s9 =	simm.s32 $0x0;
	s5 =	sand.u32 $0x1, s0  }
0x4: {  	s0 =	rddreg [dreg:$0x2];
	s8 =	sshll.u32 s2, $0x1;
	s6 =	ssub.s32 $0x2, s5  }
0x5: {  	[smem:$0x7FF] =	sst s4;
	s5 =	sor.u32 s5, s8;
	s7 =	sshrl.u32 s6, $0x1  }
0x6: {  	v0 =	vlaneseq.u32;
	_ =	strace $0x80000047;
	s8 =	simm.s32 $0x3C00;
	s6 =	ssub.s32 s6, s7  }
0x7: {  	v0 =	vmul.u32 $0x8, v0;
	s5 =	smul.u32 $0x5DC, s5;
	s7 =	simm.s32 $0x1;
	s6 =	smax.u32 s6, $0x1  }
.LBB2_1:
0x8: {  	s10 =	simm.s32 $0x0  }
.LBB2_2:
0x9: {  	s11 =	smul.u32 $0xF, s10;
	_ =	sdelay $0x1  }
0xa: {  	s11 =	sadd.s32 s5, s11  }
0xb: {  	s11 =	sshll.u32 s11, $0x7  }
0xc: {  	s13 =	simm.s32 $0x0;
	s31 =	simm.s32 $0x0;
	s12 =	sadd.s32 s1, s11  }
0xd: {  	[tilespmem:s13], [sflag:$0x1] =	stream.linear.gather [hbm4b:s12+s13], $0x3C00, $0x38;
	[tilespmem:$0x7800] =	vst v63  }
0xe: {  	s13 =	sand.u32 $0x70, s13;
	s12 =	sand.u32 $0xFFFFFF80, s31  }
0xf: {  	s14 =	simm.s32 $0x0;
	_ =	swait.ge [sflag:s7], $0x3C00;
	s12 =	sor.u32 s13, s12  }
0x10: {  	s14 =	sand.u32 $0x3FFFFC00, s14;
	[sflag:s7] =	ssyncset.done $0x0;
	v1 =	vmov s12  }
0x11: {  	s13 =	sor.u32 s13, s14;
	[sflag:s7] =	ssyncadd.s32 $0xFFFFC400;
	v1 =	vshll.u32 v1, $0x3  }
0x12: {  	v2 =	vld [tilespmem:s13+$0x0];
	v3 =	vor.u32 v0, v1;
	_ =	sdelay $0x4  }
0x13: {  	[tilespmem:v3+s8+$0x0] =	vst.idx.msk $0xffff, v2  }
0x14: {  	v2 =	vor.u32 $0x1, v3;
	v1 =	vld [tilespmem:s13+$0x80];
	_ =	sdelay $0x4  }
0x15: {  	[tilespmem:v2+s8+$0x0] =	vst.idx.msk $0xffff, v1  }
0x16: {  	v2 =	vor.u32 $0x2, v3;
	v1 =	vld [tilespmem:s13+$0x100];
	_ =	sdelay $0x4  }
0x17: {  	[tilespmem:v2+s8+$0x0] =	vst.idx.msk $0xffff, v1  }
0x18: {  	v2 =	vor.u32 $0x3, v3;
	v1 =	vld [tilespmem:s13+$0x180];
	_ =	sdelay $0x4  }
0x19: {  	[tilespmem:v2+s8+$0x0] =	vst.idx.msk $0xffff, v1  }
0x1a: {  	v2 =	vor.u32 $0x4, v3;
	v1 =	vld [tilespmem:s13+$0x200];
	_ =	sdelay $0x4  }
0x1b: {  	[tilespmem:v2+s8+$0x0] =	vst.idx.msk $0xffff, v1  }
0x1c: {  	v2 =	vor.u32 $0x5, v3;
	v1 =	vld [tilespmem:s13+$0x280];
	_ =	sdelay $0x4  }
0x1d: {  	[tilespmem:v2+s8+$0x0] =	vst.idx.msk $0xffff, v1  }
0x1e: {  	v2 =	vor.u32 $0x6, v3;
	v1 =	vld [tilespmem:s13+$0x300];
	_ =	sdelay $0x4  }
0x1f: {  	[tilespmem:v2+s8+$0x0] =	vst.idx.msk $0xffff, v1  }
0x20: {  	s15 =	simm.s32 $0x10;
	v2 =	vor.u32 $0x7, v3;
	v1 =	vld [tilespmem:s13+$0x380]  }
0x21: {  	s14 =	simm.s32 $0x2;
	s12 =	simm.s32 $0x1;
	s13 =	simm.s32 $0x10  }
.LBB2_3:
0x22: {  	p0 =	sne.s32 s14, $0x77;
	s16 =	sand.u32 $0x70, s13;
	s15 =	sand.u32 $0xFFFFFF80, s15  }
0x23: {  	s17 =	sshll.u32 s12, $0x7;
	s12 =	smov.u32 s14;
	s15 =	sor.u32 s16, s15  }
0x24: {  	s17 =	sand.u32 $0x3FFFFC00, s17;
	v3 =	vmov s15  }
0x25: {  	s15 =	sor.u32 s16, s17;
	v3 =	vshll.u32 v3, $0x3;
	[tilespmem:v2+s8+$0x0] =	vst.idx.msk $0xffff, v1  }
0x26: {  	v1 =	vld [tilespmem:s15+$0x0];
	v2 =	vor.u32 v0, v3;
	_ =	sdelay $0x4  }
0x27: {  	[tilespmem:v2+s8+$0x0] =	vst.idx.msk $0xffff, v1  }
0x28: {  	v3 =	vor.u32 $0x1, v2;
	v1 =	vld [tilespmem:s15+$0x80];
	_ =	sdelay $0x4  }
0x29: {  	[tilespmem:v3+s8+$0x0] =	vst.idx.msk $0xffff, v1  }
0x2a: {  	v3 =	vor.u32 $0x2, v2;
	v1 =	vld [tilespmem:s15+$0x100];
	_ =	sdelay $0x4  }
0x2b: {  	[tilespmem:v3+s8+$0x0] =	vst.idx.msk $0xffff, v1  }
0x2c: {  	v3 =	vor.u32 $0x3, v2;
	v1 =	vld [tilespmem:s15+$0x180];
	_ =	sdelay $0x4  }
0x2d: {  	[tilespmem:v3+s8+$0x0] =	vst.idx.msk $0xffff, v1  }
0x2e: {  	v3 =	vor.u32 $0x4, v2;
	v1 =	vld [tilespmem:s15+$0x200];
	_ =	sdelay $0x4  }
0x2f: {  	[tilespmem:v3+s8+$0x0] =	vst.idx.msk $0xffff, v1  }
0x30: {  	v3 =	vor.u32 $0x5, v2;
	v1 =	vld [tilespmem:s15+$0x280];
	_ =	sdelay $0x4  }
0x31: {  	[tilespmem:v3+s8+$0x0] =	vst.idx.msk $0xffff, v1  }
0x32: {  	v3 =	vor.u32 $0x6, v2;
	v1 =	vld [tilespmem:s15+$0x300];
	_ =	sdelay $0x2  }
.Ltmp0:
0x33: {  	(pc) =	sbr.rel @p0 .LBB2_3-.Ltmp0, $4  }
0x34: {  	_ = 	snop  }
0x35: {  	[tilespmem:v3+s8+$0x0] =	vst.idx.msk $0xffff, v1  }
0x36: {  	v2 =	vor.u32 $0x7, v2;
	v1 =	vld [tilespmem:s15+$0x380]  }
0x37: {  	s14 =	sadd.s32 $0x1, s14;
	s13 =	sadd.s32 $0x10, s13;
	s15 =	sshll.u32 s12, $0x4  }
0x38: {  	_ = 	snop  }
0x39: {  	s13 =	sand.u32 $0x70, s13;
	s14 =	sand.u32 $0xFFFFFF80, s15  }
0x3a: {  	s12 =	sshll.u32 s12, $0x7;
	s14 =	sor.u32 s13, s14  }
0x3b: {  	s12 =	sand.u32 $0x3FFFFC00, s12;
	v3 =	vmov s14  }
0x3c: {  	s12 =	sor.u32 s13, s12;
	v3 =	vshll.u32 v3, $0x3;
	[tilespmem:v2+s8+$0x0] =	vst.idx.msk $0xffff, v1  }
0x3d: {  	v1 =	vld [tilespmem:s12+$0x0];
	v2 =	vor.u32 v0, v3;
	_ =	sdelay $0x4  }
0x3e: {  	[tilespmem:v2+s8+$0x0] =	vst.idx.msk $0xffff, v1  }
0x3f: {  	v3 =	vor.u32 $0x1, v2;
	v1 =	vld [tilespmem:s12+$0x80];
	_ =	sdelay $0x4  }
0x40: {  	[tilespmem:v3+s8+$0x0] =	vst.idx.msk $0xffff, v1  }
0x41: {  	v3 =	vor.u32 $0x2, v2;
	v1 =	vld [tilespmem:s12+$0x100];
	_ =	sdelay $0x4  }
0x42: {  	[tilespmem:v3+s8+$0x0] =	vst.idx.msk $0xffff, v1  }
0x43: {  	v3 =	vor.u32 $0x3, v2;
	v1 =	vld [tilespmem:s12+$0x180];
	_ =	sdelay $0x4  }
0x44: {  	[tilespmem:v3+s8+$0x0] =	vst.idx.msk $0xffff, v1  }
0x45: {  	v3 =	vor.u32 $0x4, v2;
	v1 =	vld [tilespmem:s12+$0x200];
	_ =	sdelay $0x4  }
0x46: {  	[tilespmem:v3+s8+$0x0] =	vst.idx.msk $0xffff, v1  }
0x47: {  	v3 =	vor.u32 $0x5, v2;
	v1 =	vld [tilespmem:s12+$0x280];
	_ =	sdelay $0x4  }
0x48: {  	[tilespmem:v3+s8+$0x0] =	vst.idx.msk $0xffff, v1  }
0x49: {  	v3 =	vor.u32 $0x6, v2;
	v1 =	vld [tilespmem:s12+$0x300];
	_ =	sdelay $0x4  }
0x4a: {  	[tilespmem:v3+s8+$0x0] =	vst.idx.msk $0xffff, v1  }
0x4b: {  	v2 =	vor.u32 $0x7, v2;
	v1 =	vld [tilespmem:s12+$0x380];
	_ =	sdelay $0x2  }
0x4c: {  	s10 =	sadd.s32 $0x1, s10  }
0x4d: {  	p0 =	sne.s32 s10, $0x64  }
.Ltmp1:
0x4e: {  	s11 =	sadd.s32 s3, s11;
	[tilespmem:v2+s8+$0x0] =	vst.idx.msk $0xffff, v1;
	(pc) =	sbr.rel @p0 .LBB2_2-.Ltmp1, $4  }
0x4f: {  	[hbm4b:s11+s4] =	stream.linear.scatter [tilespmem:s8], [sflag:$0x1], $0x3C00, $0x38;
	[tilespmem:$0x7800] =	vst v63  }
0x50: {  	_ =	swait.ge [sflag:s7], $0x3C00  }
0x51: {  	[sflag:s7] =	ssyncset.done $0x0  }
0x52: {  	[sflag:s7] =	ssyncadd.s32 $0xFFFFC400  }
0x53: {  	s9 =	sadd.s32 $0x1, s9  }
0x54: {  	p0 =	sne.s32 s9, s6  }
.Ltmp2:
0x55: {  	_ = 	snop;
	(pc) =	sbr.rel @p0 .LBB2_1-.Ltmp2, $1  }
0x56: {  	_ =	sdelay $0x3  }
0x57: {  	_ =	sfence.sel $0x180000  }
0x58: {  	[bflag:$0x0] =	sbarrier.arrive $0xFFFF  }
0x59: {  	p0 =	sne.s32 s2, $0x0;
	_ =	strace $0x90000047  }
0x5a: {  	s0 =	sadd.s32 @!p0 $0x100000, s0;
	[bflag:$0x2] =	sbarrier.arrive $0xFFFF  }
0x5b: {  	[sflag:s0] =	ssyncadd.tile.s32 @!p0 $0x1;
	_ =	shalt  }
.Lfunc_end2:
_tile_overlayer_lowered:
.L_overlay_start_2:
0x5c: {  	(tag) =	ssettag $0x2  }
0x5d: {  	s0 =	rddreg [dreg:$0x0];
	s2 =	stileid.u32  }
0x5e: {  	s1 =	rddreg [dreg:$0x1];
	p0 =	sne.s32 s2, $0x0  }
0x5f: {  	s3 =	rddreg [dreg:$0x2];
	[bflag:$0x3] =	sbarrier.arrive $0xFFFF;
	s2 =	simm.s32 @!p0 $0x1C01  }
0x60: {  	[timem:s3], [sflag:s2] =	dma.local @!p0 [hbm:s0], s1  }
0x61: {  	s0 =	simm.s32 @!p0 $0x1  }
0x62: {  	_ =	swait.ge @!p0 [sflag:s0], s1  }
0x63: {  	s1 =	ssub.s32 @!p0 $0x0, s1;
	[sflag:s0] =	ssyncset.done @!p0 $0x0  }
0x64: {  	[sflag:s0] =	ssyncadd.s32 @!p0 s1  }
0x65: {  	[bflag:$0x3] =	sbarrier.arrive $0xFFFF  }
0x66: {  	_ =	shalt  }

// kernel: kernel.8.cloned.1.call-start
scs
__scs_entry_jumppad:
0x0: {  	(pc) =	sbr.rel $0x88, $3  }
0x1: {  	(tag) =	ssettag $0x0;
	lr =	simm.s32 $0x1  }
0x2: {  	[smem:$0x3F99] =	sst lr;
	_ =	strace $0xD0000000  }
0x3: {  	_ = 	snop  }
0x4: {  	_ = 	snop  }
0x5: {  	_ = 	snop  }
0x6: {  	_ = 	snop  }
0x7: {  	_ = 	snop  }
__scs_overlays_trampoline_lowered:
0x8: {  	[smem:$0x3FA8] =	sst s0  }
0x9: {  	[smem:$0x3FA9] =	sst s1  }
0xa: {  	[smem:$0x3FAA] =	sst s2  }
0xb: {  	[smem:$0x3FAB] =	sst s3  }
0xc: {  	[smem:$0x3FAC] =	sst s4  }
0xd: {  	[smem:$0x3FAD] =	sst s5  }
0xe: {  	[smem:$0x3FAE] =	sst s6  }
0xf: {  	[smem:$0x3FAF] =	sst s7  }
0x10: {  	[smem:$0x3FB0] =	sst s8  }
0x11: {  	[smem:$0x3FB1] =	sst s9;
	s0 =	simm.s32 @!p0 $0x0  }
0x12: {  	s1 =	sld [smem:$0x3F97];
	s0 =	simm.s32 @p0 $0x1  }
0x13: {  	[smem:$0x3FB2] =	sst s0;
	s0 =	simm.s32 @!p1 $0x0  }
0x14: {  	s2 =	sld [smem:$0x3F96];
	s0 =	simm.s32 @p1 $0x1  }
0x15: {  	[smem:$0x3FB3] =	sst s0;
	s0 =	simm.s32 @!p2 $0x0  }
0x16: {  	s3 =	sld [smem:$0x3FDB];
	s0 =	simm.s32 @p2 $0x1  }
0x17: {  	s4 =	simm.s32 $0x1BF5;
	[smem:$0x3FB5] =	sst s0  }
0x18: {  	s0 =	sld [smem:$0x3F98];
	_ =	swait.ge [sflag:s4], $0x0  }
0x19: {  	s7 =	sld [smem:$0x3F99]  }
0x1a: {  	s8 =	sadd.s32 $0xFFFFE003, lr  }
0x1b: {  	s9 =	sadd.s32 $0xFFFFFEF7, lr;
	s5 =	simm.s32 $0xFFFFFFFF;
	p2 =	slt.u32 s8, $0xFFFFF086  }
0x1c: {  	p1 =	slt.u32 s9, $0xF7A;
	s5 =	simm.s32 @!p2 $0x0  }
0x1d: {  	s5 =	simm.s32 @p1 $0x1;
	p0 =	seq.s32 s7, s2  }
0x1e: {  	s7 =	smul.u32 @!p0 $0xF7A, s2;
	p2 =	seq.s32 @!p0 s5, $0x0  }
0x1f: {  	s9 =	smul.u32 $0xF7A, s1;
	s8 =	simm.s32 @!p0 $0x1BF5;
	p2 =	por !p2, p0  }
0x20: {  	[sflag:s8] =	ssyncset.s32 @!p0 $0xFFFFF086;
	s6 =	sadd.s32 @!p0 s3, s7;
	s7 =	simm.s32 @!p0 $0x108  }
0x21: {  	s3 =	sadd.s32 s3, s9;
	s6 =	sadd.s32 @!p0 $0x88, s6;
	s7 =	simm.s32 @p2 $0x1082  }
0x22: {  	[simem:s7], [sflag:s8] =	dma.local @!p0 [hbm:s6], $0xF7A  }
0x23: {  	s9 =	sor.u32 $0xD0000000, s2;
	s6 =	simm.s32 $0x108;
	_ =	swait.ge @!p0 [sflag:s8], $0x0  }
0x24: {  	s3 =	sadd.s32 $0x88, s3;
	s6 =	simm.s32 @!p1 $0x1082;
	[sflag:s4] =	ssyncset.s32 $0xFFFFF086  }
0x25: {  	[simem:s6], [sflag:s4] =	dma.local [hbm:s3], $0xF7A  }
0x26: {  	[smem:$0x3F99] =	sst s1;
	(tag) =	ssettag s2;
	_ =	strace s9  }
0x27: {  	s1 =	sld [smem:$0x3FA9]  }
0x28: {  	s2 =	sld [smem:$0x3FAA]  }
0x29: {  	s4 =	sld [smem:$0x3FAC]  }
0x2a: {  	p0 =	seq.s32 s5, $0x0;
	s5 =	sld [smem:$0x3FAD]  }
0x2b: {  	s6 =	sld [smem:$0x3FAE]  }
0x2c: {  	s7 =	sld [smem:$0x3FAF]  }
0x2d: {  	s3 =	simm.s32 $0x108;
	s8 =	sld [smem:$0x3FB0]  }
0x2e: {  	s3 =	simm.s32 @!p0 $0x1082;
	s9 =	sld [smem:$0x3FB1]  }
0x2f: {  	lr =	sadd.s32 s0, s3;
	s0 =	sld [smem:$0x3FA8]  }
0x30: {  	s3 =	sld [smem:$0x3FAB]  }
0x31: {  	[smem:$0x3FB4] =	sst s10  }
0x32: {  	s10 =	sld [smem:$0x3FB2];
	_ =	sdelay $0x3  }
0x33: {  	p0 =	seq.s32 s10, $0x1;
	s10 =	sld [smem:$0x3FB4];
	_ =	sdelay $0x3  }
0x34: {  	[smem:$0x3FB4] =	sst s10  }
0x35: {  	s10 =	sld [smem:$0x3FB3];
	_ =	sdelay $0x3  }
0x36: {  	p1 =	seq.s32 s10, $0x1;
	s10 =	sld [smem:$0x3FB4];
	_ =	sdelay $0x3  }
0x37: {  	[smem:$0x3FB4] =	sst s10  }
0x38: {  	s10 =	sld [smem:$0x3FB5]  }
0x39: {  	_ = 	snop;
	(pc) =	sbr.ind lr, $3  }
0x3a: {  	_ = 	snop  }
0x3b: {  	_ = 	snop  }
0x3c: {  	p2 =	seq.s32 s10, $0x1;
	s10 =	sld [smem:$0x3FB4]  }
0x3d: {  	_ =	shalt  }
0x3e: {  	_ =	shalt  }
0x3f: {  	_ =	shalt  }
0x40: {  	_ =	shalt  }
0x41: {  	_ =	shalt  }
0x42: {  	_ =	shalt  }
0x43: {  	_ =	shalt  }
0x44: {  	_ =	shalt  }
0x45: {  	_ =	shalt  }
0x46: {  	_ =	shalt  }
0x47: {  	_ =	shalt  }
0x48: {  	_ =	shalt  }
0x49: {  	_ =	shalt  }
0x4a: {  	_ =	shalt  }
0x4b: {  	_ =	shalt  }
0x4c: {  	_ =	shalt  }
0x4d: {  	_ =	shalt  }
0x4e: {  	_ =	shalt  }
0x4f: {  	_ =	shalt  }
0x50: {  	_ =	shalt  }
0x51: {  	_ =	shalt  }
0x52: {  	_ =	shalt  }
0x53: {  	_ =	shalt  }
0x54: {  	_ =	shalt  }
0x55: {  	_ =	shalt  }
0x56: {  	_ =	shalt  }
0x57: {  	_ =	shalt  }
0x58: {  	_ =	shalt  }
0x59: {  	_ =	shalt  }
0x5a: {  	_ =	shalt  }
0x5b: {  	_ =	shalt  }
0x5c: {  	_ =	shalt  }
0x5d: {  	_ =	shalt  }
0x5e: {  	_ =	shalt  }
0x5f: {  	_ =	shalt  }
0x60: {  	_ =	shalt  }
0x61: {  	_ =	shalt  }
0x62: {  	_ =	shalt  }
0x63: {  	_ =	shalt  }
0x64: {  	_ =	shalt  }
0x65: {  	_ =	shalt  }
0x66: {  	_ =	shalt  }
0x67: {  	_ =	shalt  }
0x68: {  	_ =	shalt  }
0x69: {  	_ =	shalt  }
0x6a: {  	_ =	shalt  }
0x6b: {  	_ =	shalt  }
0x6c: {  	_ =	shalt  }
0x6d: {  	_ =	shalt  }
0x6e: {  	_ =	shalt  }
0x6f: {  	_ =	shalt  }
0x70: {  	_ =	shalt  }
0x71: {  	_ =	shalt  }
0x72: {  	_ =	shalt  }
0x73: {  	_ =	shalt  }
0x74: {  	_ =	shalt  }
0x75: {  	_ =	shalt  }
0x76: {  	_ =	shalt  }
0x77: {  	_ =	shalt  }
0x78: {  	_ =	shalt  }
0x79: {  	_ =	shalt  }
0x7a: {  	_ =	shalt  }
0x7b: {  	_ =	shalt  }
0x7c: {  	_ =	shalt  }
0x7d: {  	_ =	shalt  }
0x7e: {  	_ =	shalt  }
0x7f: {  	_ =	shalt  }
0x80: {  	_ =	shalt  }
0x81: {  	_ =	shalt  }
0x82: {  	_ =	shalt  }
0x83: {  	_ =	shalt  }
0x84: {  	_ =	shalt  }
0x85: {  	_ =	shalt  }
0x86: {  	_ =	shalt  }
0x87: {  	_ =	shalt  }
.Lfunc_end0:
.L_simem_size_0:
called_computation.1_lowered:
.L_overlay_start_0:
0x88: {  	s2 =	sld [smem:$0x3FD9]  }
0x89: {  	s3 =	sld [smem:$0x3FFE];
	_ =	sdelay $0x1  }
0x8a: {  	s1 =	srdreg.scid  }
0x8b: {  	s0 =	sand.u32 $0x1, s1  }
0x8c: {  	s14 =	sshll.u32 s0, $0xA;
	s2 =	sadd.s32 s3, s2  }
0x8d: {  	s2 =	sadd.s32 s2, s14  }
0x8e: {  	[smem:$0x3FC0] =	sst s2  }
0x8f: {  	_ = 	snop  }
0x90: {  	s2 =	sld [smem:$0x3FD0];
	_ =	sdelay $0x2  }
0x91: {  	s15 =	simm.s32 $0xA;
	s4 =	simm.s32 $0x10  }
0x92: {  	[smem:s4], [sflag:s15] =	dma.local [hbm:s2], $0x1  }
0x93: {  	_ =	swait.eq [sflag:s15], $0x1  }
0x94: {  	[sflag:s15] =	ssyncset.done $0x0  }
0x95: {  	[sflag:s15] =	ssyncadd.s32 $0xFFFFFFFF  }
0x96: {  	s16 =	sld [smem:$0x11];
	(tm) =	ssettm $0x1  }
0x97: {  	s17 =	sld [smem:$0x3FFB];
	_ =	sdelay $0x3  }
0x98: {  	_ =	strace s17  }
0x99: {  	s3 =	sld [smem:$0x3FFC];
	_ =	sdelay $0x3  }
0x9a: {  	_ =	strace s3  }
0x9b: {  	s3 =	sld [smem:$0x3FFD];
	_ =	sdelay $0x3  }
0x9c: {  	_ =	strace s3  }
0x9d: {  	_ =	strace $0x8FFFFFFF  }
0x9e: {  	s18 =	sld [smem:$0x3FDB];
	_ =	sdelay $0x1  }
0x9f: {  	s19 =	simm.s32 $_scs_section_size  }
0xa0: {  	s5 =	simm.s32 $_size__tile_overlayer_lowered;
	s6 =	simm.s32 $_tile_overlayer_lowered  }
0xa1: {  	s22 =	simm.s32 $0x1BFF;
	s21 =	sshll.u32 s6, $0x1;
	s3 =	sadd.s32 s19, s18  }
0xa2: {  	s7 =	simm.s32 $0x0;
	s20 =	sshll.u32 s5, $0x1;
	s5 =	sadd.s32 s21, s3  }
0xa3: {  	[timem:s7], [sflag:s22] =	dma.local [hbm:s5], s20  }
0xa4: {  	_ =	swait.ge [sflag:s22], s20  }
0xa5: {  	s4 =	ssub.s32 $0x0, s20;
	[sflag:s22] =	ssyncset.done $0x0  }
0xa6: {  	[sflag:s22] =	ssyncadd.s32 s4;
	_ =	sdelay $0x1  }
0xa7: {  	s23 =	simm.s32 $0x1B8B  }
0xa8: {  	_ =	swait.ge [sflag:s23], $0x1  }
0xa9: {  	[sflag:s23] =	ssyncset.done $0x0  }
0xaa: {  	s25 =	simm.s32 $0x1B8E;
	s24 =	sld [smem:$0x3FFE];
	[sflag:s23] =	ssyncadd.s32 $0xFFFFFFFF  }
0xab: {  	s26 =	simm.s32 $execute0_lowered;
	[smem:$0x3FD2] =	sst s25  }
0xac: {  	s5 =	sshll.u32 s26, $0x1;
	_ =	strace $0x80000049;
	[dreg:$0x1] =	wrdreg $0xFFFFFFFF  }
0xad: {  	s28 =	simm.s32 $_size_execute0_lowered;
	s3 =	sadd.s32 s3, s5;
	[dreg:$0x0] =	wrdreg $0x0  }
0xae: {  	s5 =	sshll.u32 s28, $0x1;
	[dreg:$0x2] =	wrdreg s3  }
0xaf: {  	[dreg:$0x3] =	wrdreg s5  }
0xb0: {  	[dreg:$0x4] =	wrdreg $0xC0  }
0xb1: {  	_ =	task [dreg:s7], $0x5FFFF  }
0xb2: {  	[dreg:$0x1] =	wrdreg $0xFFFFFFFF  }
0xb3: {  	[dreg:$0x0] =	wrdreg $0x60  }
0xb4: {  	[dreg:$0x2] =	wrdreg s16  }
0xb5: {  	[dreg:$0x3] =	wrdreg s24  }
0xb6: {  	[dreg:$0x4] =	wrdreg $0x9  }
0xb7: {  	_ =	task.clear_ibuf [dreg:s7], $0x5FFFF;
	_ =	strace $0x90000049  }
0xb8: {  	s29 =	simm.s32 $0x9;
	_ =	strace $0x8000004B  }
0xb9: {  	_ =	swait.ge [sflag:s29], $0x1  }
0xba: {  	[sflag:s29] =	ssyncadd.s32 $0xFFFFFFFF  }
0xbb: {  	_ =	strace $0x9000004B  }
0xbc: {  	_ =	sfence  }
0xbd: {  	s30 =	sld [smem:$0x0];
	_ =	sdelay $0x2  }
0xbe: {  	s31 =	sshll.u32 s1, $0xD;
	s1 =	sshrl.u32 s1, $0x2  }
0xbf: {  	s3 =	sand.u32 $0x4000, s31;
	s1 =	sadd.s32 s1, s30  }
0xc0: {  	s0 =	sor.u32 s3, s0;
	s1 =	sshll.u32 s1, $0x11  }
0xc1: {  	s0 =	sor.u32 s1, s0  }
0xc2: {  	s0 =	sadd.s32 $0x8F2B, s0  }
0xc3: {  	[sflag:s0] =	ssyncadd.remote.s32 $0x1  }
0xc4: {  	_ =	sfence.sel $0xFFFF  }
0xc5: {  	[dreg:$0x0] =	wrdreg $0xFFFFFFFF;
	(pc) =	sbr.abs _section_cstart, $3  }
0xc6: {  	[dreg:$0x1] =	wrdreg $0xFFFFFFFF  }
0xc7: {  	_ =	task.clear_ibuf [dreg:s7], $0x2FFFF;
	_ =	strace $0x9FFFFFFF  }
0xc8: {  	(tm) =	ssettm $0x7FFFFFFF  }
0xc9: {  	_ =	shalt  }
tec
execute0_lowered:
.L_overlay_start_1:
0x0: {  	(tag) =	ssettag $0x1  }
0x1: {  	s1 =	rddreg [dreg:$0x0]  }
0x2: {  	s2 =	rddreg [dreg:$0x1]  }
0x3: {  	s0 =	rddreg [dreg:$0x2]  }
0x4: {  	s3 =	simm.s32 $0x0;
	s4 =	srdreg.scid;
	s13 =	simm.s32 $0x400  }
0x5: {  	s14 =	simm.s32 $0x1000;
	s15 =	simm.s32 $0x600;
	s16 =	simm.s32 $0x1600  }
0x6: {  	s17 =	simm.s32 $0x1;
	s18 =	simm.s32 $0x9600;
	s19 =	simm.s32 $0xD600  }
0x7: {  	s20 =	simm.s32 $0x0;
	[smem:$0x7FF] =	sst s3;
	s5 =	sadd.s32 $0x5DC000, s2  }
0x8: {  	s9 =	sand.u32 $0x1, s4;
	s6 =	sadd.s32 $0x5FB000, s2;
	s4 =	stileid.u32  }
0x9: {  	s7 =	sadd.s32 $0x61A000, s2;
	s8 =	sadd.s32 $0x9FA000, s2;
	s10 =	ssub.s32 $0x2, s9  }
0xa: {  	_ =	strace $0x8000004A;
	s12 =	sshll.u32 s4, $0x1;
	s11 =	sshrl.u32 s10, $0x1  }
0xb: {  	v0 =	vimm.f32 $0.0e+00;
	v3 =	vlaneseq.u32;
	s9 =	sor.u32 s9, s12;
	s12 =	simm.s32 $0x200;
	s10 =	ssub.s32 s10, s11  }
0xc: {  	v1 =	vimm.s32 $0xFFA24000;
	v2 =	vimm.s32 $0x0;
	v3 =	vmul.u32 $0x8, v3;
	s9 =	smul.u32 $0x3E, s9;
	s11 =	simm.s32 $0x2;
	s10 =	smax.u32 s10, $0x1  }
.LBB2_1:
0xd: {  	s21 =	simm.s32 $0x0  }
.LBB2_2:
0xe: {  	s23 =	sadd.s32 s9, s21  }
0xf: {  	s22 =	sshll.u32 s23, $0x6  }
0x10: {  	s25 =	simm.s32 $0x0;
	s24 =	sadd.s32 s1, s22  }
0x11: {  	[tilespmem:s25], [sflag:$0x2] =	stream.linear.gather [hbm4b:s24+s25], $0x200, $0x38;
	[tilespmem:$0xD800] =	vst v63  }
0x12: {  	_ =	swait.ge [sflag:s11], $0x200  }
0x13: {  	[sflag:s11] =	ssyncset.done $0x0  }
0x14: {  	s30 =	sadd.s32 s5, s22;
	[sflag:s11] =	ssyncadd.s32 $0xFFFFFE00  }
0x15: {  	[tilespmem:s12], [sflag:$0x2] =	stream.linear.gather [hbm4b:s30+s25], $0x200, $0x38;
	[tilespmem:$0xD800] =	vst v63  }
0x16: {  	_ =	swait.ge [sflag:s11], $0x200  }
0x17: {  	[sflag:s11] =	ssyncset.done $0x0  }
0x18: {  	s31 =	sadd.s32 s6, s22;
	[sflag:s11] =	ssyncadd.s32 $0xFFFFFE00  }
0x19: {  	[tilespmem:s13], [sflag:$0x2] =	stream.linear.gather [hbm4b:s31+s25], $0x200, $0x38;
	[tilespmem:$0xD800] =	vst v63  }
0x1a: {  	_ =	swait.ge [sflag:s11], $0x200  }
0x1b: {  	[sflag:s11] =	ssyncset.done $0x0  }
0x1c: {  	s24 =	simm.s32 $0x0;
	[sflag:s11] =	ssyncadd.s32 $0xFFFFFE00  }
0x1d: {  	v4 =	vld [tilespmem:s24+$0x200]  }
0x1e: {  	v5 =	vld [tilespmem:s24+$0x400]  }
0x1f: {  	v6 =	vld [tilespmem:s24+$0x0];
	_ =	sdelay $0x3  }
0x20: {  	v7 =	vadd.f32 $1.000000000e+00, v4  }
0x21: {  	v8 =	vadd.f32 $1.000000000e+00, v5;
	v9 =	vadd.f32 $1.000000000e+00, v6  }
0x22: {  	v7 =	vmul.f32 $5.000000000e-01, v7  }
0x23: {  	v4 =	vand.u32 $0x7FFFFFFF, v4;
	v8 =	vmul.f32 $5.000000000e-01, v8;
	v9 =	vmul.f32 $5.000000000e-01, v9  }
0x24: {  	vm0 =	vle.f32 v4, $1.000000000e+00;
	v4 =	vand.u32 $0x7FFFFFFF, v5;
	v7 =	vmul.f32 $1.023000000e+03, v7  }
0x25: {  	v5 =	vand.u32 $0x7FFFFFFF, v6;
	v6 =	vmul.f32 $1.023000000e+03, v8;
	v8 =	vmul.f32 $1.023000000e+03, v9  }
0x26: {  	vm1 =	vle.f32 v5, $1.000000000e+00;
	vm2 =	vle.f32 v4, $1.000000000e+00;
	v7 =	vmax.f32 v7, $0.0e+00  }
0x27: {  	v5 =	vmax.f32 v6, $0.0e+00;
	v6 =	vmax.f32 v8, $0.0e+00;
	v4 =	vmin.f32 v7, $1.023000000e+03  }
0x28: {  	v5 =	vmin.f32 v5, $1.023000000e+03;
	v6 =	vmin.f32 v6, $1.023000000e+03;
	v4 =	vtrunc.f32 v4  }
0x29: {  	v5 =	vtrunc.f32 v5;
	v6 =	vtrunc.f32 v6  }
0x2a: {  	vm0 =	vmand vm1, vm0;
	v4 =	vcvt.f32.s32 v4;
	v5 =	vcvt.f32.s32 v5  }
0x2b: {  	vm0 =	vmand vm0, vm2;
	v6 =	vcvt.f32.s32 v6  }
0x2c: {  	v7 =	vadd.s32 $0x1, v4;
	v4 =	vmul.u32 $0x9E3779B1, v4;
	v8 =	vadd.s32 $0x1, v5  }
0x2d: {  	v9 =	vadd.s32 $0x1, v6;
	vm9 =	vlt.s32 v7, $0x3FF;
	vm10 =	vlt.s32 v8, $0x3FF  }
0x2e: {  	vm11 =	vlt.s32 v9, $0x3FF;
	v7 =	vnsel vm9, $0x3FF, v7;
	v8 =	vnsel vm10, $0x3FF, v8  }
0x2f: {  	v9 =	vnsel vm11, $0x3FF, v9;
	v7 =	vmul.u32 $0x9E3779B1, v7;
	v8 =	vmul.u32 $0x30025795, v8  }
0x30: {  	v5 =	vmul.u32 $0x30025795, v5;
	v10 =	vxor.u32 v6, v4;
	v4 =	vxor.u32 v4, v9  }
0x31: {  	v6 =	vxor.u32 v6, v7;
	v7 =	vxor.u32 v9, v7;
	v13 =	vxor.u32 v10, v8  }
0x32: {  	v10 =	vxor.u32 v5, v10;
	v9 =	vxor.u32 v5, v6;
	v6 =	vxor.u32 v8, v6  }
0x33: {  	v11 =	vxor.u32 v8, v7;
	v7 =	vxor.u32 v5, v7;
	v8 =	vxor.u32 v4, v8  }
0x34: {  	v4 =	vxor.u32 v5, v4;
	v16 =	vcvt.s32.f32 v13;
	v19 =	vcvt.s32.f32 v10  }
0x35: {  	vm7 =	vlt.s32 v10, $0x0;
	v12 =	vcvt.s32.f32 v11;
	vm12 =	vlt.s32 v11, $0x0  }
0x36: {  	vm13 =	vlt.s32 v9, $0x0;
	v15 =	vcvt.s32.f32 v7;
	vm14 =	vlt.s32 v6, $0x0  }
0x37: {  	vm4 =	vlt.s32 v7, $0x0;
	v17 =	vcvt.s32.f32 v8;
	vm5 =	vlt.s32 v8, $0x0  }
0x38: {  	v18 =	vcvt.s32.f32 v4;
	vm6 =	vlt.s32 v4, $0x0;
	v53 =	vsel vm7, $0x4F800000, v0  }
0x39: {  	v14 =	vsel vm12, $0x4F800000, v0;
	v20 =	vsel vm13, $0x4F800000, v0;
	v21 =	vsel vm14, $0x4F800000, v0  }
0x3a: {  	v22 =	vsel vm4, $0x4F800000, v0;
	v24 =	vsel vm6, $0x4F800000, v0;
	v5 =	vadd.f32 v12, v14  }
0x3b: {  	v25 =	vsel vm5, $0x4F800000, v0;
	v56 =	vadd.f32 v19, v53;
	v12 =	vcvt.s32.f32 v9  }
0x3c: {  	v14 =	vcvt.s32.f32 v6;
	v15 =	vadd.f32 v15, v22;
	v5 =	vmul.f32 $1.627604150e-07, v5  }
0x3d: {  	v54 =	vadd.f32 v17, v25;
	v55 =	vadd.f32 v18, v24;
	v18 =	vmul.f32 $1.627604150e-07, v56  }
0x3e: {  	v12 =	vadd.f32 v12, v20;
	v15 =	vmul.f32 $1.627604150e-07, v15;
	v5 =	vtrunc.f32 v5  }
0x3f: {  	v14 =	vadd.f32 v14, v21;
	v17 =	vmul.f32 $1.627604150e-07, v55;
	v5 =	vcvt.f32.s32 v5  }
0x40: {  	vm3 =	vlt.s32 v13, $0x0;
	v18 =	vtrunc.f32 v18;
	v12 =	vmul.f32 $1.627604150e-07, v12  }
0x41: {  	v14 =	vmul.f32 $1.627604150e-07, v14;
	v15 =	vtrunc.f32 v15;
	v5 =	vmul.u32 $0xFFA24000, v5  }
0x42: {  	v23 =	vsel vm3, $0x4F800000, v0;
	v17 =	vtrunc.f32 v17;
	v18 =	vcvt.f32.s32 v18  }
0x43: {  	v15 =	vcvt.f32.s32 v15;
	v17 =	vcvt.f32.s32 v17;
	v5 =	vadd.s32 v11, v5  }
0x44: {  	v12 =	vtrunc.f32 v12;
	v11 =	vadd.f32 v16, v23;
	v57 =	vshra.s32 v5, $0x1F  }
0x45: {  	v14 =	vtrunc.f32 v14;
	v16 =	vmul.f32 $1.627604150e-07, v54;
	v19 =	vand.u32 $0x5DC000, v57  }
0x46: {  	v18 =	vmul.u32 $0xFFA24000, v18;
	v11 =	vmul.f32 $1.627604150e-07, v11;
	v5 =	vadd.s32 v5, v19  }
0x47: {  	v15 =	vmul.u32 $0xFFA24000, v15;
	v16 =	vtrunc.f32 v16;
	vm15 =	vlt.s32 v5, $0x5DC000  }
0x48: {  	v16 =	vcvt.f32.s32 v16;
	v11 =	vtrunc.f32 v11;
	v58 =	vsel vm15, $0x0, v1  }
0x49: {  	v11 =	vcvt.f32.s32 v11;
	v19 =	vadd.s32 v5, v58;
	v5 =	vcvt.f32.s32 v12  }
0x4a: {  	v17 =	vmul.u32 $0xFFA24000, v17;
	v16 =	vmul.u32 $0xFFA24000, v16;
	v12 =	vcvt.f32.s32 v14  }
0x4b: {  	v15 =	vadd.s32 v7, v15;
	v11 =	vmul.u32 $0xFFA24000, v11;
	v5 =	vmul.u32 $0xFFA24000, v5  }
0x4c: {  	v14 =	vsel vm0, $0x1, v2;
	v16 =	vadd.s32 v8, v16;
	v12 =	vmul.u32 $0xFFA24000, v12  }
0x4d: {  	v60 =	vshra.s32 v16, $0x1F;
	v13 =	vadd.s32 v13, v11;
	v9 =	vadd.s32 v9, v5  }
0x4e: {  	v59 =	vadd.s32 v6, v12;
	v5 =	vadd.s32 v10, v18;
	v6 =	vadd.s32 v4, v17  }
0x4f: {  	v4 =	vshra.s32 v13, $0x1F;
	v10 =	vshra.s32 v15, $0x1F;
	v17 =	vand.u32 $0x5DC000, v60  }
0x50: {  	v7 =	vshra.s32 v9, $0x1F;
	v8 =	vshra.s32 v59, $0x1F;
	v11 =	vshra.s32 v5, $0x1F  }
0x51: {  	v12 =	vshra.s32 v6, $0x1F;
	v63 =	vand.u32 $0x5DC000, v10;
	v4 =	vand.u32 $0x5DC000, v4  }
0x52: {  	v61 =	vand.u32 $0x5DC000, v7;
	v62 =	vand.u32 $0x5DC000, v8;
	v7 =	vand.u32 $0x5DC000, v12  }
0x53: {  	[tilespmem:s24+$0x1400] =	vst v19;
	v8 =	vand.u32 $0x5DC000, v11;
	v10 =	vadd.s32 v13, v4;
	v4 =	vadd.s32 v16, v17  }
0x54: {  	s26 =	simm.s32 $0x80;
	s25 =	simm.s32 $0x10;
	[tilespmem:s24+$0xD600] =	vst v14;
	v13 =	vadd.s32 v15, v63;
	v12 =	vadd.s32 v9, v61;
	v11 =	vadd.s32 v59, v62  }
.LBB2_3:
0x55: {  	p0 =	sne.s32 s26, $0x7C0;
	v14 =	vld [tilespmem:s25+$0x200];
	v5 =	vadd.s32 v5, v8;
	vm0 =	vlt.s32 v12, $0x5DC000;
	v6 =	vadd.s32 v6, v7  }
0x56: {  	vm1 =	vlt.s32 v10, $0x5DC000;
	vm2 =	vlt.s32 v11, $0x5DC000;
	vm3 =	vlt.s32 v13, $0x5DC000;
	v15 =	vld [tilespmem:s25+$0x400]  }
0x57: {  	vm6 =	vlt.s32 v4, $0x5DC000;
	vm4 =	vlt.s32 v5, $0x5DC000;
	vm5 =	vlt.s32 v6, $0x5DC000;
	v16 =	vld [tilespmem:s25+$0x0]  }
0x58: {  	v17 =	vsel vm0, $0x0, v1;
	v18 =	vsel vm2, $0x0, v1;
	v19 =	vsel vm3, $0x0, v1  }
0x59: {  	v20 =	vsel vm1, $0x0, v1;
	v9 =	vsel vm6, $0x0, v1;
	v8 =	vsel vm5, $0x0, v1  }
0x5a: {  	v7 =	vsel vm4, $0x0, v1;
	v21 =	vadd.f32 $1.000000000e+00, v14;
	v14 =	vand.u32 $0x7FFFFFFF, v14  }
0x5b: {  	v22 =	vadd.f32 $1.000000000e+00, v15;
	vm0 =	vle.f32 v14, $1.000000000e+00;
	v14 =	vand.u32 $0x7FFFFFFF, v15  }
0x5c: {  	v15 =	vadd.f32 $1.000000000e+00, v16;
	v21 =	vmul.f32 $5.000000000e-01, v21;
	v16 =	vand.u32 $0x7FFFFFFF, v16  }
0x5d: {  	vm2 =	vle.f32 v14, $1.000000000e+00;
	v22 =	vmul.f32 $5.000000000e-01, v22;
	vm1 =	vle.f32 v16, $1.000000000e+00  }
0x5e: {  	v14 =	vmul.f32 $5.000000000e-01, v15;
	v15 =	vmul.f32 $1.023000000e+03, v21;
	vm0 =	vmand vm1, vm0  }
0x5f: {  	v12 =	vadd.s32 v12, v17;
	v16 =	vmul.f32 $1.023000000e+03, v22;
	vm0 =	vmand vm0, vm2  }
0x60: {  	v11 =	vadd.s32 v11, v18;
	v14 =	vmul.f32 $1.023000000e+03, v14;
	v15 =	vmax.f32 v15, $0.0e+00;
	[tilespmem:s24+$0xA00] =	vst v12  }
0x61: {  	v12 =	vmin.f32 v15, $1.023000000e+03;
	v15 =	vmax.f32 v16, $0.0e+00;
	[tilespmem:s24+$0xC00] =	vst v11;
	v11 =	vadd.s32 v13, v19  }
0x62: {  	v13 =	vmax.f32 v14, $0.0e+00;
	v12 =	vtrunc.f32 v12;
	v14 =	vmin.f32 v15, $1.023000000e+03;
	[tilespmem:s24+$0x1200] =	vst v11  }
0x63: {  	v11 =	vmin.f32 v13, $1.023000000e+03;
	v12 =	vcvt.f32.s32 v12;
	v13 =	vtrunc.f32 v14  }
0x64: {  	v10 =	vadd.s32 v10, v20;
	v11 =	vtrunc.f32 v11;
	v13 =	vcvt.f32.s32 v13  }
0x65: {  	v11 =	vcvt.f32.s32 v11;
	v14 =	vadd.s32 $0x1, v12;
	v12 =	vmul.u32 $0x9E3779B1, v12;
	[tilespmem:s24+$0x800] =	vst v10  }
0x66: {  	vm1 =	vlt.s32 v14, $0x3FF;
	v10 =	vadd.s32 $0x1, v13;
	v13 =	vmul.u32 $0x30025795, v13  }
0x67: {  	v15 =	vadd.s32 $0x1, v11;
	v14 =	vnsel vm1, $0x3FF, v14;
	vm1 =	vlt.s32 v10, $0x3FF  }
0x68: {  	vm2 =	vlt.s32 v15, $0x3FF;
	v10 =	vnsel vm1, $0x3FF, v10;
	v14 =	vmul.u32 $0x9E3779B1, v14  }
0x69: {  	v16 =	vxor.u32 v11, v12;
	v15 =	vnsel vm2, $0x3FF, v15;
	v10 =	vmul.u32 $0x30025795, v10  }
0x6a: {  	v11 =	vxor.u32 v11, v14;
	v12 =	vxor.u32 v12, v15;
	v14 =	vxor.u32 v15, v14  }
0x6b: {  	v15 =	vxor.u32 v13, v11;
	v11 =	vxor.u32 v10, v11;
	v17 =	vxor.u32 v10, v14  }
0x6c: {  	v14 =	vxor.u32 v13, v14;
	v18 =	vcvt.s32.f32 v17;
	vm1 =	vlt.s32 v17, $0x0  }
0x6d: {  	v19 =	vxor.u32 v16, v10;
	v10 =	vxor.u32 v12, v10;
	v20 =	vsel vm1, $0x4F800000, v0  }
0x6e: {  	v16 =	vxor.u32 v13, v16;
	v12 =	vxor.u32 v13, v12;
	v13 =	vadd.f32 v18, v20  }
0x6f: {  	vm1 =	vlt.s32 v15, $0x0;
	v18 =	vcvt.s32.f32 v15;
	v20 =	vcvt.s32.f32 v11  }
0x70: {  	vm2 =	vlt.s32 v11, $0x0;
	v21 =	vcvt.s32.f32 v14;
	v13 =	vmul.f32 $1.627604150e-07, v13  }
0x71: {  	v22 =	vcvt.s32.f32 v19;
	vm3 =	vlt.s32 v19, $0x0;
	vm4 =	vlt.s32 v14, $0x0  }
0x72: {  	v23 =	vcvt.s32.f32 v10;
	vm5 =	vlt.s32 v10, $0x0;
	v13 =	vtrunc.f32 v13  }
0x73: {  	v24 =	vcvt.s32.f32 v12;
	vm6 =	vlt.s32 v12, $0x0;
	v13 =	vcvt.f32.s32 v13  }
0x74: {  	v25 =	vcvt.s32.f32 v16;
	vm7 =	vlt.s32 v16, $0x0;
	v26 =	vsel vm1, $0x4F800000, v0  }
0x75: {  	v27 =	vsel vm2, $0x4F800000, v0;
	v28 =	vsel vm4, $0x4F800000, v0;
	v13 =	vmul.u32 $0xFFA24000, v13  }
0x76: {  	v29 =	vsel vm3, $0x4F800000, v0;
	v30 =	vsel vm6, $0x4F800000, v0;
	v31 =	vsel vm5, $0x4F800000, v0  }
0x77: {  	v32 =	vsel vm7, $0x4F800000, v0;
	v18 =	vadd.f32 v18, v26;
	v13 =	vadd.s32 v17, v13  }
0x78: {  	v17 =	vadd.f32 v20, v27;
	v20 =	vadd.f32 v21, v28;
	v21 =	vshra.s32 v13, $0x1F  }
0x79: {  	v22 =	vadd.f32 v22, v29;
	v23 =	vadd.f32 v23, v31;
	v21 =	vand.u32 $0x5DC000, v21  }
0x7a: {  	v25 =	vadd.f32 v25, v32;
	v24 =	vadd.f32 v24, v30;
	v13 =	vadd.s32 v13, v21  }
0x7b: {  	v18 =	vmul.f32 $1.627604150e-07, v18;
	v17 =	vmul.f32 $1.627604150e-07, v17;
	vm1 =	vlt.s32 v13, $0x5DC000  }
0x7c: {  	v20 =	vmul.f32 $1.627604150e-07, v20;
	v21 =	vmul.f32 $1.627604150e-07, v22;
	v22 =	vsel vm1, $0x0, v1  }
0x7d: {  	v24 =	vmul.f32 $1.627604150e-07, v24;
	v23 =	vmul.f32 $1.627604150e-07, v23;
	v13 =	vadd.s32 v13, v22  }
0x7e: {  	v4 =	vadd.s32 v4, v9;
	v18 =	vtrunc.f32 v18;
	v22 =	vmul.f32 $1.627604150e-07, v25;
	[tilespmem:s25+$0x1400] =	vst v13  }
0x7f: {  	v6 =	vadd.s32 v6, v8;
	v9 =	vtrunc.f32 v17;
	v13 =	vtrunc.f32 v20;
	[tilespmem:s24+$0x1000] =	vst v4  }
0x80: {  	v5 =	vadd.s32 v5, v7;
	v8 =	vtrunc.f32 v23;
	v4 =	vtrunc.f32 v21;
	[tilespmem:s24+$0xE00] =	vst v6  }
0x81: {  	v7 =	vtrunc.f32 v24;
	v17 =	vsel vm0, $0x1, v2;
	v6 =	vtrunc.f32 v22;
	[tilespmem:s24+$0x600] =	vst v5;
	s24 =	smov.u32 s25  }
0x82: {  	v9 =	vcvt.f32.s32 v9;
	v5 =	vcvt.f32.s32 v18;
	[tilespmem:s24+$0xD600] =	vst v17  }
0x83: {  	v13 =	vcvt.f32.s32 v13;
	v4 =	vcvt.f32.s32 v4  }
0x84: {  	v7 =	vcvt.f32.s32 v7;
	v8 =	vcvt.f32.s32 v8;
	v5 =	vmul.u32 $0xFFA24000, v5  }
0x85: {  	v9 =	vmul.u32 $0xFFA24000, v9;
	v6 =	vcvt.f32.s32 v6;
	v13 =	vmul.u32 $0xFFA24000, v13  }
0x86: {  	v7 =	vmul.u32 $0xFFA24000, v7;
	v8 =	vmul.u32 $0xFFA24000, v8;
	v4 =	vmul.u32 $0xFFA24000, v4  }
0x87: {  	v9 =	vadd.s32 v11, v9;
	v6 =	vmul.u32 $0xFFA24000, v6;
	v15 =	vadd.s32 v15, v5  }
0x88: {  	v17 =	vadd.s32 v10, v8;
	v13 =	vadd.s32 v14, v13;
	v4 =	vadd.s32 v19, v4  }
0x89: {  	v5 =	vadd.s32 v16, v6;
	v6 =	vadd.s32 v12, v7;
	v8 =	vshra.s32 v15, $0x1F  }
0x8a: {  	v10 =	vshra.s32 v9, $0x1F;
	v11 =	vshra.s32 v13, $0x1F;
	v7 =	vshra.s32 v4, $0x1F  }
.Ltmp0:
0x8b: {  	v16 =	vshra.s32 v17, $0x1F;
	v12 =	vshra.s32 v5, $0x1F;
	v14 =	vshra.s32 v6, $0x1F;
	(pc) =	sbr.rel @p0 .LBB2_3-.Ltmp0, $4  }
0x8c: {  	v10 =	vand.u32 $0x5DC000, v10;
	v19 =	vand.u32 $0x5DC000, v11;
	v18 =	vand.u32 $0x5DC000, v8  }
0x8d: {  	v20 =	vand.u32 $0x5DC000, v7;
	v7 =	vand.u32 $0x5DC000, v14;
	v14 =	vand.u32 $0x5DC000, v16  }
0x8e: {  	v11 =	vadd.s32 v9, v10;
	v8 =	vand.u32 $0x5DC000, v12;
	v12 =	vadd.s32 v15, v18  }
0x8f: {  	s25 =	sshra.s32 s26, $0x2;
	s26 =	sadd.s32 $0x40, s26;
	v13 =	vadd.s32 v13, v19;
	v10 =	vadd.s32 v4, v20;
	v4 =	vadd.s32 v17, v14  }
0x90: {  	v9 =	vld [tilespmem:s25+$0x200]  }
0x91: {  	v14 =	vld [tilespmem:s25+$0x400]  }
0x92: {  	v15 =	vld [tilespmem:s25+$0x0];
	v5 =	vadd.s32 v5, v8;
	vm1 =	vlt.s32 v12, $0x5DC000;
	v6 =	vadd.s32 v6, v7  }
0x93: {  	vm2 =	vlt.s32 v10, $0x5DC000;
	vm3 =	vlt.s32 v11, $0x5DC000;
	vm4 =	vlt.s32 v13, $0x5DC000  }
0x94: {  	vm6 =	vlt.s32 v4, $0x5DC000;
	vm0 =	vlt.s32 v5, $0x5DC000;
	vm5 =	vlt.s32 v6, $0x5DC000  }
0x95: {  	v45 =	vsel vm1, $0x0, v1;
	v17 =	vsel vm3, $0x0, v1;
	v19 =	vsel vm4, $0x0, v1  }
0x96: {  	v20 =	vsel vm2, $0x0, v1;
	v44 =	vadd.f32 $1.000000000e+00, v9;
	v16 =	vadd.f32 $1.000000000e+00, v14  }
0x97: {  	v22 =	vsel vm6, $0x0, v1;
	v21 =	vsel vm5, $0x0, v1;
	v18 =	vadd.f32 $1.000000000e+00, v15  }
0x98: {  	v23 =	vsel vm0, $0x0, v1;
	v7 =	vmul.f32 $5.000000000e-01, v44;
	v16 =	vmul.f32 $5.000000000e-01, v16  }
0x99: {  	v8 =	vadd.s32 v12, v45;
	v9 =	vand.u32 $0x7FFFFFFF, v9;
	v18 =	vmul.f32 $5.000000000e-01, v18  }
0x9a: {  	v14 =	vand.u32 $0x7FFFFFFF, v14;
	v7 =	vmul.f32 $1.023000000e+03, v7;
	v16 =	vmul.f32 $1.023000000e+03, v16  }
0x9b: {  	v15 =	vand.u32 $0x7FFFFFFF, v15;
	vm11 =	vle.f32 v9, $1.000000000e+00;
	v46 =	vmul.f32 $1.023000000e+03, v18  }
0x9c: {  	vm12 =	vle.f32 v15, $1.000000000e+00;
	v7 =	vmax.f32 v7, $0.0e+00;
	v16 =	vmax.f32 v16, $0.0e+00  }
0x9d: {  	v9 =	vmax.f32 v46, $0.0e+00;
	v7 =	vmin.f32 v7, $1.023000000e+03;
	v16 =	vmin.f32 v16, $1.023000000e+03  }
0x9e: {  	v9 =	vmin.f32 v9, $1.023000000e+03;
	v7 =	vtrunc.f32 v7;
	v16 =	vtrunc.f32 v16  }
0x9f: {  	vm13 =	vle.f32 v14, $1.000000000e+00;
	v9 =	vtrunc.f32 v9;
	v7 =	vcvt.f32.s32 v7  }
0xa0: {  	vm1 =	vmand vm12, vm11;
	v16 =	vcvt.f32.s32 v16;
	v9 =	vcvt.f32.s32 v9  }
0xa1: {  	v50 =	vadd.s32 v11, v17;
	vm9 =	vmand vm1, vm13;
	v47 =	vadd.s32 $0x1, v7  }
0xa2: {  	v48 =	vadd.s32 $0x1, v16;
	v49 =	vadd.s32 $0x1, v9;
	vm14 =	vlt.s32 v47, $0x3FF  }
0xa3: {  	v7 =	vmul.u32 $0x9E3779B1, v7;
	vm15 =	vlt.s32 v48, $0x3FF;
	v15 =	vnsel vm14, $0x3FF, v47  }
0xa4: {  	vm8 =	vlt.s32 v49, $0x3FF;
	v14 =	vnsel vm15, $0x3FF, v48;
	v15 =	vmul.u32 $0x9E3779B1, v15  }
0xa5: {  	v16 =	vmul.u32 $0x30025795, v16;
	v18 =	vnsel vm8, $0x3FF, v49;
	v14 =	vmul.u32 $0x30025795, v14  }
0xa6: {  	v24 =	vxor.u32 v18, v15;
	v15 =	vxor.u32 v9, v15;
	v9 =	vxor.u32 v9, v7  }
0xa7: {  	v7 =	vxor.u32 v7, v18;
	v51 =	vxor.u32 v14, v24;
	v56 =	vxor.u32 v16, v15  }
0xa8: {  	v15 =	vxor.u32 v14, v15;
	v57 =	vxor.u32 v16, v24;
	v58 =	vxor.u32 v9, v14  }
0xa9: {  	v14 =	vxor.u32 v7, v14;
	v9 =	vxor.u32 v16, v9;
	v7 =	vxor.u32 v16, v7  }
0xaa: {  	v53 =	vcvt.s32.f32 v51;
	vm10 =	vlt.s32 v51, $0x0;
	v59 =	vcvt.s32.f32 v56  }
0xab: {  	vm11 =	vlt.s32 v56, $0x0;
	v60 =	vcvt.s32.f32 v15;
	v25 =	vcvt.s32.f32 v57  }
0xac: {  	v26 =	vcvt.s32.f32 v58;
	vm13 =	vlt.s32 v58, $0x0;
	vm14 =	vlt.s32 v57, $0x0  }
0xad: {  	v27 =	vcvt.s32.f32 v14;
	vm15 =	vlt.s32 v14, $0x0;
	v61 =	vcvt.s32.f32 v7  }
0xae: {  	vm6 =	vlt.s32 v7, $0x0;
	v63 =	vcvt.s32.f32 v9;
	vm7 =	vlt.s32 v9, $0x0  }
0xaf: {  	v54 =	vsel vm10, $0x4F800000, v0;
	v28 =	vsel vm11, $0x4F800000, v0;
	v29 =	vsel vm14, $0x4F800000, v0  }
0xb0: {  	v35 =	vsel vm13, $0x4F800000, v0;
	v30 =	vsel vm6, $0x4F800000, v0;
	v17 =	vadd.f32 v53, v54  }
0xb1: {  	v31 =	vsel vm15, $0x4F800000, v0;
	v16 =	vadd.f32 v59, v28;
	v25 =	vadd.f32 v25, v29  }
0xb2: {  	v32 =	vsel vm7, $0x4F800000, v0;
	v26 =	vadd.f32 v26, v35;
	v27 =	vadd.f32 v27, v31  }
0xb3: {  	v28 =	vadd.f32 v61, v30;
	v17 =	vmul.f32 $1.627604150e-07, v17;
	v16 =	vmul.f32 $1.627604150e-07, v16  }
0xb4: {  	v24 =	vadd.f32 v63, v32;
	v26 =	vmul.f32 $1.627604150e-07, v26;
	v25 =	vmul.f32 $1.627604150e-07, v25  }
0xb5: {  	v52 =	vadd.s32 v13, v19;
	v28 =	vmul.f32 $1.627604150e-07, v28;
	v27 =	vmul.f32 $1.627604150e-07, v27  }
0xb6: {  	v55 =	vadd.s32 v10, v20;
	v24 =	vmul.f32 $1.627604150e-07, v24;
	v17 =	vtrunc.f32 v17  }
0xb7: {  	v4 =	vadd.s32 v4, v22;
	v16 =	vtrunc.f32 v16;
	v38 =	vtrunc.f32 v25  }
0xb8: {  	v6 =	vadd.s32 v6, v21;
	v39 =	vtrunc.f32 v26;
	v40 =	vtrunc.f32 v27  }
0xb9: {  	v5 =	vadd.s32 v5, v23;
	v24 =	vtrunc.f32 v24;
	v41 =	vtrunc.f32 v28  }
0xba: {  	v42 =	vsel vm9, $0x1, v2;
	v17 =	vcvt.f32.s32 v17;
	v16 =	vcvt.f32.s32 v16  }
0xbb: {  	vm12 =	vlt.s32 v15, $0x0;
	v25 =	vcvt.f32.s32 v39;
	v22 =	vcvt.f32.s32 v38  }
0xbc: {  	v62 =	vsel vm12, $0x4F800000, v0;
	v21 =	vcvt.f32.s32 v40;
	v23 =	vcvt.f32.s32 v41  }
0xbd: {  	v24 =	vcvt.f32.s32 v24;
	v17 =	vmul.u32 $0xFFA24000, v17;
	v16 =	vmul.u32 $0xFFA24000, v16  }
0xbe: {  	v22 =	vmul.u32 $0xFFA24000, v22;
	v25 =	vmul.u32 $0xFFA24000, v25;
	v21 =	vmul.u32 $0xFFA24000, v21  }
0xbf: {  	v23 =	vmul.u32 $0xFFA24000, v23;
	v24 =	vmul.u32 $0xFFA24000, v24;
	v12 =	vadd.s32 v51, v17  }
0xc0: {  	v17 =	vadd.f32 v60, v62;
	v16 =	vadd.s32 v56, v16;
	v43 =	vadd.s32 v58, v25  }
0xc1: {  	v14 =	vadd.s32 v14, v21;
	v44 =	vadd.s32 v57, v22;
	v9 =	vadd.s32 v9, v24  }
0xc2: {  	v7 =	vadd.s32 v7, v23;
	v36 =	vshra.s32 v12, $0x1F;
	v45 =	vshra.s32 v16, $0x1F  }
0xc3: {  	v46 =	vshra.s32 v43, $0x1F;
	v48 =	vshra.s32 v44, $0x1F;
	v17 =	vmul.f32 $1.627604150e-07, v17  }
0xc4: {  	[tilespmem:s24+$0xC00] =	vst v50;
	v49 =	vshra.s32 v9, $0x1F;
	v50 =	vshra.s32 v7, $0x1F;
	v51 =	vshra.s32 v14, $0x1F  }
0xc5: {  	v29 =	vand.u32 $0x5DC000, v36;
	v19 =	vand.u32 $0x5DC000, v45;
	v17 =	vtrunc.f32 v17  }
0xc6: {  	[tilespmem:s24+$0x1200] =	vst v52;
	v52 =	vand.u32 $0x5DC000, v48;
	v12 =	vadd.s32 v12, v29;
	v17 =	vcvt.f32.s32 v17  }
0xc7: {  	[tilespmem:s24+$0xA00] =	vst v8;
	v8 =	vand.u32 $0x5DC000, v46;
	v53 =	vand.u32 $0x5DC000, v50;
	vm8 =	vlt.s32 v12, $0x5DC000  }
0xc8: {  	v54 =	vand.u32 $0x5DC000, v51;
	v37 =	vsel vm8, $0x0, v1;
	v17 =	vmul.u32 $0xFFA24000, v17  }
0xc9: {  	[tilespmem:s24+$0x800] =	vst v55;
	v55 =	vand.u32 $0x5DC000, v49;
	v16 =	vadd.s32 v16, v19;
	v12 =	vadd.s32 v12, v37  }
0xca: {  	v8 =	vadd.s32 v43, v8;
	v56 =	vadd.s32 v44, v52;
	[tilespmem:s25+$0x1400] =	vst v12;
	v15 =	vadd.s32 v15, v17  }
0xcb: {  	v9 =	vadd.s32 v9, v55;
	vm9 =	vlt.s32 v16, $0x5DC000;
	[tilespmem:s24+$0x1000] =	vst v4;
	v47 =	vshra.s32 v15, $0x1F  }
0xcc: {  	vm11 =	vlt.s32 v56, $0x5DC000;
	[tilespmem:s24+$0x600] =	vst v5;
	v5 =	vadd.s32 v7, v53;
	v20 =	vand.u32 $0x5DC000, v47  }
0xcd: {  	v57 =	vsel vm9, $0x0, v1;
	[tilespmem:s24+$0xE00] =	vst v6;
	vm14 =	vlt.s32 v5, $0x5DC000;
	v4 =	vadd.s32 v15, v20  }
0xce: {  	v7 =	vadd.s32 v16, v57;
	[tilespmem:s25+$0xD600] =	vst v42;
	v62 =	vsel vm14, $0x0, v1;
	vm10 =	vlt.s32 v4, $0x5DC000  }
0xcf: {  	vm12 =	vlt.s32 v8, $0x5DC000;
	[tilespmem:s25+$0xA00] =	vst v7;
	v5 =	vadd.s32 v5, v62;
	v58 =	vsel vm10, $0x0, v1  }
0xd0: {  	v59 =	vsel vm11, $0x0, v1;
	v12 =	vadd.s32 v14, v54;
	[tilespmem:s25+$0xE00] =	vst v5;
	v4 =	vadd.s32 v4, v58  }
0xd1: {  	v60 =	vsel vm12, $0x0, v1;
	vm13 =	vlt.s32 v12, $0x5DC000;
	[tilespmem:s25+$0xC00] =	vst v4;
	v4 =	vadd.s32 v56, v59  }
0xd2: {  	vm15 =	vlt.s32 v9, $0x5DC000;
	v61 =	vsel vm13, $0x0, v1;
	[tilespmem:s25+$0x1200] =	vst v4;
	v4 =	vadd.s32 v8, v60  }
0xd3: {  	v63 =	vsel vm15, $0x0, v1;
	[tilespmem:s25+$0x800] =	vst v4;
	v4 =	vadd.s32 v12, v61  }
0xd4: {  	[tilespmem:s25+$0x1000] =	vst v4;
	v4 =	vadd.s32 v9, v63  }
0xd5: {  	[tilespmem:s25+$0x600] =	vst v4  }
0xd6: {  	[tilespmem:s16], [sflag:$0x1] =	stream.indirect.gather [hbm4b:s2+s14], $0x8, s15, s14, $0xb8;
	[tilespmem:$0xD800] =	vst v63  }
0xd7: {  	_ =	swait.ge [sflag:s17], $0x8000  }
0xd8: {  	s26 =	simm.s32 $0x0;
	[sflag:s17] =	ssyncset.done $0x0  }
0xd9: {  	s24 =	simm.s32 $0x0;
	s25 =	simm.s32 $0x400;
	[sflag:s17] =	ssyncadd.s32 $0xFFFF8000  }
.LBB2_5:
0xda: {  	v4 =	vld [tilespmem:s25+$0xFFFFFC00]  }
0xdb: {  	v5 =	vld [tilespmem:s25+$0xFFFFFE00]  }
0xdc: {  	v6 =	vld [tilespmem:s25+$0x0];
	_ =	sdelay $0x3  }
0xdd: {  	v4 =	vadd.f32 $1.000000000e+00, v4  }
0xde: {  	v5 =	vadd.f32 $1.000000000e+00, v5;
	v6 =	vadd.f32 $1.000000000e+00, v6  }
0xdf: {  	v4 =	vmul.f32 $5.000000000e-01, v4  }
0xe0: {  	v13 =	vmov s26;
	v5 =	vmul.f32 $5.000000000e-01, v5;
	v6 =	vmul.f32 $5.000000000e-01, v6  }
0xe1: {  	v13 =	vshll.u32 v13, $0x3;
	v4 =	vmul.f32 $1.023000000e+03, v4  }
0xe2: {  	v19 =	vor.u32 v3, v13;
	v5 =	vmul.f32 $1.023000000e+03, v5;
	v6 =	vmul.f32 $1.023000000e+03, v6  }
0xe3: {  	v22 =	vor.u32 $0x2, v19;
	v7 =	vmax.f32 v4, $0.0e+00  }
0xe4: {  	v8 =	vmax.f32 v5, $0.0e+00;
	v10 =	vmax.f32 v6, $0.0e+00;
	v7 =	vmin.f32 v7, $1.023000000e+03  }
0xe5: {  	v8 =	vmin.f32 v8, $1.023000000e+03;
	v10 =	vmin.f32 v10, $1.023000000e+03;
	v9 =	vtrunc.f32 v7  }
0xe6: {  	v25 =	vor.u32 $0x3, v19;
	v11 =	vtrunc.f32 v8;
	v12 =	vtrunc.f32 v10  }
0xe7: {  	v28 =	vor.u32 $0x4, v19;
	v11 =	vcvt.f32.s32 v11;
	v12 =	vcvt.f32.s32 v12  }
0xe8: {  	v33 =	vor.u32 $0x5, v19;
	vm0 =	vge.f32 v4, $0.0e+00;
	v9 =	vcvt.f32.s32 v9  }
0xe9: {  	vm1 =	vle.f32 v4, $1.023000000e+03;
	v11 =	vcvt.s32.f32 v11;
	v4 =	vcvt.s32.f32 v12  }
0xea: {  	v38 =	vor.u32 $0x6, v19;
	vm12 =	vge.f32 v5, $0.0e+00;
	v9 =	vcvt.s32.f32 v9  }
0xeb: {  	vm2 =	vle.f32 v5, $1.023000000e+03;
	v13 =	vsub.f32 v8, v11;
	v14 =	vsub.f32 v10, v4  }
0xec: {  	v5 =	vor.u32 $0x1, v19;
	vm14 =	vge.f32 v6, $0.0e+00;
	v4 =	vsub.f32 v7, v9  }
0xed: {  	vm15 =	vle.f32 v6, $1.023000000e+03;
	v15 =	vsub.f32 $1.000000000e+00, v13;
	v18 =	vsub.f32 $1.000000000e+00, v14  }
0xee: {  	v51 =	vld.idx.msk [tilespmem:v19+s16+$0x0], $0xffff;
	v19 =	vor.u32 $0x7, v19;
	vm0 =	vmand vm0, vm1;
	v20 =	vsub.f32 $1.000000000e+00, v4  }
0xef: {  	vm13 =	vmand vm12, vm2;
	v17 =	vmul.f32 v18, v15;
	v11 =	vmul.f32 v14, v15  }
0xf0: {  	v8 =	vsel vm0, $0x43FFC000, v0;
	v6 =	vmul.f32 v18, v13;
	v16 =	vmul.f32 v18, v20  }
0xf1: {  	v10 =	vsel vm13, $0x43FFC000, v0;
	v23 =	vmul.f32 v15, v20;
	v30 =	vmul.f32 v14, v20  }
0xf2: {  	vm0 =	vmand vm14, vm15;
	v63 =	vmul.f32 v13, v20;
	v18 =	vmul.f32 v18, v4  }
0xf3: {  	v5 =	vld.idx.msk [tilespmem:v5+s16+$0x0], $0xffff;
	v7 =	vsel vm0, $0x43FFC000, v0;
	v24 =	vmul.f32 v17, v20;
	v12 =	vmul.f32 v17, v8  }
0xf4: {  	v22 =	vld.idx.msk [tilespmem:v22+s16+$0x0], $0xffff;
	v21 =	vmul.f32 v16, v10;
	v16 =	vmul.f32 v23, v7  }
0xf5: {  	v48 =	vld.idx.msk [tilespmem:v19+s16+$0x0], $0xffff;
	v19 =	vmul.f32 v30, v10;
	v17 =	vmul.f32 v17, v4  }
0xf6: {  	v52 =	vmul.f32 v24, v51;
	v26 =	vmul.f32 v12, v51  }
0xf7: {  	v25 =	vld.idx.msk [tilespmem:v25+s16+$0x0], $0xffff;
	v27 =	vmul.f32 v21, v51;
	v9 =	vmul.f32 v16, v51  }
0xf8: {  	v29 =	vmul.f32 v24, v5;
	v53 =	vmul.f32 v12, v5  }
0xf9: {  	s28 =	sadd.s32 $0x200, s26;
	v28 =	vld.idx.msk [tilespmem:v28+s16+$0x0], $0xffff;
	v32 =	vmul.f32 v21, v5;
	v5 =	vmul.f32 v16, v5  }
0xfa: {  	v45 =	vmov s28;
	v54 =	vmul.f32 v24, v22;
	v35 =	vmul.f32 v12, v22  }
0xfb: {  	v45 =	vshll.u32 v45, $0x3;
	v36 =	vmul.f32 v21, v22;
	v55 =	vmul.f32 v16, v22  }
0xfc: {  	v45 =	vor.u32 v3, v45;
	v33 =	vld.idx.msk [tilespmem:v33+s16+$0x0], $0xffff;
	v56 =	vmul.f32 v24, v25;
	v57 =	vmul.f32 v12, v25  }
0xfd: {  	v50 =	vor.u32 $0x1, v45;
	v40 =	vmul.f32 v21, v25;
	v25 =	vmul.f32 v16, v25  }
0xfe: {  	v62 =	vor.u32 $0x4, v45;
	v41 =	vmul.f32 v24, v28;
	v43 =	vmul.f32 v12, v28  }
0xff: {  	v44 =	vmul.f32 v21, v28;
	v23 =	vadd.f32 $0.0e+00, v52;
	v26 =	vsub.f32 $0.0e+00, v26  }
0x100: {  	v38 =	vld.idx.msk [tilespmem:v38+s16+$0x0], $0xffff;
	v28 =	vmul.f32 v16, v28;
	v27 =	vsub.f32 $0.0e+00, v27;
	v31 =	vsub.f32 $0.0e+00, v9  }
0x101: {  	v46 =	vmul.f32 v24, v33;
	v29 =	vadd.f32 $0.0e+00, v29;
	v34 =	vsub.f32 $0.0e+00, v53  }
0x102: {  	v47 =	vmul.f32 v12, v33;
	v32 =	vsub.f32 $0.0e+00, v32;
	v5 =	vsub.f32 $0.0e+00, v5  }
0x103: {  	v49 =	vmul.f32 v21, v33;
	v37 =	vadd.f32 $0.0e+00, v54;
	v35 =	vsub.f32 $0.0e+00, v35  }
0x104: {  	v33 =	vmul.f32 v16, v33;
	v22 =	vsub.f32 $0.0e+00, v36;
	v39 =	vsub.f32 $0.0e+00, v55  }
0x105: {  	v51 =	vmul.f32 v24, v38;
	v36 =	vadd.f32 $0.0e+00, v56;
	v42 =	vsub.f32 $0.0e+00, v57  }
0x106: {  	v58 =	vmul.f32 v21, v38;
	v40 =	vsub.f32 $0.0e+00, v40;
	v25 =	vsub.f32 $0.0e+00, v25  }
0x107: {  	v24 =	vmul.f32 v24, v48;
	v41 =	vadd.f32 $0.0e+00, v41;
	v43 =	vsub.f32 $0.0e+00, v43  }
0x108: {  	v9 =	vmul.f32 v11, v8;
	v44 =	vsub.f32 $0.0e+00, v44;
	v28 =	vsub.f32 $0.0e+00, v28  }
0x109: {  	v46 =	vadd.f32 $0.0e+00, v46;
	v47 =	vsub.f32 $0.0e+00, v47;
	v52 =	vmul.f32 v12, v38  }
0x10a: {  	v30 =	vsub.f32 $0.0e+00, v49;
	v33 =	vsub.f32 $0.0e+00, v33;
	v53 =	vld.idx.msk [tilespmem:v45+s16+$0x0], $0xffff;
	v38 =	vmul.f32 v16, v38  }
0x10b: {  	v54 =	vor.u32 $0x2, v45;
	v55 =	vmul.f32 v12, v48;
	v56 =	vmul.f32 v21, v48  }
0x10c: {  	v50 =	vld.idx.msk [tilespmem:v50+s16+$0x0], $0xffff;
	v49 =	vadd.f32 $0.0e+00, v51;
	v48 =	vmul.f32 v16, v48;
	v57 =	vmul.f32 v11, v20  }
0x10d: {  	v51 =	vsub.f32 $0.0e+00, v52;
	v52 =	vsub.f32 $0.0e+00, v58;
	v58 =	vor.u32 $0x3, v45  }
0x10e: {  	v24 =	vadd.f32 $0.0e+00, v24;
	v11 =	vmul.f32 v11, v4;
	v38 =	vsub.f32 $0.0e+00, v38  }
0x10f: {  	v55 =	vsub.f32 $0.0e+00, v55;
	v59 =	vmul.f32 v57, v53;
	v60 =	vmul.f32 v9, v53  }
0x110: {  	v56 =	vsub.f32 $0.0e+00, v56;
	v61 =	vmul.f32 v19, v53;
	v54 =	vld.idx.msk [tilespmem:v54+s16+$0x0], $0xffff;
	v53 =	vmul.f32 v16, v53  }
0x111: {  	v48 =	vsub.f32 $0.0e+00, v48;
	v23 =	vadd.f32 v23, v59;
	v59 =	vmul.f32 v50, v57  }
0x112: {  	v26 =	vsub.f32 v26, v60;
	v31 =	vadd.f32 v31, v53;
	v53 =	vmul.f32 v50, v9;
	v58 =	vld.idx.msk [tilespmem:v58+s16+$0x0], $0xffff  }
0x113: {  	v27 =	vsub.f32 v27, v61;
	v29 =	vadd.f32 v29, v59;
	v59 =	vmul.f32 v50, v19  }
0x114: {  	v62 =	vld.idx.msk [tilespmem:v62+s16+$0x0], $0xffff;
	v60 =	vor.u32 $0x5, v45;
	v50 =	vmul.f32 v50, v16;
	v34 =	vsub.f32 v34, v53  }
0x115: {  	v53 =	vmul.f32 v54, v57;
	v61 =	vmul.f32 v54, v9;
	v32 =	vsub.f32 v32, v59  }
0x116: {  	v50 =	vadd.f32 v5, v50;
	v5 =	vmul.f32 v54, v19;
	v59 =	vmul.f32 v54, v16  }
0x117: {  	v37 =	vadd.f32 v37, v53;
	v35 =	vsub.f32 v35, v61;
	v53 =	vmul.f32 v58, v9  }
0x118: {  	v54 =	vsub.f32 v22, v5;
	v5 =	vmul.f32 v58, v57;
	v22 =	vor.u32 $0x6, v45  }
0x119: {  	v60 =	vld.idx.msk [tilespmem:v60+s16+$0x0], $0xffff;
	v61 =	vmul.f32 v62, v57;
	v39 =	vadd.f32 v59, v39;
	v59 =	vmul.f32 v58, v19  }
0x11a: {  	v45 =	vor.u32 $0x7, v45;
	v36 =	vadd.f32 v5, v36;
	v5 =	vmul.f32 v58, v16  }
0x11b: {  	s31 =	sadd.s32 $0x400, s26;
	v42 =	vsub.f32 v42, v53;
	v41 =	vadd.f32 v61, v41;
	v53 =	vmul.f32 v62, v9  }
0x11c: {  	v40 =	vsub.f32 v40, v59;
	v25 =	vadd.f32 v5, v25;
	v5 =	vmov s31  }
0x11d: {  	v58 =	vmul.f32 v62, v19;
	v59 =	vmul.f32 v62, v16;
	v22 =	vld.idx.msk [tilespmem:v22+s16+$0x0], $0xffff;
	v5 =	vshll.u32 v5, $0x3  }
0x11e: {  	v43 =	vsub.f32 v43, v53;
	v61 =	vmul.f32 v60, v57;
	v62 =	vor.u32 v3, v5  }
0x11f: {  	v44 =	vsub.f32 v44, v58;
	v53 =	vmul.f32 v60, v9;
	v58 =	vmul.f32 v60, v19;
	v45 =	vld.idx.msk [tilespmem:v45+s16+$0x0], $0xffff  }
0x120: {  	v28 =	vadd.f32 v59, v28;
	v59 =	vmul.f32 v60, v16;
	v5 =	vmul.f32 v6, v8  }
0x121: {  	v46 =	vadd.f32 v61, v46;
	v47 =	vsub.f32 v47, v53;
	v60 =	vor.u32 $0x1, v62  }
0x122: {  	v30 =	vsub.f32 v30, v58;
	v53 =	vmul.f32 v22, v57;
	v61 =	vmul.f32 v22, v9  }
0x123: {  	v33 =	vadd.f32 v59, v33;
	v58 =	vmul.f32 v22, v19;
	v22 =	vmul.f32 v22, v16;
	v59 =	vld.idx.msk [tilespmem:v62+s16+$0x0], $0xffff  }
0x124: {  	v16 =	vmul.f32 v45, v16;
	v49 =	vadd.f32 v53, v49;
	v51 =	vsub.f32 v51, v61  }
0x125: {  	v52 =	vsub.f32 v52, v58;
	v53 =	vmul.f32 v45, v57;
	v57 =	vor.u32 $0x2, v62  }
0x126: {  	v38 =	vadd.f32 v22, v38;
	v22 =	vmul.f32 v45, v9;
	v58 =	vmul.f32 v6, v20;
	v60 =	vld.idx.msk [tilespmem:v60+s16+$0x0], $0xffff  }
0x127: {  	v61 =	vor.u32 $0x3, v62;
	v24 =	vadd.f32 v53, v24;
	v53 =	vmul.f32 v45, v19  }
0x128: {  	v48 =	vadd.f32 v16, v48;
	v45 =	vsub.f32 v55, v22;
	v55 =	vmul.f32 v59, v58  }
0x129: {  	v22 =	vmul.f32 v63, v7;
	v63 =	vor.u32 $0x4, v62;
	v53 =	vsub.f32 v56, v53  }
0x12a: {  	v16 =	vmul.f32 v59, v5;
	v56 =	vld.idx.msk [tilespmem:v57+s16+$0x0], $0xffff;
	v23 =	vadd.f32 v55, v23;
	v55 =	vmul.f32 v59, v21  }
0x12b: {  	v57 =	vmul.f32 v59, v22;
	v59 =	vmul.f32 v60, v58  }
0x12c: {  	v26 =	vsub.f32 v26, v16;
	v16 =	vmul.f32 v60, v5;
	v27 =	vadd.f32 v55, v27;
	v55 =	vld.idx.msk [tilespmem:v61+s16+$0x0], $0xffff  }
0x12d: {  	v31 =	vsub.f32 v31, v57;
	v57 =	vmul.f32 v60, v22;
	v29 =	vadd.f32 v59, v29  }
0x12e: {  	v34 =	vsub.f32 v34, v16;
	v16 =	vmul.f32 v60, v21;
	v61 =	vor.u32 $0x5, v62  }
0x12f: {  	v50 =	vsub.f32 v50, v57;
	v57 =	vld.idx.msk [tilespmem:v63+s16+$0x0], $0xffff;
	v59 =	vmul.f32 v56, v58;
	v60 =	vmul.f32 v56, v5  }
0x130: {  	v32 =	vadd.f32 v16, v32;
	v16 =	vmul.f32 v56, v21;
	v56 =	vmul.f32 v56, v22  }
0x131: {  	v37 =	vadd.f32 v59, v37;
	v35 =	vsub.f32 v35, v60;
	v59 =	vmul.f32 v55, v58  }
0x132: {  	s29 =	sadd.s32 $0x600, s26;
	v60 =	vor.u32 $0x6, v62;
	v39 =	vsub.f32 v39, v56;
	v56 =	vmul.f32 v55, v5  }
0x133: {  	v63 =	vmov s29;
	v36 =	vadd.f32 v59, v36;
	v59 =	vmul.f32 v55, v21  }
0x134: {  	v61 =	vld.idx.msk [tilespmem:v61+s16+$0x0], $0xffff;
	v55 =	vmul.f32 v55, v22;
	v42 =	vsub.f32 v42, v56;
	v56 =	vmul.f32 v57, v58  }
0x135: {  	v54 =	vadd.f32 v16, v54;
	v62 =	vor.u32 $0x7, v62;
	v40 =	vadd.f32 v59, v40  }
0x136: {  	v16 =	vmul.f32 v14, v13;
	v25 =	vsub.f32 v25, v55;
	v41 =	vadd.f32 v56, v41  }
0x137: {  	v56 =	vmul.f32 v57, v5;
	v59 =	vld.idx.msk [tilespmem:v60+s16+$0x0], $0xffff;
	v55 =	vshll.u32 v63, $0x3;
	v60 =	vmul.f32 v57, v21  }
0x138: {  	v14 =	vmul.f32 v14, v4;
	v57 =	vmul.f32 v57, v22;
	v55 =	vor.u32 v3, v55  }
0x139: {  	v43 =	vsub.f32 v43, v56;
	v56 =	vmul.f32 v61, v58;
	v44 =	vadd.f32 v60, v44  }
0x13a: {  	v28 =	vsub.f32 v28, v57;
	v57 =	vmul.f32 v61, v5;
	v60 =	vld.idx.msk [tilespmem:v62+s16+$0x0], $0xffff;
	v62 =	vor.u32 $0x1, v55  }
0x13b: {  	v46 =	vadd.f32 v56, v46;
	v56 =	vmul.f32 v61, v21;
	v61 =	vmul.f32 v61, v22  }
0x13c: {  	v8 =	vmul.f32 v16, v8;
	v47 =	vsub.f32 v47, v57;
	v57 =	vmul.f32 v59, v58  }
0x13d: {  	v20 =	vmul.f32 v16, v20;
	v30 =	vadd.f32 v56, v30;
	v33 =	vsub.f32 v33, v61;
	v61 =	vld.idx.msk [tilespmem:v55+s16+$0x0], $0xffff  }
0x13e: {  	v56 =	vmul.f32 v59, v5;
	v49 =	vadd.f32 v57, v49;
	v57 =	vmul.f32 v59, v21  }
0x13f: {  	v59 =	vmul.f32 v59, v22;
	v63 =	vmul.f32 v60, v58;
	v58 =	vor.u32 $0x2, v55  }
0x140: {  	v21 =	vmul.f32 v60, v21;
	v51 =	vsub.f32 v51, v56;
	v52 =	vadd.f32 v57, v52;
	v57 =	vld.idx.msk [tilespmem:v62+s16+$0x0], $0xffff  }
0x141: {  	v56 =	vmul.f32 v60, v5;
	v38 =	vsub.f32 v38, v59;
	v59 =	vmul.f32 v60, v22  }
0x142: {  	v62 =	vor.u32 $0x3, v55;
	v21 =	vadd.f32 v21, v53;
	v60 =	vmul.f32 v61, v20  }
0x143: {  	v45 =	vsub.f32 v45, v56;
	v48 =	vsub.f32 v48, v59;
	v53 =	vmul.f32 v61, v8  }
0x144: {  	v59 =	vmul.f32 v61, v22;
	v56 =	vld.idx.msk [tilespmem:v58+s16+$0x0], $0xffff;
	v58 =	vmul.f32 v61, v19;
	v23 =	vadd.f32 v60, v23  }
0x145: {  	v60 =	vor.u32 $0x4, v55;
	v26 =	vsub.f32 v26, v53;
	v53 =	vmul.f32 v57, v20  }
0x146: {  	v24 =	vadd.f32 v63, v24;
	v31 =	vadd.f32 v59, v31;
	v61 =	vmul.f32 v57, v8  }
0x147: {  	v27 =	vadd.f32 v58, v27;
	v58 =	vld.idx.msk [tilespmem:v62+s16+$0x0], $0xffff;
	v29 =	vadd.f32 v53, v29;
	v53 =	vmul.f32 v57, v19  }
0x148: {  	v34 =	vsub.f32 v34, v61;
	v57 =	vmul.f32 v57, v22;
	v61 =	vor.u32 $0x5, v55  }
0x149: {  	v59 =	vmul.f32 v56, v20;
	v62 =	vmul.f32 v56, v19;
	v32 =	vadd.f32 v53, v32  }
0x14a: {  	v53 =	vmul.f32 v56, v8;
	v60 =	vld.idx.msk [tilespmem:v60+s16+$0x0], $0xffff;
	v50 =	vadd.f32 v57, v50;
	v56 =	vmul.f32 v56, v22  }
0x14b: {  	v57 =	vor.u32 $0x6, v55;
	v55 =	vor.u32 $0x7, v55;
	v37 =	vadd.f32 v59, v37  }
0x14c: {  	v63 =	vmul.f32 v58, v8;
	v35 =	vsub.f32 v35, v53;
	v53 =	vadd.f32 v62, v54  }
0x14d: {  	s30 =	sadd.s32 $0x800, s26;
	v62 =	vmul.f32 v58, v20;
	v39 =	vadd.f32 v56, v39;
	v56 =	vmul.f32 v58, v22  }
0x14e: {  	v59 =	vld.idx.msk [tilespmem:v61+s16+$0x0], $0xffff;
	v42 =	vsub.f32 v42, v63;
	v61 =	vmul.f32 v15, v4;
	v63 =	vmov s30  }
0x14f: {  	v36 =	vadd.f32 v62, v36;
	v62 =	vmul.f32 v58, v19;
	v54 =	vmul.f32 v60, v8  }
0x150: {  	v25 =	vadd.f32 v56, v25;
	v56 =	vshll.u32 v63, $0x3;
	v15 =	vmul.f32 v60, v19  }
0x151: {  	v58 =	vmul.f32 v60, v20;
	v60 =	vmul.f32 v60, v22;
	v43 =	vsub.f32 v43, v54;
	v54 =	vld.idx.msk [tilespmem:v57+s16+$0x0], $0xffff  }
0x152: {  	v56 =	vor.u32 v3, v56;
	v44 =	vadd.f32 v15, v44;
	v15 =	vmul.f32 v18, v10  }
0x153: {  	v55 =	vld.idx.msk [tilespmem:v55+s16+$0x0], $0xffff;
	v40 =	vadd.f32 v62, v40;
	v18 =	vmul.f32 v61, v7;
	v10 =	vmul.f32 v14, v10  }
0x154: {  	v41 =	vadd.f32 v58, v41;
	v62 =	vmul.f32 v59, v20;
	v63 =	vmul.f32 v59, v8  }
0x155: {  	v28 =	vadd.f32 v60, v28;
	v60 =	vmul.f32 v59, v19;
	v58 =	vmul.f32 v59, v22  }
0x156: {  	v59 =	vor.u32 $0x1, v56;
	v46 =	vadd.f32 v62, v46;
	v57 =	vmul.f32 v54, v20  }
0x157: {  	v30 =	vadd.f32 v60, v30;
	v33 =	vadd.f32 v58, v33;
	v58 =	vld.idx.msk [tilespmem:v56+s16+$0x0], $0xffff;
	v60 =	vmul.f32 v54, v8  }
0x158: {  	v62 =	vmul.f32 v55, v8;
	v20 =	vmul.f32 v55, v20;
	v49 =	vadd.f32 v57, v49  }
0x159: {  	v51 =	vsub.f32 v51, v60;
	v57 =	vmul.f32 v54, v19;
	v60 =	vor.u32 $0x2, v56  }
0x15a: {  	v54 =	vmul.f32 v54, v22;
	v19 =	vmul.f32 v55, v19  }
0x15b: {  	v59 =	vld.idx.msk [tilespmem:v59+s16+$0x0], $0xffff;
	v20 =	vadd.f32 v20, v24;
	v24 =	vsub.f32 v45, v62;
	v45 =	vor.u32 $0x3, v56  }
0x15c: {  	v47 =	vsub.f32 v47, v63;
	v22 =	vmul.f32 v55, v22;
	v63 =	vmul.f32 v58, v17  }
0x15d: {  	v61 =	vmul.f32 v58, v15;
	v62 =	vmul.f32 v58, v18  }
0x15e: {  	v52 =	vadd.f32 v57, v52;
	v38 =	vadd.f32 v54, v38;
	v57 =	vor.u32 $0x4, v56;
	v55 =	vld.idx.msk [tilespmem:v60+s16+$0x0], $0xffff  }
0x15f: {  	v19 =	vadd.f32 v19, v21;
	v21 =	vadd.f32 v22, v48;
	v48 =	vmul.f32 v58, v12  }
0x160: {  	v22 =	vadd.f32 v63, v23;
	v27 =	vsub.f32 v27, v61;
	v63 =	vmul.f32 v59, v17;
	v45 =	vld.idx.msk [tilespmem:v45+s16+$0x0], $0xffff  }
0x161: {  	v23 =	vsub.f32 v31, v62;
	v26 =	vadd.f32 v48, v26;
	v54 =	vmul.f32 v59, v12  }
0x162: {  	v61 =	vmul.f32 v59, v18;
	v60 =	vmul.f32 v59, v15;
	v29 =	vadd.f32 v63, v29  }
0x163: {  	v34 =	vadd.f32 v54, v34;
	v54 =	vor.u32 $0x5, v56;
	v57 =	vld.idx.msk [tilespmem:v57+s16+$0x0], $0xffff;
	v62 =	vmul.f32 v55, v17  }
0x164: {  	v48 =	vsub.f32 v50, v61;
	v63 =	vmul.f32 v55, v12;
	v59 =	vmul.f32 v55, v15  }
0x165: {  	v31 =	vsub.f32 v32, v60;
	v60 =	vmul.f32 v55, v18;
	v61 =	vmul.f32 v45, v17  }
0x166: {  	v55 =	vor.u32 $0x6, v56;
	v32 =	vadd.f32 v62, v37;
	v35 =	vadd.f32 v63, v35  }
0x167: {  	v50 =	vsub.f32 v53, v59;
	v62 =	vmul.f32 v45, v12;
	v63 =	vmul.f32 v45, v15  }
0x168: {  	v54 =	vld.idx.msk [tilespmem:v54+s16+$0x0], $0xffff;
	v37 =	vsub.f32 v39, v60;
	v45 =	vmul.f32 v45, v18;
	v59 =	vmul.f32 v57, v17  }
0x169: {  	v60 =	vmul.f32 v57, v12;
	v39 =	vadd.f32 v62, v42;
	v42 =	vor.u32 $0x7, v56  }
0x16a: {  	s31 =	sadd.s32 $0xA00, s26;
	v36 =	vadd.f32 v61, v36;
	v61 =	vmul.f32 v57, v15;
	v57 =	vmul.f32 v57, v18  }
0x16b: {  	v40 =	vsub.f32 v40, v63;
	v25 =	vsub.f32 v25, v45;
	v62 =	vmov s31;
	v55 =	vld.idx.msk [tilespmem:v55+s16+$0x0], $0xffff  }
0x16c: {  	v41 =	vadd.f32 v59, v41;
	v43 =	vadd.f32 v60, v43;
	v56 =	vshll.u32 v62, $0x3  }
0x16d: {  	v44 =	vsub.f32 v44, v61;
	v63 =	vmul.f32 v54, v17;
	v45 =	vor.u32 v3, v56  }
0x16e: {  	v28 =	vsub.f32 v28, v57;
	v60 =	vmul.f32 v54, v12;
	v61 =	vmul.f32 v54, v15;
	v42 =	vld.idx.msk [tilespmem:v42+s16+$0x0], $0xffff  }
0x16f: {  	v54 =	vmul.f32 v54, v18;
	v57 =	vor.u32 $0x1, v45;
	v46 =	vadd.f32 v63, v46  }
0x170: {  	v47 =	vadd.f32 v60, v47;
	v62 =	vmul.f32 v55, v17;
	v63 =	vmul.f32 v55, v12  }
0x171: {  	v30 =	vsub.f32 v30, v61;
	v33 =	vsub.f32 v33, v54;
	v59 =	vmul.f32 v55, v15  }
0x172: {  	v60 =	vmul.f32 v55, v18;
	v61 =	vld.idx.msk [tilespmem:v45+s16+$0x0], $0xffff;
	v49 =	vadd.f32 v62, v49;
	v51 =	vadd.f32 v63, v51  }
0x173: {  	v52 =	vsub.f32 v52, v59;
	v62 =	vor.u32 $0x2, v45;
	v17 =	vmul.f32 v42, v17  }
0x174: {  	v38 =	vsub.f32 v38, v60;
	v56 =	vld.idx.msk [tilespmem:v57+s16+$0x0], $0xffff;
	v12 =	vmul.f32 v42, v12;
	v63 =	vmul.f32 v42, v15  }
0x175: {  	v57 =	vor.u32 $0x3, v45;
	v42 =	vmul.f32 v42, v18;
	v14 =	vadd.f32 v17, v20  }
0x176: {  	v13 =	vmul.f32 v13, v4;
	v24 =	vadd.f32 v12, v24;
	v53 =	vsub.f32 v19, v63  }
0x177: {  	v42 =	vsub.f32 v21, v42;
	v58 =	vmul.f32 v61, v11;
	v59 =	vmul.f32 v61, v9  }
0x178: {  	v60 =	vmul.f32 v61, v10;
	v21 =	vor.u32 $0x4, v45;
	v61 =	vmul.f32 v61, v18;
	v20 =	vld.idx.msk [tilespmem:v62+s16+$0x0], $0xffff  }
0x179: {  	v62 =	vmul.f32 v56, v11;
	v63 =	vmul.f32 v56, v9;
	v54 =	vadd.f32 v58, v22  }
0x17a: {  	v19 =	vld.idx.msk [tilespmem:v57+s16+$0x0], $0xffff;
	v57 =	vor.u32 $0x6, v45;
	v26 =	vadd.f32 v59, v26;
	v27 =	vsub.f32 v27, v60  }
0x17b: {  	v55 =	vadd.f32 v61, v23;
	v58 =	vmul.f32 v56, v10;
	v59 =	vmul.f32 v56, v18  }
0x17c: {  	v60 =	vor.u32 $0x5, v45;
	v45 =	vor.u32 $0x7, v45;
	v29 =	vadd.f32 v62, v29  }
0x17d: {  	v34 =	vadd.f32 v63, v34;
	v61 =	vmul.f32 v20, v11;
	v62 =	vmul.f32 v20, v9  }
0x17e: {  	v31 =	vsub.f32 v31, v58;
	v63 =	vmul.f32 v20, v10;
	v20 =	vmul.f32 v20, v18  }
0x17f: {  	v48 =	vadd.f32 v59, v48;
	v21 =	vld.idx.msk [tilespmem:v21+s16+$0x0], $0xffff;
	v56 =	vmul.f32 v19, v11;
	v58 =	vmul.f32 v19, v9  }
0x180: {  	v59 =	vmul.f32 v19, v10;
	v17 =	vld.idx.msk [tilespmem:v57+s16+$0x0], $0xffff;
	v32 =	vadd.f32 v61, v32;
	v35 =	vadd.f32 v62, v35  }
0x181: {  	v19 =	vmul.f32 v19, v18;
	v50 =	vsub.f32 v50, v63;
	v37 =	vadd.f32 v20, v37  }
0x182: {  	s29 =	sadd.s32 $0xC00, s26;
	v7 =	vmul.f32 v13, v7;
	v22 =	vld.idx.msk [tilespmem:v60+s16+$0x0], $0xffff;
	v36 =	vadd.f32 v56, v36;
	v39 =	vadd.f32 v58, v39  }
0x183: {  	v40 =	vsub.f32 v40, v59;
	v25 =	vadd.f32 v19, v25;
	v62 =	vmov s29  }
0x184: {  	v45 =	vld.idx.msk [tilespmem:v45+s16+$0x0], $0xffff;
	v19 =	vshll.u32 v62, $0x3;
	v60 =	vmul.f32 v21, v11;
	v61 =	vmul.f32 v21, v9  }
0x185: {  	v63 =	vmul.f32 v21, v10;
	v56 =	vor.u32 v3, v19;
	v58 =	vmul.f32 v17, v11  }
0x186: {  	v59 =	vmul.f32 v17, v9;
	v41 =	vadd.f32 v60, v41;
	v60 =	vmul.f32 v21, v18  }
0x187: {  	v43 =	vadd.f32 v61, v43;
	v61 =	vmul.f32 v22, v11;
	v62 =	vmul.f32 v22, v9  }
0x188: {  	v44 =	vsub.f32 v44, v63;
	v63 =	vmul.f32 v22, v10;
	v57 =	vmul.f32 v22, v18  }
0x189: {  	v11 =	vmul.f32 v45, v11;
	v20 =	vadd.f32 v58, v49;
	v19 =	vadd.f32 v59, v51  }
0x18a: {  	v9 =	vmul.f32 v45, v9;
	v28 =	vadd.f32 v60, v28;
	v46 =	vadd.f32 v61, v46  }
0x18b: {  	v51 =	vmul.f32 v45, v10;
	v23 =	vadd.f32 v62, v47;
	v21 =	vsub.f32 v30, v63  }
0x18c: {  	v60 =	vor.u32 $0x1, v56;
	v22 =	vadd.f32 v57, v33;
	v61 =	vmul.f32 v17, v10;
	v63 =	vld.idx.msk [tilespmem:v56+s16+$0x0], $0xffff  }
0x18d: {  	v62 =	vmul.f32 v17, v18;
	v12 =	vadd.f32 v11, v14;
	v57 =	vor.u32 $0x2, v56  }
0x18e: {  	v14 =	vmul.f32 v6, v4;
	v11 =	vadd.f32 v9, v24;
	v33 =	vor.u32 $0x3, v56  }
0x18f: {  	v4 =	vmul.f32 v16, v4;
	v17 =	vsub.f32 v52, v61;
	v52 =	vmul.f32 v45, v18  }
0x190: {  	v9 =	vsub.f32 v53, v51;
	v13 =	vadd.f32 v62, v38;
	v62 =	vor.u32 $0x4, v56  }
0x191: {  	s30 =	sadd.s32 $0xE00, s26;
	v45 =	vor.u32 $0x7, v56;
	v6 =	vadd.f32 v52, v42;
	v18 =	vld.idx.msk [tilespmem:v60+s16+$0x0], $0xffff;
	v58 =	vmul.f32 v63, v14  }
0x192: {  	v24 =	vld.idx.msk [tilespmem:v57+s16+$0x0], $0xffff;
	v57 =	vmov s30;
	v59 =	vmul.f32 v63, v5;
	v60 =	vmul.f32 v63, v15  }
0x193: {  	v61 =	vmul.f32 v63, v7;
	v49 =	vshll.u32 v57, $0x3;
	v30 =	vadd.f32 v58, v54  }
0x194: {  	v49 =	vor.u32 v3, v49;
	v26 =	vadd.f32 v59, v26;
	v27 =	vadd.f32 v60, v27  }
0x195: {  	v38 =	vsub.f32 v55, v61;
	v60 =	vor.u32 $0x5, v56;
	v59 =	vor.u32 $0x6, v56  }
0x196: {  	v33 =	vld.idx.msk [tilespmem:v33+s16+$0x0], $0xffff;
	v51 =	vor.u32 $0x1, v49;
	v63 =	vmul.f32 v18, v14;
	v58 =	vmul.f32 v18, v5  }
0x197: {  	v54 =	vor.u32 $0x2, v49;
	v61 =	vmul.f32 v18, v15;
	v18 =	vmul.f32 v18, v7  }
0x198: {  	v42 =	vld.idx.msk [tilespmem:v62+s16+$0x0], $0xffff;
	v62 =	vmul.f32 v24, v14;
	v29 =	vadd.f32 v63, v29;
	v34 =	vadd.f32 v58, v34  }
0x199: {  	v57 =	vor.u32 $0x4, v49;
	v31 =	vadd.f32 v61, v31;
	v48 =	vsub.f32 v48, v18  }
0x19a: {  	v63 =	vmul.f32 v24, v5;
	v61 =	vor.u32 $0x3, v49;
	v32 =	vadd.f32 v62, v32;
	v53 =	vld.idx.msk [tilespmem:v49+s16+$0x0], $0xffff  }
0x19b: {  	v62 =	vmul.f32 v33, v14;
	v58 =	vor.u32 $0x6, v49;
	v47 =	vld.idx.msk [tilespmem:v60+s16+$0x0], $0xffff;
	v60 =	vmul.f32 v24, v15  }
0x19c: {  	v24 =	vmul.f32 v24, v7;
	v52 =	vld.idx.msk [tilespmem:v59+s16+$0x0], $0xffff;
	v59 =	vmul.f32 v33, v15;
	v35 =	vadd.f32 v63, v35  }
0x19d: {  	v18 =	vld.idx.msk [tilespmem:v45+s16+$0x0], $0xffff;
	v63 =	vmul.f32 v33, v5;
	v36 =	vadd.f32 v62, v36;
	v33 =	vmul.f32 v33, v7  }
0x19e: {  	v51 =	vld.idx.msk [tilespmem:v51+s16+$0x0], $0xffff;
	v62 =	vmul.f32 v42, v5;
	v24 =	vsub.f32 v37, v24;
	v37 =	vor.u32 $0x5, v49  }
0x19f: {  	v54 =	vld.idx.msk [tilespmem:v54+s16+$0x0], $0xffff;
	v50 =	vadd.f32 v60, v50;
	v49 =	vor.u32 $0x7, v49;
	v16 =	vadd.f32 v59, v40  }
0x1a0: {  	v60 =	vmul.f32 v42, v14;
	v39 =	vadd.f32 v63, v39;
	v45 =	vld.idx.msk [tilespmem:v61+s16+$0x0], $0xffff;
	v61 =	vmul.f32 v53, v4  }
0x1a1: {  	v56 =	vld.idx.msk [tilespmem:v57+s16+$0x0], $0xffff;
	v25 =	vsub.f32 v25, v33;
	v33 =	vadd.f32 v62, v43;
	v63 =	vmul.f32 v53, v8  }
0x1a2: {  	s31 =	sand.u32 $0x70, s26;
	s29 =	sand.u32 $0x3000, s24;
	v40 =	vadd.f32 v60, v41;
	v59 =	vmul.f32 v53, v10;
	v55 =	vld.idx.msk [tilespmem:v58+s16+$0x0], $0xffff;
	v30 =	vadd.f32 v61, v30  }
0x1a3: {  	s28 =	sor.u32 s31, s29;
	v60 =	vmul.f32 v53, v7;
	v62 =	vmul.f32 v51, v4;
	v26 =	vadd.f32 v63, v26;
	v37 =	vld.idx.msk [tilespmem:v37+s16+$0x0], $0xffff  }
0x1a4: {  	v57 =	vmul.f32 v51, v8;
	v27 =	vadd.f32 v59, v27;
	v49 =	vld.idx.msk [tilespmem:v49+s16+$0x0], $0xffff;
	[tilespmem:s28+$0x9600] =	vst v30  }
0x1a5: {  	v58 =	vmul.f32 v51, v10;
	v53 =	vmul.f32 v54, v7;
	v38 =	vadd.f32 v60, v38;
	[tilespmem:s28+$0x9A00] =	vst v26  }
0x1a6: {  	v61 =	vmul.f32 v42, v15;
	v63 =	vmul.f32 v42, v7;
	v29 =	vadd.f32 v62, v29;
	[tilespmem:s28+$0x9E00] =	vst v27  }
0x1a7: {  	v60 =	vmul.f32 v51, v7;
	v42 =	vmul.f32 v56, v10;
	v59 =	vadd.f32 v57, v34;
	[tilespmem:s28+$0xA200] =	vst v38  }
0x1a8: {  	v31 =	vadd.f32 v58, v31;
	v62 =	vmul.f32 v54, v4;
	v24 =	vadd.f32 v53, v24;
	[tilespmem:s28+$0x9680] =	vst v29  }
0x1a9: {  	v58 =	vmul.f32 v47, v7;
	v26 =	vadd.f32 v61, v44;
	v27 =	vsub.f32 v28, v63;
	[tilespmem:s28+$0x9A80] =	vst v59  }
0x1aa: {  	v61 =	vmul.f32 v47, v14;
	v30 =	vadd.f32 v60, v48;
	v44 =	vmul.f32 v54, v8;
	[tilespmem:s28+$0x9E80] =	vst v31  }
0x1ab: {  	v63 =	vmul.f32 v47, v5;
	v48 =	vmul.f32 v54, v10;
	v32 =	vadd.f32 v62, v32;
	[tilespmem:s28+$0xA300] =	vst v24  }
0x1ac: {  	v54 =	vmul.f32 v47, v15;
	v38 =	vmul.f32 v52, v5;
	v51 =	vadd.f32 v44, v35;
	[tilespmem:s28+$0xA280] =	vst v30  }
0x1ad: {  	v5 =	vmul.f32 v18, v5;
	v57 =	vmul.f32 v45, v4;
	v34 =	vadd.f32 v48, v50;
	[tilespmem:s28+$0x9700] =	vst v32  }
0x1ae: {  	v59 =	vmul.f32 v45, v8;
	v22 =	vsub.f32 v22, v58;
	v26 =	vadd.f32 v42, v26;
	[tilespmem:s28+$0x9B00] =	vst v51  }
0x1af: {  	v62 =	vmul.f32 v45, v7;
	v28 =	vadd.f32 v61, v46;
	v60 =	vadd.f32 v57, v36;
	[tilespmem:s28+$0x9F00] =	vst v34  }
0x1b0: {  	v23 =	vadd.f32 v63, v23;
	v61 =	vmul.f32 v45, v10;
	v31 =	vadd.f32 v59, v39;
	[tilespmem:s28+$0xA000] =	vst v26  }
0x1b1: {  	v21 =	vadd.f32 v54, v21;
	v45 =	vmul.f32 v56, v7;
	v25 =	vadd.f32 v62, v25;
	[tilespmem:s28+$0x9780] =	vst v60  }
0x1b2: {  	v63 =	vmul.f32 v52, v14;
	v36 =	vmul.f32 v56, v4;
	v16 =	vadd.f32 v61, v16;
	[tilespmem:s28+$0x9B80] =	vst v31  }
0x1b3: {  	v43 =	vadd.f32 v38, v19;
	v39 =	vmul.f32 v56, v8;
	v27 =	vadd.f32 v45, v27;
	[tilespmem:s28+$0xA380] =	vst v25  }
0x1b4: {  	v46 =	vmul.f32 v52, v15;
	v57 =	vmul.f32 v55, v8;
	v41 =	vadd.f32 v36, v40;
	[tilespmem:s28+$0x9F80] =	vst v16  }
0x1b5: {  	v48 =	vmul.f32 v52, v7;
	v47 =	vmul.f32 v37, v4;
	v44 =	vadd.f32 v39, v33;
	[tilespmem:s28+$0xA400] =	vst v27  }
0x1b6: {  	v14 =	vmul.f32 v18, v14;
	v50 =	vmul.f32 v37, v8;
	v60 =	vadd.f32 v57, v43;
	[tilespmem:s28+$0x9800] =	vst v41  }
0x1b7: {  	v54 =	vmul.f32 v55, v4;
	v52 =	vmul.f32 v37, v10;
	v51 =	vadd.f32 v47, v28;
	[tilespmem:s28+$0x9C00] =	vst v44  }
0x1b8: {  	v5 =	vadd.f32 v5, v11;
	v53 =	vmul.f32 v37, v7;
	v23 =	vadd.f32 v50, v23;
	[tilespmem:s28+$0x9D00] =	vst v60  }
0x1b9: {  	v15 =	vmul.f32 v18, v15;
	v20 =	vadd.f32 v63, v20;
	v21 =	vadd.f32 v52, v21;
	[tilespmem:s28+$0x9880] =	vst v51  }
0x1ba: {  	v59 =	vmul.f32 v55, v10;
	v17 =	vadd.f32 v46, v17;
	v56 =	vadd.f32 v53, v22;
	[tilespmem:s28+$0x9C80] =	vst v23  }
0x1bb: {  	v13 =	vsub.f32 v13, v48;
	v61 =	vmul.f32 v55, v7;
	v58 =	vadd.f32 v54, v20;
	[tilespmem:s28+$0xA080] =	vst v21  }
0x1bc: {  	v12 =	vadd.f32 v14, v12;
	v4 =	vmul.f32 v49, v4;
	v17 =	vadd.f32 v59, v17;
	[tilespmem:s28+$0xA480] =	vst v56  }
0x1bd: {  	v62 =	vmul.f32 v18, v7;
	v8 =	vmul.f32 v49, v8;
	v13 =	vadd.f32 v61, v13;
	[tilespmem:s28+$0x9900] =	vst v58  }
0x1be: {  	p0 =	sne.s32 s26, $0x1F0;
	v9 =	vadd.f32 v15, v9;
	v10 =	vmul.f32 v49, v10;
	v4 =	vadd.f32 v4, v12;
	[tilespmem:s28+$0xA100] =	vst v17  }
.Ltmp1:
0x1bf: {  	v7 =	vmul.f32 v49, v7;
	v6 =	vsub.f32 v6, v62;
	v5 =	vadd.f32 v8, v5;
	[tilespmem:s28+$0xA500] =	vst v13;
	(pc) =	sbr.rel @p0 .LBB2_5-.Ltmp1, $4  }
0x1c0: {  	v63 =	vadd.f32 v10, v9;
	[tilespmem:s28+$0x9980] =	vst v4  }
0x1c1: {  	v4 =	vadd.f32 v7, v6;
	[tilespmem:s28+$0x9D80] =	vst v5  }
0x1c2: {  	[tilespmem:s28+$0xA180] =	vst v63  }
0x1c3: {  	s25 =	sadd.s32 $0x10, s25;
	s26 =	sadd.s32 $0x10, s26;
	s24 =	sadd.s32 $0x200, s24;
	[tilespmem:s28+$0xA580] =	vst v4  }
0x1c4: {  	s23 =	sshll.u32 s23, $0xB  }
0x1c5: {  	s23 =	sadd.s32 s7, s23  }
0x1c6: {  	[hbm4b:s23+s3] =	stream.linear.scatter [tilespmem:s18], [sflag:$0x2], $0x4000, $0x38;
	[tilespmem:$0xD800] =	vst v63  }
0x1c7: {  	s21 =	sadd.s32 $0x1, s21;
	_ =	swait.ge [sflag:s11], $0x4000  }
0x1c8: {  	p0 =	sne.s32 s21, $0x3E;
	[sflag:s11] =	ssyncset.done $0x0  }
.Ltmp2:
0x1c9: {  	s22 =	sadd.s32 s8, s22;
	[sflag:s11] =	ssyncadd.s32 $0xFFFFC000;
	(pc) =	sbr.rel @p0 .LBB2_2-.Ltmp2, $4  }
0x1ca: {  	[hbm4b:s22+s3] =	stream.linear.scatter [tilespmem:s19], [sflag:$0x2], $0x200, $0x38;
	[tilespmem:$0xD800] =	vst v63  }
0x1cb: {  	_ =	swait.ge [sflag:s11], $0x200  }
0x1cc: {  	[sflag:s11] =	ssyncset.done $0x0  }
0x1cd: {  	[sflag:s11] =	ssyncadd.s32 $0xFFFFFE00  }
0x1ce: {  	s20 =	sadd.s32 $0x1, s20  }
0x1cf: {  	p0 =	sne.s32 s20, s10  }
.Ltmp3:
0x1d0: {  	_ = 	snop;
	(pc) =	sbr.rel @p0 .LBB2_1-.Ltmp3, $1  }
0x1d1: {  	_ =	sdelay $0x3  }
0x1d2: {  	_ =	sfence.sel $0x180000  }
0x1d3: {  	[bflag:$0x0] =	sbarrier.arrive $0xFFFF  }
0x1d4: {  	p0 =	sne.s32 s4, $0x0;
	_ =	strace $0x9000004A  }
0x1d5: {  	s0 =	sadd.s32 @!p0 $0x100000, s0;
	[bflag:$0x2] =	sbarrier.arrive $0xFFFF  }
0x1d6: {  	[sflag:s0] =	ssyncadd.tile.s32 @!p0 $0x1;
	_ =	shalt  }
.Lfunc_end2:
_tile_overlayer_lowered:
.L_overlay_start_2:
0x1d7: {  	(tag) =	ssettag $0x2  }
0x1d8: {  	s0 =	rddreg [dreg:$0x0];
	s2 =	stileid.u32  }
0x1d9: {  	s1 =	rddreg [dreg:$0x1];
	p0 =	sne.s32 s2, $0x0  }
0x1da: {  	s3 =	rddreg [dreg:$0x2];
	[bflag:$0x3] =	sbarrier.arrive $0xFFFF;
	s2 =	simm.s32 @!p0 $0x1C02  }
0x1db: {  	[timem:s3], [sflag:s2] =	dma.local @!p0 [hbm:s0], s1  }
0x1dc: {  	s0 =	simm.s32 @!p0 $0x2  }
0x1dd: {  	_ =	swait.ge @!p0 [sflag:s0], s1  }
0x1de: {  	s1 =	ssub.s32 @!p0 $0x0, s1;
	[sflag:s0] =	ssyncset.done @!p0 $0x0  }
0x1df: {  	[sflag:s0] =	ssyncadd.s32 @!p0 s1  }
0x1e0: {  	[bflag:$0x3] =	sbarrier.arrive $0xFFFF  }
0x1e1: {  	_ =	shalt  }

</sc_bundles>
